<compile_context>
chip_gen: v7x
topology: tpu7x:2x2x1
jax: 0.10.2.dev20260603
libtpu: 0.0.44.dev20260713+nightly
codegen_flags: <defaults>
</compile_context>

<pallas_src>
import functools

import jax
import jax.numpy as jnp
from jax import lax
from jax.experimental import pallas as pl
from jax.experimental.pallas import tpu as pltpu
from jax.experimental.pallas import tpu_sc as plsc

N, E, D = 10000, 320000, 128
NC, NS = 2, 16
NW = NC * NS
CH = 128
NCHUNKS = E // CH
ITERS = (NCHUNKS + NW - 1) // NW
ITERS2 = (NCHUNKS + NS - 1) // NS
HD = D // NC
ROWS_PER_TILE = 632
ROWS_LAST = N - (NS - 1) * ROWS_PER_TILE
TAIL_MOST = ROWS_PER_TILE - 4 * CH
TAIL_LAST = ROWS_LAST - 4 * CH

_MESH = dict(core_axis_name="c", subcore_axis_name="s")


def _stage_slabs(sid, rbase, copy_fn):
    for k in range(4):
        copy_fn(rbase + k * CH, CH)

    @pl.when(sid < NS - 1)
    def _():
        copy_fn(rbase + 4 * CH, TAIL_MOST)

    @pl.when(sid == NS - 1)
    def _():
        copy_fn(rbase + 4 * CH, TAIL_LAST)


def _gather_body(row_hbm, col_hbm, x_hbm, zc_hbm, ones_hbm,
                 src_out, dst_out, cnt_out,
                 idx_v, rows_v, zc_v, ones_v, cnt_sh, sem):
    cid = lax.axis_index("c")
    sid = lax.axis_index("s")
    wid = sid * NC + cid
    rbase = sid * ROWS_PER_TILE

    pltpu.sync_copy(zc_hbm, zc_v)
    pltpu.sync_copy(ones_hbm, ones_v)

    def zero_chunk(soff, nr):
        pltpu.sync_copy(zc_v.at[pl.ds(0, nr)], cnt_sh.at[pl.ds(soff, nr)])

    _stage_slabs(sid, rbase, zero_chunk)
    plsc.subcore_barrier()

    def body(i, carry):
        c = wid + i * NW

        @pl.when(c < NCHUNKS)
        def _():
            base = c * CH
            pltpu.sync_copy(row_hbm.at[pl.ds(base, CH)], idx_v)
            pltpu.async_copy(x_hbm.at[idx_v], rows_v, sem).wait()
            pltpu.sync_copy(rows_v, src_out.at[pl.ds(base, CH)])
            pltpu.sync_copy(col_hbm.at[pl.ds(base, CH)], idx_v)
            pltpu.async_copy(x_hbm.at[idx_v], rows_v, sem).wait()
            pltpu.sync_copy(rows_v, dst_out.at[pl.ds(base, CH)])
            pltpu.sync_copy(ones_v, cnt_sh.at[idx_v], add=True)

        return carry

    lax.fori_loop(0, ITERS, body, 0)
    plsc.subcore_barrier()

    def write_chunk(soff, nr):
        pltpu.sync_copy(cnt_sh.at[pl.ds(soff, nr)], zc_v.at[pl.ds(0, nr)])
        pltpu.sync_copy(zc_v.at[pl.ds(0, nr)],
                        cnt_out.at[pl.ds(cid * N + soff, nr)])

    _stage_slabs(sid, rbase, write_chunk)


_gather = functools.partial(
    pl.kernel,
    out_type=[
        jax.ShapeDtypeStruct((E, D), jnp.float32),
        jax.ShapeDtypeStruct((E, D), jnp.float32),
        jax.ShapeDtypeStruct((NC * N, 16), jnp.float32),
    ],
    mesh=plsc.VectorSubcoreMesh(**_MESH),
    scratch_types=[
        pltpu.VMEM((CH,), jnp.int32),
        pltpu.VMEM((CH, D), jnp.float32),
        pltpu.VMEM((CH, 16), jnp.float32),
        pltpu.VMEM((CH, 16), jnp.float32),
        pltpu.VMEM_SHARED((N, 16), jnp.float32),
        pltpu.SemaphoreType.DMA,
    ],
)(_gather_body)


def _scatter_body(col_hbm, mlo_hbm, mhi_hbm, zrows_hbm,
                  slo_out, shi_out, idx_v, msg_v, buf_v, acc_sh, sem):
    cid = lax.axis_index("c")
    sid = lax.axis_index("s")
    rbase = sid * ROWS_PER_TILE

    pltpu.sync_copy(zrows_hbm, buf_v)

    def zero_chunk(soff, nr):
        pltpu.sync_copy(buf_v.at[pl.ds(0, nr)], acc_sh.at[pl.ds(soff, nr)])

    _stage_slabs(sid, rbase, zero_chunk)
    plsc.subcore_barrier()

    def body(i, carry):
        c = sid + i * NS

        @pl.when(c < NCHUNKS)
        def _():
            base = c * CH
            pltpu.sync_copy(col_hbm.at[pl.ds(base, CH)], idx_v)

            @pl.when(cid == 0)
            def _():
                pltpu.async_copy(mlo_hbm.at[pl.ds(base, CH)], msg_v, sem).wait()

            @pl.when(cid == 1)
            def _():
                pltpu.async_copy(mhi_hbm.at[pl.ds(base, CH)], msg_v, sem).wait()

            pltpu.sync_copy(msg_v, acc_sh.at[idx_v], add=True)

        return carry

    lax.fori_loop(0, ITERS2, body, 0)
    plsc.subcore_barrier()

    def write_chunk(soff, nr):
        pltpu.sync_copy(acc_sh.at[pl.ds(soff, nr)], buf_v.at[pl.ds(0, nr)])

        @pl.when(cid == 0)
        def _():
            pltpu.sync_copy(buf_v.at[pl.ds(0, nr)], slo_out.at[pl.ds(soff, nr)])

        @pl.when(cid == 1)
        def _():
            pltpu.sync_copy(buf_v.at[pl.ds(0, nr)], shi_out.at[pl.ds(soff, nr)])

    _stage_slabs(sid, rbase, write_chunk)


_scatter = functools.partial(
    pl.kernel,
    out_type=[
        jax.ShapeDtypeStruct((N, HD), jnp.float32),
        jax.ShapeDtypeStruct((N, HD), jnp.float32),
    ],
    mesh=plsc.VectorSubcoreMesh(**_MESH),
    scratch_types=[
        pltpu.VMEM((CH,), jnp.int32),
        pltpu.VMEM((CH, HD), jnp.float32),
        pltpu.VMEM((CH, HD), jnp.float32),
        pltpu.VMEM_SHARED((N, HD), jnp.float32),
        pltpu.SemaphoreType.DMA,
    ],
)(_scatter_body)


TE = 2560


def _edge_mlp_body(src, dst, ea, a1, a2, a3, b1e, w2e, b2e,
                   bb1, bb2, b1n, w2n, b2n, ean_out, mlo_out, mhi_out):
    f32 = jnp.float32
    eh = jnp.dot(src[...], a1[...], preferred_element_type=f32)
    eh += jnp.dot(dst[...], a2[...], preferred_element_type=f32)
    eh += jnp.dot(ea[...], a3[...], preferred_element_type=f32)
    eh = jnp.maximum(eh + b1e[...], 0.0)
    ean = jnp.dot(eh, w2e[...], preferred_element_type=f32) + b2e[...]
    ean_out[...] = ean
    nh = jnp.dot(src[...], bb1[...], preferred_element_type=f32)
    nh += jnp.dot(ean, bb2[...], preferred_element_type=f32)
    nh = jnp.maximum(nh + b1n[...], 0.0)
    msg = jnp.dot(nh, w2n[...], preferred_element_type=f32) + b2n[...]
    mlo_out[...] = msg[:, :HD]
    mhi_out[...] = msg[:, HD:]


def _edge_mlp(src, dst, ea, a1, a2, a3, b1e, w2e, b2e, bb1, bb2, b1n, w2n, b2n):
    eblk = pl.BlockSpec((TE, D), lambda i: (i, 0))
    hblk = pl.BlockSpec((TE, HD), lambda i: (i, 0))
    wblk = pl.BlockSpec((D, D), lambda i: (0, 0))
    bblk = pl.BlockSpec((1, D), lambda i: (0, 0))
    return pl.pallas_call(
        _edge_mlp_body,
        grid=(E // TE,),
        in_specs=[eblk, eblk, eblk, wblk, wblk, wblk, bblk, wblk, bblk,
                  wblk, wblk, bblk, wblk, bblk],
        out_specs=[eblk, hblk, hblk],
        out_shape=[
            jax.ShapeDtypeStruct((E, D), jnp.float32),
            jax.ShapeDtypeStruct((E, HD), jnp.float32),
            jax.ShapeDtypeStruct((E, HD), jnp.float32),
        ],
    )(src, dst, ea, a1, a2, a3, b1e, w2e, b2e, bb1, bb2, b1n, w2n, b2n)


TN = 2000


def _node_mlp_body(x, slo, shi, cnt0, cnt1, c1, c2a, c2b, b3n, w4n, b4n, out):
    f32 = jnp.float32
    counts = cnt0[...][:, :1] + cnt1[...][:, :1]
    inv = 1.0 / jnp.maximum(counts, 1.0)
    h2 = jnp.dot(x[...], c1[...], preferred_element_type=f32)
    h2 += jnp.dot(slo[...] * inv, c2a[...], preferred_element_type=f32)
    h2 += jnp.dot(shi[...] * inv, c2b[...], preferred_element_type=f32)
    h2 = jnp.maximum(h2 + b3n[...], 0.0)
    out[...] = jnp.dot(h2, w4n[...], preferred_element_type=f32) + b4n[...]


def _node_mlp(x, slo, shi, cnt0, cnt1, c1, c2a, c2b, b3n, w4n, b4n):
    nblk = pl.BlockSpec((TN, D), lambda i: (i, 0))
    hblk = pl.BlockSpec((TN, HD), lambda i: (i, 0))
    cblk = pl.BlockSpec((TN, 16), lambda i: (i, 0))
    wblk = pl.BlockSpec((D, D), lambda i: (0, 0))
    hwblk = pl.BlockSpec((HD, D), lambda i: (0, 0))
    bblk = pl.BlockSpec((1, D), lambda i: (0, 0))
    return pl.pallas_call(
        _node_mlp_body,
        grid=(N // TN,),
        in_specs=[nblk, hblk, hblk, cblk, cblk, wblk, hwblk, hwblk, bblk,
                  wblk, bblk],
        out_specs=nblk,
        out_shape=jax.ShapeDtypeStruct((N, D), jnp.float32),
    )(x, slo, shi, cnt0, cnt1, c1, c2a, c2b, b3n, w4n, b4n)


def kernel(x, edge_index, edge_attr, u, batch,
           W1e, b1e, W2e, b2e, W1n, b1n, W2n, b2n, W3n, b3n, W4n, b4n):
    del u, batch
    row = edge_index[0]
    col = edge_index[1]

    zc = jnp.zeros((CH, 16), jnp.float32)
    onesr = jnp.ones((CH, 16), jnp.float32)
    src, dst, cnt = _gather(row, col, x, zc, onesr)

    a1, a2, a3 = W1e[:D], W1e[D:2 * D], W1e[2 * D:]
    bb1, bb2 = W1n[:D], W1n[D:]
    ean, mlo, mhi = _edge_mlp(
        src, dst, edge_attr, a1, a2, a3, b1e.reshape(1, D), W2e,
        b2e.reshape(1, D), bb1, bb2, b1n.reshape(1, D), W2n,
        b2n.reshape(1, D))

    zrows = jnp.zeros((CH, HD), jnp.float32)
    slo, shi = _scatter(col, mlo, mhi, zrows)

    c1, c2a, c2b = W3n[:D], W3n[D:D + HD], W3n[D + HD:]
    x_new = _node_mlp(x, slo, shi, cnt[:N], cnt[N:], c1, c2a, c2b,
                      b3n.reshape(1, D), W4n, b4n.reshape(1, D))
    return (x_new, ean)

# --- scband reference (transcript-rebuilt; emitter-appended) ---
"""Pipeline reference for scband-graph-vqaencoder-22376779612492 (READ-ONLY COPY).

The authoritative reference and input builder live on the scoring server;
editing this copy changes nothing except your own understanding.
"""

import jax, jax.numpy as jnp
import numpy as np

N, E, D = 10000, 320000, 128

def setup_inputs(seed: int = 0) -> dict:
    key = jax.random.key(seed)
    ks = jax.random.split(key, 20)
    x = jax.random.normal(ks[0], (N, D), dtype=jnp.float32)
    edge_index = jax.random.randint(ks[1], (2, E), 0, N, dtype=jnp.int32)
    edge_attr = jax.random.normal(ks[2], (E, D), dtype=jnp.float32)
    u = jax.random.normal(ks[3], (1, D), dtype=jnp.float32)
    batch = jnp.zeros((N,), dtype=jnp.int32)
    s = 0.05
    # EdgeModel edge_mlp: Lin(3D->D), ReLU, Lin(D->D)
    W1e = jax.random.normal(ks[4], (3 * D, D), dtype=jnp.float32) * s
    b1e = jnp.zeros((D,), jnp.float32)
    W2e = jax.random.normal(ks[5], (D, D), dtype=jnp.float32) * s
    b2e = jnp.zeros((D,), jnp.float32)
    # NodeModel node_mlp_1: Lin(2D->D), ReLU, Lin(D->D)
    W1n = jax.random.normal(ks[6], (2 * D, D), dtype=jnp.float32) * s
    b1n = jnp.zeros((D,), jnp.float32)
    W2n = jax.random.normal(ks[7], (D, D), dtype=jnp.float32) * s
    b2n = jnp.zeros((D,), jnp.float32)
    # NodeModel node_mlp_2: Lin(2D->D), ReLU, Lin(D->D)
    W3n = jax.random.normal(ks[8], (2 * D, D), dtype=jnp.float32) * s
    b3n = jnp.zeros((D,), jnp.float32)
    W4n = jax.random.normal(ks[9], (D, D), dtype=jnp.float32) * s
    b4n = jnp.zeros((D,), jnp.float32)
    return {"x": x, "edge_index": edge_index, "edge_attr": edge_attr, "u": u, "batch": batch,
            "W1e": W1e, "b1e": b1e, "W2e": W2e, "b2e": b2e,
            "W1n": W1n, "b1n": b1n, "W2n": W2n, "b2n": b2n,
            "W3n": W3n, "b3n": b3n, "W4n": W4n, "b4n": b4n}


def reference(x, edge_index, edge_attr, u, batch,
              W1e, b1e, W2e, b2e, W1n, b1n, W2n, b2n, W3n, b3n, W4n, b4n):
    row = edge_index[0]
    col = edge_index[1]
    # EdgeModel: edge_mlp(cat([src, dest, edge_attr], 1))
    src = jnp.take(x, row, axis=0)
    dest = jnp.take(x, col, axis=0)
    e_in = jnp.concatenate([src, dest, edge_attr], axis=1)
    e_h = jnp.maximum(e_in @ W1e + b1e, 0.0)
    edge_attr_new = e_h @ W2e + b2e
    # NodeModel: mlp1(cat([x[row], edge_attr], 1)), scatter_mean by col, mlp2(cat([x, agg], 1))
    n_in = jnp.concatenate([jnp.take(x, row, axis=0), edge_attr_new], axis=1)
    n_h = jnp.maximum(n_in @ W1n + b1n, 0.0)
    msg = n_h @ W2n + b2n
    n_nodes = x.shape[0]
    summed = jax.ops.segment_sum(msg, col, num_segments=n_nodes)
    counts = jax.ops.segment_sum(jnp.ones((msg.shape[0], 1), dtype=x.dtype), col, num_segments=n_nodes)
    agg = summed / jnp.maximum(counts, 1.0)
    h = jnp.concatenate([x, agg], axis=1)
    h2 = jnp.maximum(h @ W3n + b3n, 0.0)
    x_new = h2 @ W4n + b4n
    return (x_new, edge_attr_new)

if __name__ == "__main__":
    import jax
    _d = setup_inputs()
    print(jax.jit(kernel)(*tuple(_d.values())))

</pallas_src>

<mosaic_0001>
#map = affine_map<(d0, d1) -> (0)>
#map1 = affine_map<(d0, d1) -> (0, 0)>
module attributes {stable_mosaic.version = 14 : i64} {
  func.func @_scatter_body(%arg0: i32, %arg1: i32, %arg2: memref<320000xi32, #tpu.memory_space<hbm>>, %arg3: memref<320000x64xf32, #tpu.memory_space<hbm>>, %arg4: memref<320000x64xf32, #tpu.memory_space<hbm>>, %arg5: memref<128x64xf32, #tpu.memory_space<hbm>>, %arg6: memref<10000x64xf32, #tpu.memory_space<hbm>>, %arg7: memref<10000x64xf32, #tpu.memory_space<hbm>>, %arg8: memref<128xi32, #tpu.memory_space<vmem>>, %arg9: memref<128x64xf32, #tpu.memory_space<vmem>>, %arg10: memref<128x64xf32, #tpu.memory_space<vmem>>, %arg11: memref<10000x64xf32, #tpu.memory_space<vmem_shared>>, %arg12: memref<!tpu.dma_semaphore, #tpu.memory_space<semaphore_mem>>) attributes {dimension_semantics = [#tpu.dimension_semantics<core_parallel>, #tpu.dimension_semantics<subcore_parallel>], iteration_bounds = array<i64: 2, 16>, scalar_prefetch = 0 : i64, scratch_operands = 5 : i64, tpu.core_type = #tpu.core_type<sc_vector_subcore>, window_params = [{transform_indices = #map}, {transform_indices = #map1}, {transform_indices = #map1}, {transform_indices = #map1}, {transform_indices = #map1}, {transform_indices = #map1}]} {
    %mul3A = arith.constant 632 : i32
    %mul3A_0 = arith.muli %arg1, %mul3A : i32
    "tpu.region"() ({
      %run_scoped3A = tpu.sem_alloc : memref<!tpu.dma_semaphore, #tpu.memory_space<semaphore_mem>>
      tpu.enqueue_dma source(%arg5 : memref<128x64xf32, #tpu.memory_space<hbm>>) target(%arg10 : memref<128x64xf32, #tpu.memory_space<vmem>>) target_semaphore(%run_scoped3A : memref<!tpu.dma_semaphore, #tpu.memory_space<semaphore_mem>>)
      tpu.wait_dma2 semaphore(%run_scoped3A : memref<!tpu.dma_semaphore, #tpu.memory_space<semaphore_mem>>) src(%arg5 : memref<128x64xf32, #tpu.memory_space<hbm>>) dst(%arg10 : memref<128x64xf32, #tpu.memory_space<vmem>>)
      tpu.yield
    }) : () -> ()
    %add3A = arith.constant 0 : i32
    %add3A_1 = arith.addi %mul3A_0, %add3A : i32
    "tpu.region"() ({
      %run_scoped3A = tpu.sem_alloc : memref<!tpu.dma_semaphore, #tpu.memory_space<semaphore_mem>>
      %dma_start3A = arith.constant 0 : i32
      %dma_start3A_78 = arith.constant 0 : i32
      %dma_start3A_79 = tpu.memref_slice %arg10[%dma_start3A, %dma_start3A_78] : memref<128x64xf32, #tpu.memory_space<vmem>> -> memref<128x64xf32, #tpu.memory_space<vmem>>
      %dma_start3A_80 = arith.constant 0 : i32
      %dma_start3A_81 = tpu.memref_slice %arg11[%add3A_1, %dma_start3A_80] : memref<10000x64xf32, #tpu.memory_space<vmem_shared>> -> memref<128x64xf32, #tpu.memory_space<vmem_shared>>
      %dma_start3A_82 = arith.constant 0 : i32
      %dma_start3A_83 = tpu.memref_slice %arg11[%add3A_1, %dma_start3A_82] : memref<10000x64xf32, #tpu.memory_space<vmem_shared>> -> memref<128x64xf32, #tpu.memory_space<vmem_shared>>
      %dma_start3A_84 = arith.constant 0 : i32
      %dma_start3A_85 = arith.constant 0 : i32
      %dma_start3A_86 = tpu.memref_slice %arg10[%dma_start3A_84, %dma_start3A_85] : memref<128x64xf32, #tpu.memory_space<vmem>> -> memref<128x64xf32, #tpu.memory_space<vmem>>
      tpu.enqueue_dma source(%dma_start3A_86 : memref<128x64xf32, #tpu.memory_space<vmem>>) target(%dma_start3A_83 : memref<128x64xf32, #tpu.memory_space<vmem_shared>>) target_semaphore(%run_scoped3A : memref<!tpu.dma_semaphore, #tpu.memory_space<semaphore_mem>>)
      %dma_wait3A = arith.constant 0 : i32
      %dma_wait3A_87 = arith.constant 0 : i32
      %dma_wait3A_88 = tpu.memref_slice %arg10[%dma_wait3A, %dma_wait3A_87] : memref<128x64xf32, #tpu.memory_space<vmem>> -> memref<128x64xf32, #tpu.memory_space<vmem>>
      %dma_wait3A_89 = arith.constant 0 : i32
      %dma_wait3A_90 = tpu.memref_slice %arg11[%add3A_1, %dma_wait3A_89] : memref<10000x64xf32, #tpu.memory_space<vmem_shared>> -> memref<128x64xf32, #tpu.memory_space<vmem_shared>>
      %dma_wait3A_91 = arith.constant 0 : i32
      %dma_wait3A_92 = tpu.memref_slice %arg11[%add3A_1, %dma_wait3A_91] : memref<10000x64xf32, #tpu.memory_space<vmem_shared>> -> memref<128x64xf32, #tpu.memory_space<vmem_shared>>
      %dma_wait3A_93 = arith.constant 0 : i32
      %dma_wait3A_94 = arith.constant 0 : i32
      %dma_wait3A_95 = tpu.memref_slice %arg10[%dma_wait3A_93, %dma_wait3A_94] : memref<128x64xf32, #tpu.memory_space<vmem>> -> memref<128x64xf32, #tpu.memory_space<vmem>>
      tpu.wait_dma2 semaphore(%run_scoped3A : memref<!tpu.dma_semaphore, #tpu.memory_space<semaphore_mem>>) src(%dma_wait3A_95 : memref<128x64xf32, #tpu.memory_space<vmem>>) dst(%dma_wait3A_92 : memref<128x64xf32, #tpu.memory_space<vmem_shared>>)
      tpu.yield
    }) : () -> ()
    %add3A_2 = arith.constant 128 : i32
    %add3A_3 = arith.addi %mul3A_0, %add3A_2 : i32
    "tpu.region"() ({
      %run_scoped3A = tpu.sem_alloc : memref<!tpu.dma_semaphore, #tpu.memory_space<semaphore_mem>>
      %dma_start3A = arith.constant 0 : i32
      %dma_start3A_78 = arith.constant 0 : i32
      %dma_start3A_79 = tpu.memref_slice %arg10[%dma_start3A, %dma_start3A_78] : memref<128x64xf32, #tpu.memory_space<vmem>> -> memref<128x64xf32, #tpu.memory_space<vmem>>
      %dma_start3A_80 = arith.constant 0 : i32
      %dma_start3A_81 = tpu.memref_slice %arg11[%add3A_3, %dma_start3A_80] : memref<10000x64xf32, #tpu.memory_space<vmem_shared>> -> memref<128x64xf32, #tpu.memory_space<vmem_shared>>
      %dma_start3A_82 = arith.constant 0 : i32
      %dma_start3A_83 = tpu.memref_slice %arg11[%add3A_3, %dma_start3A_82] : memref<10000x64xf32, #tpu.memory_space<vmem_shared>> -> memref<128x64xf32, #tpu.memory_space<vmem_shared>>
      %dma_start3A_84 = arith.constant 0 : i32
      %dma_start3A_85 = arith.constant 0 : i32
      %dma_start3A_86 = tpu.memref_slice %arg10[%dma_start3A_84, %dma_start3A_85] : memref<128x64xf32, #tpu.memory_space<vmem>> -> memref<128x64xf32, #tpu.memory_space<vmem>>
      tpu.enqueue_dma source(%dma_start3A_86 : memref<128x64xf32, #tpu.memory_space<vmem>>) target(%dma_start3A_83 : memref<128x64xf32, #tpu.memory_space<vmem_shared>>) target_semaphore(%run_scoped3A : memref<!tpu.dma_semaphore, #tpu.memory_space<semaphore_mem>>)
      %dma_wait3A = arith.constant 0 : i32
      %dma_wait3A_87 = arith.constant 0 : i32
      %dma_wait3A_88 = tpu.memref_slice %arg10[%dma_wait3A, %dma_wait3A_87] : memref<128x64xf32, #tpu.memory_space<vmem>> -> memref<128x64xf32, #tpu.memory_space<vmem>>
      %dma_wait3A_89 = arith.constant 0 : i32
      %dma_wait3A_90 = tpu.memref_slice %arg11[%add3A_3, %dma_wait3A_89] : memref<10000x64xf32, #tpu.memory_space<vmem_shared>> -> memref<128x64xf32, #tpu.memory_space<vmem_shared>>
      %dma_wait3A_91 = arith.constant 0 : i32
      %dma_wait3A_92 = tpu.memref_slice %arg11[%add3A_3, %dma_wait3A_91] : memref<10000x64xf32, #tpu.memory_space<vmem_shared>> -> memref<128x64xf32, #tpu.memory_space<vmem_shared>>
      %dma_wait3A_93 = arith.constant 0 : i32
      %dma_wait3A_94 = arith.constant 0 : i32
      %dma_wait3A_95 = tpu.memref_slice %arg10[%dma_wait3A_93, %dma_wait3A_94] : memref<128x64xf32, #tpu.memory_space<vmem>> -> memref<128x64xf32, #tpu.memory_space<vmem>>
      tpu.wait_dma2 semaphore(%run_scoped3A : memref<!tpu.dma_semaphore, #tpu.memory_space<semaphore_mem>>) src(%dma_wait3A_95 : memref<128x64xf32, #tpu.memory_space<vmem>>) dst(%dma_wait3A_92 : memref<128x64xf32, #tpu.memory_space<vmem_shared>>)
      tpu.yield
    }) : () -> ()
    %add3A_4 = arith.constant 256 : i32
    %add3A_5 = arith.addi %mul3A_0, %add3A_4 : i32
    "tpu.region"() ({
      %run_scoped3A = tpu.sem_alloc : memref<!tpu.dma_semaphore, #tpu.memory_space<semaphore_mem>>
      %dma_start3A = arith.constant 0 : i32
      %dma_start3A_78 = arith.constant 0 : i32
      %dma_start3A_79 = tpu.memref_slice %arg10[%dma_start3A, %dma_start3A_78] : memref<128x64xf32, #tpu.memory_space<vmem>> -> memref<128x64xf32, #tpu.memory_space<vmem>>
      %dma_start3A_80 = arith.constant 0 : i32
      %dma_start3A_81 = tpu.memref_slice %arg11[%add3A_5, %dma_start3A_80] : memref<10000x64xf32, #tpu.memory_space<vmem_shared>> -> memref<128x64xf32, #tpu.memory_space<vmem_shared>>
      %dma_start3A_82 = arith.constant 0 : i32
      %dma_start3A_83 = tpu.memref_slice %arg11[%add3A_5, %dma_start3A_82] : memref<10000x64xf32, #tpu.memory_space<vmem_shared>> -> memref<128x64xf32, #tpu.memory_space<vmem_shared>>
      %dma_start3A_84 = arith.constant 0 : i32
      %dma_start3A_85 = arith.constant 0 : i32
      %dma_start3A_86 = tpu.memref_slice %arg10[%dma_start3A_84, %dma_start3A_85] : memref<128x64xf32, #tpu.memory_space<vmem>> -> memref<128x64xf32, #tpu.memory_space<vmem>>
      tpu.enqueue_dma source(%dma_start3A_86 : memref<128x64xf32, #tpu.memory_space<vmem>>) target(%dma_start3A_83 : memref<128x64xf32, #tpu.memory_space<vmem_shared>>) target_semaphore(%run_scoped3A : memref<!tpu.dma_semaphore, #tpu.memory_space<semaphore_mem>>)
      %dma_wait3A = arith.constant 0 : i32
      %dma_wait3A_87 = arith.constant 0 : i32
      %dma_wait3A_88 = tpu.memref_slice %arg10[%dma_wait3A, %dma_wait3A_87] : memref<128x64xf32, #tpu.memory_space<vmem>> -> memref<128x64xf32, #tpu.memory_space<vmem>>
      %dma_wait3A_89 = arith.constant 0 : i32
      %dma_wait3A_90 = tpu.memref_slice %arg11[%add3A_5, %dma_wait3A_89] : memref<10000x64xf32, #tpu.memory_space<vmem_shared>> -> memref<128x64xf32, #tpu.memory_space<vmem_shared>>
      %dma_wait3A_91 = arith.constant 0 : i32
      %dma_wait3A_92 = tpu.memref_slice %arg11[%add3A_5, %dma_wait3A_91] : memref<10000x64xf32, #tpu.memory_space<vmem_shared>> -> memref<128x64xf32, #tpu.memory_space<vmem_shared>>
      %dma_wait3A_93 = arith.constant 0 : i32
      %dma_wait3A_94 = arith.constant 0 : i32
      %dma_wait3A_95 = tpu.memref_slice %arg10[%dma_wait3A_93, %dma_wait3A_94] : memref<128x64xf32, #tpu.memory_space<vmem>> -> memref<128x64xf32, #tpu.memory_space<vmem>>
      tpu.wait_dma2 semaphore(%run_scoped3A : memref<!tpu.dma_semaphore, #tpu.memory_space<semaphore_mem>>) src(%dma_wait3A_95 : memref<128x64xf32, #tpu.memory_space<vmem>>) dst(%dma_wait3A_92 : memref<128x64xf32, #tpu.memory_space<vmem_shared>>)
      tpu.yield
    }) : () -> ()
    %add3A_6 = arith.constant 384 : i32
    %add3A_7 = arith.addi %mul3A_0, %add3A_6 : i32
    "tpu.region"() ({
      %run_scoped3A = tpu.sem_alloc : memref<!tpu.dma_semaphore, #tpu.memory_space<semaphore_mem>>
      %dma_start3A = arith.constant 0 : i32
      %dma_start3A_78 = arith.constant 0 : i32
      %dma_start3A_79 = tpu.memref_slice %arg10[%dma_start3A, %dma_start3A_78] : memref<128x64xf32, #tpu.memory_space<vmem>> -> memref<128x64xf32, #tpu.memory_space<vmem>>
      %dma_start3A_80 = arith.constant 0 : i32
      %dma_start3A_81 = tpu.memref_slice %arg11[%add3A_7, %dma_start3A_80] : memref<10000x64xf32, #tpu.memory_space<vmem_shared>> -> memref<128x64xf32, #tpu.memory_space<vmem_shared>>
      %dma_start3A_82 = arith.constant 0 : i32
      %dma_start3A_83 = tpu.memref_slice %arg11[%add3A_7, %dma_start3A_82] : memref<10000x64xf32, #tpu.memory_space<vmem_shared>> -> memref<128x64xf32, #tpu.memory_space<vmem_shared>>
      %dma_start3A_84 = arith.constant 0 : i32
      %dma_start3A_85 = arith.constant 0 : i32
      %dma_start3A_86 = tpu.memref_slice %arg10[%dma_start3A_84, %dma_start3A_85] : memref<128x64xf32, #tpu.memory_space<vmem>> -> memref<128x64xf32, #tpu.memory_space<vmem>>
      tpu.enqueue_dma source(%dma_start3A_86 : memref<128x64xf32, #tpu.memory_space<vmem>>) target(%dma_start3A_83 : memref<128x64xf32, #tpu.memory_space<vmem_shared>>) target_semaphore(%run_scoped3A : memref<!tpu.dma_semaphore, #tpu.memory_space<semaphore_mem>>)
      %dma_wait3A = arith.constant 0 : i32
      %dma_wait3A_87 = arith.constant 0 : i32
      %dma_wait3A_88 = tpu.memref_slice %arg10[%dma_wait3A, %dma_wait3A_87] : memref<128x64xf32, #tpu.memory_space<vmem>> -> memref<128x64xf32, #tpu.memory_space<vmem>>
      %dma_wait3A_89 = arith.constant 0 : i32
      %dma_wait3A_90 = tpu.memref_slice %arg11[%add3A_7, %dma_wait3A_89] : memref<10000x64xf32, #tpu.memory_space<vmem_shared>> -> memref<128x64xf32, #tpu.memory_space<vmem_shared>>
      %dma_wait3A_91 = arith.constant 0 : i32
      %dma_wait3A_92 = tpu.memref_slice %arg11[%add3A_7, %dma_wait3A_91] : memref<10000x64xf32, #tpu.memory_space<vmem_shared>> -> memref<128x64xf32, #tpu.memory_space<vmem_shared>>
      %dma_wait3A_93 = arith.constant 0 : i32
      %dma_wait3A_94 = arith.constant 0 : i32
      %dma_wait3A_95 = tpu.memref_slice %arg10[%dma_wait3A_93, %dma_wait3A_94] : memref<128x64xf32, #tpu.memory_space<vmem>> -> memref<128x64xf32, #tpu.memory_space<vmem>>
      tpu.wait_dma2 semaphore(%run_scoped3A : memref<!tpu.dma_semaphore, #tpu.memory_space<semaphore_mem>>) src(%dma_wait3A_95 : memref<128x64xf32, #tpu.memory_space<vmem>>) dst(%dma_wait3A_92 : memref<128x64xf32, #tpu.memory_space<vmem_shared>>)
      tpu.yield
    }) : () -> ()
    %lt3A = arith.constant 15 : i32
    %lt3A_8 = arith.cmpi slt, %arg1, %lt3A : i32
    %convert_element_type3A = arith.extui %lt3A_8 : i1 to i32
    %cond3A = arith.constant 0 : i32
    %cond3A_9 = arith.cmpi ne, %convert_element_type3A, %cond3A : i32
    scf.if %cond3A_9 {
      %add3A_78 = arith.constant 512 : i32
      %add3A_79 = arith.addi %mul3A_0, %add3A_78 : i32
      "tpu.region"() ({
        %run_scoped3A = tpu.sem_alloc : memref<!tpu.dma_semaphore, #tpu.memory_space<semaphore_mem>>
        %dma_start3A = arith.constant 0 : i32
        %dma_start3A_80 = arith.constant 0 : i32
        %dma_start3A_81 = tpu.memref_slice %arg10[%dma_start3A, %dma_start3A_80] : memref<128x64xf32, #tpu.memory_space<vmem>> -> memref<120x64xf32, #tpu.memory_space<vmem>>
        %dma_start3A_82 = arith.constant 0 : i32
        %dma_start3A_83 = tpu.memref_slice %arg11[%add3A_79, %dma_start3A_82] : memref<10000x64xf32, #tpu.memory_space<vmem_shared>> -> memref<120x64xf32, #tpu.memory_space<vmem_shared>>
        %dma_start3A_84 = arith.constant 0 : i32
        %dma_start3A_85 = tpu.memref_slice %arg11[%add3A_79, %dma_start3A_84] : memref<10000x64xf32, #tpu.memory_space<vmem_shared>> -> memref<120x64xf32, #tpu.memory_space<vmem_shared>>
        %dma_start3A_86 = arith.constant 0 : i32
        %dma_start3A_87 = arith.constant 0 : i32
        %dma_start3A_88 = tpu.memref_slice %arg10[%dma_start3A_86, %dma_start3A_87] : memref<128x64xf32, #tpu.memory_space<vmem>> -> memref<120x64xf32, #tpu.memory_space<vmem>>
        tpu.enqueue_dma source(%dma_start3A_88 : memref<120x64xf32, #tpu.memory_space<vmem>>) target(%dma_start3A_85 : memref<120x64xf32, #tpu.memory_space<vmem_shared>>) target_semaphore(%run_scoped3A : memref<!tpu.dma_semaphore, #tpu.memory_space<semaphore_mem>>)
        %dma_wait3A = arith.constant 0 : i32
        %dma_wait3A_89 = arith.constant 0 : i32
        %dma_wait3A_90 = tpu.memref_slice %arg10[%dma_wait3A, %dma_wait3A_89] : memref<128x64xf32, #tpu.memory_space<vmem>> -> memref<120x64xf32, #tpu.memory_space<vmem>>
        %dma_wait3A_91 = arith.constant 0 : i32
        %dma_wait3A_92 = tpu.memref_slice %arg11[%add3A_79, %dma_wait3A_91] : memref<10000x64xf32, #tpu.memory_space<vmem_shared>> -> memref<120x64xf32, #tpu.memory_space<vmem_shared>>
        %dma_wait3A_93 = arith.constant 0 : i32
        %dma_wait3A_94 = tpu.memref_slice %arg11[%add3A_79, %dma_wait3A_93] : memref<10000x64xf32, #tpu.memory_space<vmem_shared>> -> memref<120x64xf32, #tpu.memory_space<vmem_shared>>
        %dma_wait3A_95 = arith.constant 0 : i32
        %dma_wait3A_96 = arith.constant 0 : i32
        %dma_wait3A_97 = tpu.memref_slice %arg10[%dma_wait3A_95, %dma_wait3A_96] : memref<128x64xf32, #tpu.memory_space<vmem>> -> memref<120x64xf32, #tpu.memory_space<vmem>>
        tpu.wait_dma2 semaphore(%run_scoped3A : memref<!tpu.dma_semaphore, #tpu.memory_space<semaphore_mem>>) src(%dma_wait3A_97 : memref<120x64xf32, #tpu.memory_space<vmem>>) dst(%dma_wait3A_94 : memref<120x64xf32, #tpu.memory_space<vmem_shared>>)
        tpu.yield
      }) : () -> ()
    } else {
    }
    %eq3A = arith.constant 15 : i32
    %eq3A_10 = arith.cmpi eq, %arg1, %eq3A : i32
    %convert_element_type3A_11 = arith.extui %eq3A_10 : i1 to i32
    %cond3A_12 = arith.constant 0 : i32
    %cond3A_13 = arith.cmpi ne, %convert_element_type3A_11, %cond3A_12 : i32
    scf.if %cond3A_13 {
      %add3A_78 = arith.constant 512 : i32
      %add3A_79 = arith.addi %mul3A_0, %add3A_78 : i32
      "tpu.region"() ({
        %run_scoped3A = tpu.sem_alloc : memref<!tpu.dma_semaphore, #tpu.memory_space<semaphore_mem>>
        %dma_start3A = arith.constant 0 : i32
        %dma_start3A_80 = arith.constant 0 : i32
        %dma_start3A_81 = tpu.memref_slice %arg10[%dma_start3A, %dma_start3A_80] : memref<128x64xf32, #tpu.memory_space<vmem>> -> memref<8x64xf32, #tpu.memory_space<vmem>>
        %dma_start3A_82 = arith.constant 0 : i32
        %dma_start3A_83 = tpu.memref_slice %arg11[%add3A_79, %dma_start3A_82] : memref<10000x64xf32, #tpu.memory_space<vmem_shared>> -> memref<8x64xf32, #tpu.memory_space<vmem_shared>>
        %dma_start3A_84 = arith.constant 0 : i32
        %dma_start3A_85 = tpu.memref_slice %arg11[%add3A_79, %dma_start3A_84] : memref<10000x64xf32, #tpu.memory_space<vmem_shared>> -> memref<8x64xf32, #tpu.memory_space<vmem_shared>>
        %dma_start3A_86 = arith.constant 0 : i32
        %dma_start3A_87 = arith.constant 0 : i32
        %dma_start3A_88 = tpu.memref_slice %arg10[%dma_start3A_86, %dma_start3A_87] : memref<128x64xf32, #tpu.memory_space<vmem>> -> memref<8x64xf32, #tpu.memory_space<vmem>>
        tpu.enqueue_dma source(%dma_start3A_88 : memref<8x64xf32, #tpu.memory_space<vmem>>) target(%dma_start3A_85 : memref<8x64xf32, #tpu.memory_space<vmem_shared>>) target_semaphore(%run_scoped3A : memref<!tpu.dma_semaphore, #tpu.memory_space<semaphore_mem>>)
        %dma_wait3A = arith.constant 0 : i32
        %dma_wait3A_89 = arith.constant 0 : i32
        %dma_wait3A_90 = tpu.memref_slice %arg10[%dma_wait3A, %dma_wait3A_89] : memref<128x64xf32, #tpu.memory_space<vmem>> -> memref<8x64xf32, #tpu.memory_space<vmem>>
        %dma_wait3A_91 = arith.constant 0 : i32
        %dma_wait3A_92 = tpu.memref_slice %arg11[%add3A_79, %dma_wait3A_91] : memref<10000x64xf32, #tpu.memory_space<vmem_shared>> -> memref<8x64xf32, #tpu.memory_space<vmem_shared>>
        %dma_wait3A_93 = arith.constant 0 : i32
        %dma_wait3A_94 = tpu.memref_slice %arg11[%add3A_79, %dma_wait3A_93] : memref<10000x64xf32, #tpu.memory_space<vmem_shared>> -> memref<8x64xf32, #tpu.memory_space<vmem_shared>>
        %dma_wait3A_95 = arith.constant 0 : i32
        %dma_wait3A_96 = arith.constant 0 : i32
        %dma_wait3A_97 = tpu.memref_slice %arg10[%dma_wait3A_95, %dma_wait3A_96] : memref<128x64xf32, #tpu.memory_space<vmem>> -> memref<8x64xf32, #tpu.memory_space<vmem>>
        tpu.wait_dma2 semaphore(%run_scoped3A : memref<!tpu.dma_semaphore, #tpu.memory_space<semaphore_mem>>) src(%dma_wait3A_97 : memref<8x64xf32, #tpu.memory_space<vmem>>) dst(%dma_wait3A_94 : memref<8x64xf32, #tpu.memory_space<vmem_shared>>)
        tpu.yield
      }) : () -> ()
    } else {
    }
    %barrier3A = arith.constant 0 : index
    tpu.barrier barrier_id(%barrier3A)
    %scan3A = arith.constant 0 : i32
    %scan3A_14 = arith.constant 0 : i32
    %scan3A_15 = arith.constant 157 : i32
    %scan3A_16 = arith.addi %scan3A_14, %scan3A_15 : i32
    %scan3A_17 = arith.constant 1 : i32
    scf.for %scan3A_78 = %scan3A_14 to %scan3A_16 step %scan3A_17  : i32 {
      %mul3A_79 = arith.constant 16 : i32
      %mul3A_80 = arith.muli %scan3A_78, %mul3A_79 : i32
      %add3A_81 = arith.addi %arg1, %mul3A_80 : i32
      %lt3A_82 = arith.constant 2500 : i32
      %lt3A_83 = arith.cmpi slt, %add3A_81, %lt3A_82 : i32
      %convert_element_type3A_84 = arith.extui %lt3A_83 : i1 to i32
      %cond3A_85 = arith.constant 0 : i32
      %cond3A_86 = arith.cmpi ne, %convert_element_type3A_84, %cond3A_85 : i32
      scf.if %cond3A_86 {
        %mul3A_87 = arith.constant 128 : i32
        %mul3A_88 = arith.muli %add3A_81, %mul3A_87 : i32
        "tpu.region"() ({
          %run_scoped3A = tpu.sem_alloc : memref<!tpu.dma_semaphore, #tpu.memory_space<semaphore_mem>>
          %dma_start3A = tpu.memref_slice %arg2[%mul3A_88] : memref<320000xi32, #tpu.memory_space<hbm>> -> memref<128xi32, #tpu.memory_space<hbm>>
          %dma_start3A_99 = tpu.memref_slice %arg2[%mul3A_88] : memref<320000xi32, #tpu.memory_space<hbm>> -> memref<128xi32, #tpu.memory_space<hbm>>
          tpu.enqueue_dma source(%dma_start3A_99 : memref<128xi32, #tpu.memory_space<hbm>>) target(%arg8 : memref<128xi32, #tpu.memory_space<vmem>>) target_semaphore(%run_scoped3A : memref<!tpu.dma_semaphore, #tpu.memory_space<semaphore_mem>>)
          %dma_wait3A = tpu.memref_slice %arg2[%mul3A_88] : memref<320000xi32, #tpu.memory_space<hbm>> -> memref<128xi32, #tpu.memory_space<hbm>>
          %dma_wait3A_100 = tpu.memref_slice %arg2[%mul3A_88] : memref<320000xi32, #tpu.memory_space<hbm>> -> memref<128xi32, #tpu.memory_space<hbm>>
          tpu.wait_dma2 semaphore(%run_scoped3A : memref<!tpu.dma_semaphore, #tpu.memory_space<semaphore_mem>>) src(%dma_wait3A_100 : memref<128xi32, #tpu.memory_space<hbm>>) dst(%arg8 : memref<128xi32, #tpu.memory_space<vmem>>)
          tpu.yield
        }) : () -> ()
        %eq3A_89 = arith.constant 0 : i32
        %eq3A_90 = arith.cmpi eq, %arg0, %eq3A_89 : i32
        %convert_element_type3A_91 = arith.extui %eq3A_90 : i1 to i32
        %cond3A_92 = arith.constant 0 : i32
        %cond3A_93 = arith.cmpi ne, %convert_element_type3A_91, %cond3A_92 : i32
        scf.if %cond3A_93 {
          %dma_start3A = arith.constant 0 : i32
          %dma_start3A_99 = tpu.memref_slice %arg3[%mul3A_88, %dma_start3A] : memref<320000x64xf32, #tpu.memory_space<hbm>> -> memref<128x64xf32, #tpu.memory_space<hbm>>
          %dma_start3A_100 = arith.constant 0 : i32
          %dma_start3A_101 = tpu.memref_slice %arg3[%mul3A_88, %dma_start3A_100] : memref<320000x64xf32, #tpu.memory_space<hbm>> -> memref<128x64xf32, #tpu.memory_space<hbm>>
          tpu.enqueue_dma source(%dma_start3A_101 : memref<128x64xf32, #tpu.memory_space<hbm>>) target(%arg9 : memref<128x64xf32, #tpu.memory_space<vmem>>) target_semaphore(%arg12 : memref<!tpu.dma_semaphore, #tpu.memory_space<semaphore_mem>>)
          %dma_wait3A = arith.constant 0 : i32
          %dma_wait3A_102 = tpu.memref_slice %arg3[%mul3A_88, %dma_wait3A] : memref<320000x64xf32, #tpu.memory_space<hbm>> -> memref<128x64xf32, #tpu.memory_space<hbm>>
          %dma_wait3A_103 = arith.constant 0 : i32
          %dma_wait3A_104 = tpu.memref_slice %arg3[%mul3A_88, %dma_wait3A_103] : memref<320000x64xf32, #tpu.memory_space<hbm>> -> memref<128x64xf32, #tpu.memory_space<hbm>>
          tpu.wait_dma2 semaphore(%arg12 : memref<!tpu.dma_semaphore, #tpu.memory_space<semaphore_mem>>) src(%dma_wait3A_104 : memref<128x64xf32, #tpu.memory_space<hbm>>) dst(%arg9 : memref<128x64xf32, #tpu.memory_space<vmem>>)
        } else {
        }
        %eq3A_94 = arith.constant 1 : i32
        %eq3A_95 = arith.cmpi eq, %arg0, %eq3A_94 : i32
        %convert_element_type3A_96 = arith.extui %eq3A_95 : i1 to i32
        %cond3A_97 = arith.constant 0 : i32
        %cond3A_98 = arith.cmpi ne, %convert_element_type3A_96, %cond3A_97 : i32
        scf.if %cond3A_98 {
          %dma_start3A = arith.constant 0 : i32
          %dma_start3A_99 = tpu.memref_slice %arg4[%mul3A_88, %dma_start3A] : memref<320000x64xf32, #tpu.memory_space<hbm>> -> memref<128x64xf32, #tpu.memory_space<hbm>>
          %dma_start3A_100 = arith.constant 0 : i32
          %dma_start3A_101 = tpu.memref_slice %arg4[%mul3A_88, %dma_start3A_100] : memref<320000x64xf32, #tpu.memory_space<hbm>> -> memref<128x64xf32, #tpu.memory_space<hbm>>
          tpu.enqueue_dma source(%dma_start3A_101 : memref<128x64xf32, #tpu.memory_space<hbm>>) target(%arg9 : memref<128x64xf32, #tpu.memory_space<vmem>>) target_semaphore(%arg12 : memref<!tpu.dma_semaphore, #tpu.memory_space<semaphore_mem>>)
          %dma_wait3A = arith.constant 0 : i32
          %dma_wait3A_102 = tpu.memref_slice %arg4[%mul3A_88, %dma_wait3A] : memref<320000x64xf32, #tpu.memory_space<hbm>> -> memref<128x64xf32, #tpu.memory_space<hbm>>
          %dma_wait3A_103 = arith.constant 0 : i32
          %dma_wait3A_104 = tpu.memref_slice %arg4[%mul3A_88, %dma_wait3A_103] : memref<320000x64xf32, #tpu.memory_space<hbm>> -> memref<128x64xf32, #tpu.memory_space<hbm>>
          tpu.wait_dma2 semaphore(%arg12 : memref<!tpu.dma_semaphore, #tpu.memory_space<semaphore_mem>>) src(%dma_wait3A_104 : memref<128x64xf32, #tpu.memory_space<hbm>>) dst(%arg9 : memref<128x64xf32, #tpu.memory_space<vmem>>)
        } else {
        }
        "tpu.region"() ({
          %run_scoped3A = tpu.sem_alloc : memref<!tpu.dma_semaphore, #tpu.memory_space<semaphore_mem>>
          %dma_start3A = arith.constant 0 : i32
          %dma_start3A_99 = arith.constant 0 : i32
          %dma_start3A_100 = tpu.memref_slice %arg11[%dma_start3A, %dma_start3A_99] : memref<10000x64xf32, #tpu.memory_space<vmem_shared>> -> memref<10000x64xf32, #tpu.memory_space<vmem_shared>>
          tpu.enqueue_indirect_dma source(%arg9 : memref<128x64xf32, #tpu.memory_space<vmem>>) target(%dma_start3A_100 : memref<10000x64xf32, #tpu.memory_space<vmem_shared>>) offsets(%arg8 : memref<128xi32, #tpu.memory_space<vmem>>) semaphore(%run_scoped3A : memref<!tpu.dma_semaphore, #tpu.memory_space<semaphore_mem>>) {add = true}
          %dma_wait3A = arith.constant 0 : i32
          %dma_wait3A_101 = arith.constant 0 : i32
          %dma_wait3A_102 = tpu.memref_slice %arg11[%dma_wait3A, %dma_wait3A_101] : memref<10000x64xf32, #tpu.memory_space<vmem_shared>> -> memref<10000x64xf32, #tpu.memory_space<vmem_shared>>
          tpu.wait_indirect_dma semaphore(%run_scoped3A : memref<!tpu.dma_semaphore, #tpu.memory_space<semaphore_mem>>) src(%arg9 : memref<128x64xf32, #tpu.memory_space<vmem>>) dst(%dma_wait3A_102 : memref<10000x64xf32, #tpu.memory_space<vmem_shared>>)
          tpu.yield
        }) : () -> ()
      } else {
      }
    }
    %scan3A_18 = arith.constant 157 : i32
    %barrier3A_19 = arith.constant 0 : index
    tpu.barrier barrier_id(%barrier3A_19)
    %add3A_20 = arith.constant 0 : i32
    %add3A_21 = arith.addi %mul3A_0, %add3A_20 : i32
    "tpu.region"() ({
      %run_scoped3A = tpu.sem_alloc : memref<!tpu.dma_semaphore, #tpu.memory_space<semaphore_mem>>
      %dma_start3A = arith.constant 0 : i32
      %dma_start3A_78 = arith.constant 0 : i32
      %dma_start3A_79 = tpu.memref_slice %arg10[%dma_start3A, %dma_start3A_78] : memref<128x64xf32, #tpu.memory_space<vmem>> -> memref<128x64xf32, #tpu.memory_space<vmem>>
      %dma_start3A_80 = arith.constant 0 : i32
      %dma_start3A_81 = tpu.memref_slice %arg11[%add3A_21, %dma_start3A_80] : memref<10000x64xf32, #tpu.memory_space<vmem_shared>> -> memref<128x64xf32, #tpu.memory_space<vmem_shared>>
      %dma_start3A_82 = arith.constant 0 : i32
      %dma_start3A_83 = arith.constant 0 : i32
      %dma_start3A_84 = tpu.memref_slice %arg10[%dma_start3A_82, %dma_start3A_83] : memref<128x64xf32, #tpu.memory_space<vmem>> -> memref<128x64xf32, #tpu.memory_space<vmem>>
      %dma_start3A_85 = arith.constant 0 : i32
      %dma_start3A_86 = tpu.memref_slice %arg11[%add3A_21, %dma_start3A_85] : memref<10000x64xf32, #tpu.memory_space<vmem_shared>> -> memref<128x64xf32, #tpu.memory_space<vmem_shared>>
      tpu.enqueue_dma source(%dma_start3A_86 : memref<128x64xf32, #tpu.memory_space<vmem_shared>>) target(%dma_start3A_84 : memref<128x64xf32, #tpu.memory_space<vmem>>) target_semaphore(%run_scoped3A : memref<!tpu.dma_semaphore, #tpu.memory_space<semaphore_mem>>)
      %dma_wait3A = arith.constant 0 : i32
      %dma_wait3A_87 = arith.constant 0 : i32
      %dma_wait3A_88 = tpu.memref_slice %arg10[%dma_wait3A, %dma_wait3A_87] : memref<128x64xf32, #tpu.memory_space<vmem>> -> memref<128x64xf32, #tpu.memory_space<vmem>>
      %dma_wait3A_89 = arith.constant 0 : i32
      %dma_wait3A_90 = tpu.memref_slice %arg11[%add3A_21, %dma_wait3A_89] : memref<10000x64xf32, #tpu.memory_space<vmem_shared>> -> memref<128x64xf32, #tpu.memory_space<vmem_shared>>
      %dma_wait3A_91 = arith.constant 0 : i32
      %dma_wait3A_92 = arith.constant 0 : i32
      %dma_wait3A_93 = tpu.memref_slice %arg10[%dma_wait3A_91, %dma_wait3A_92] : memref<128x64xf32, #tpu.memory_space<vmem>> -> memref<128x64xf32, #tpu.memory_space<vmem>>
      %dma_wait3A_94 = arith.constant 0 : i32
      %dma_wait3A_95 = tpu.memref_slice %arg11[%add3A_21, %dma_wait3A_94] : memref<10000x64xf32, #tpu.memory_space<vmem_shared>> -> memref<128x64xf32, #tpu.memory_space<vmem_shared>>
      tpu.wait_dma2 semaphore(%run_scoped3A : memref<!tpu.dma_semaphore, #tpu.memory_space<semaphore_mem>>) src(%dma_wait3A_95 : memref<128x64xf32, #tpu.memory_space<vmem_shared>>) dst(%dma_wait3A_93 : memref<128x64xf32, #tpu.memory_space<vmem>>)
      tpu.yield
    }) : () -> ()
    %eq3A_22 = arith.constant 0 : i32
    %eq3A_23 = arith.cmpi eq, %arg0, %eq3A_22 : i32
    %convert_element_type3A_24 = arith.extui %eq3A_23 : i1 to i32
    %cond3A_25 = arith.constant 0 : i32
    %cond3A_26 = arith.cmpi ne, %convert_element_type3A_24, %cond3A_25 : i32
    scf.if %cond3A_26 {
      "tpu.region"() ({
        %run_scoped3A = tpu.sem_alloc : memref<!tpu.dma_semaphore, #tpu.memory_space<semaphore_mem>>
        %dma_start3A = arith.constant 0 : i32
        %dma_start3A_78 = arith.constant 0 : i32
        %dma_start3A_79 = tpu.memref_slice %arg10[%dma_start3A, %dma_start3A_78] : memref<128x64xf32, #tpu.memory_space<vmem>> -> memref<128x64xf32, #tpu.memory_space<vmem>>
        %dma_start3A_80 = arith.constant 0 : i32
        %dma_start3A_81 = tpu.memref_slice %arg6[%add3A_21, %dma_start3A_80] : memref<10000x64xf32, #tpu.memory_space<hbm>> -> memref<128x64xf32, #tpu.memory_space<hbm>>
        %dma_start3A_82 = arith.constant 0 : i32
        %dma_start3A_83 = tpu.memref_slice %arg6[%add3A_21, %dma_start3A_82] : memref<10000x64xf32, #tpu.memory_space<hbm>> -> memref<128x64xf32, #tpu.memory_space<hbm>>
        %dma_start3A_84 = arith.constant 0 : i32
        %dma_start3A_85 = arith.constant 0 : i32
        %dma_start3A_86 = tpu.memref_slice %arg10[%dma_start3A_84, %dma_start3A_85] : memref<128x64xf32, #tpu.memory_space<vmem>> -> memref<128x64xf32, #tpu.memory_space<vmem>>
        tpu.enqueue_dma source(%dma_start3A_86 : memref<128x64xf32, #tpu.memory_space<vmem>>) target(%dma_start3A_83 : memref<128x64xf32, #tpu.memory_space<hbm>>) target_semaphore(%run_scoped3A : memref<!tpu.dma_semaphore, #tpu.memory_space<semaphore_mem>>)
        %dma_wait3A = arith.constant 0 : i32
        %dma_wait3A_87 = arith.constant 0 : i32
        %dma_wait3A_88 = tpu.memref_slice %arg10[%dma_wait3A, %dma_wait3A_87] : memref<128x64xf32, #tpu.memory_space<vmem>> -> memref<128x64xf32, #tpu.memory_space<vmem>>
        %dma_wait3A_89 = arith.constant 0 : i32
        %dma_wait3A_90 = tpu.memref_slice %arg6[%add3A_21, %dma_wait3A_89] : memref<10000x64xf32, #tpu.memory_space<hbm>> -> memref<128x64xf32, #tpu.memory_space<hbm>>
        %dma_wait3A_91 = arith.constant 0 : i32
        %dma_wait3A_92 = tpu.memref_slice %arg6[%add3A_21, %dma_wait3A_91] : memref<10000x64xf32, #tpu.memory_space<hbm>> -> memref<128x64xf32, #tpu.memory_space<hbm>>
        %dma_wait3A_93 = arith.constant 0 : i32
        %dma_wait3A_94 = arith.constant 0 : i32
        %dma_wait3A_95 = tpu.memref_slice %arg10[%dma_wait3A_93, %dma_wait3A_94] : memref<128x64xf32, #tpu.memory_space<vmem>> -> memref<128x64xf32, #tpu.memory_space<vmem>>
        tpu.wait_dma2 semaphore(%run_scoped3A : memref<!tpu.dma_semaphore, #tpu.memory_space<semaphore_mem>>) src(%dma_wait3A_95 : memref<128x64xf32, #tpu.memory_space<vmem>>) dst(%dma_wait3A_92 : memref<128x64xf32, #tpu.memory_space<hbm>>)
        tpu.yield
      }) : () -> ()
    } else {
    }
    %eq3A_27 = arith.constant 1 : i32
    %eq3A_28 = arith.cmpi eq, %arg0, %eq3A_27 : i32
    %convert_element_type3A_29 = arith.extui %eq3A_28 : i1 to i32
    %cond3A_30 = arith.constant 0 : i32
    %cond3A_31 = arith.cmpi ne, %convert_element_type3A_29, %cond3A_30 : i32
    scf.if %cond3A_31 {
      "tpu.region"() ({
        %run_scoped3A = tpu.sem_alloc : memref<!tpu.dma_semaphore, #tpu.memory_space<semaphore_mem>>
        %dma_start3A = arith.constant 0 : i32
        %dma_start3A_78 = arith.constant 0 : i32
        %dma_start3A_79 = tpu.memref_slice %arg10[%dma_start3A, %dma_start3A_78] : memref<128x64xf32, #tpu.memory_space<vmem>> -> memref<128x64xf32, #tpu.memory_space<vmem>>
        %dma_start3A_80 = arith.constant 0 : i32
        %dma_start3A_81 = tpu.memref_slice %arg7[%add3A_21, %dma_start3A_80] : memref<10000x64xf32, #tpu.memory_space<hbm>> -> memref<128x64xf32, #tpu.memory_space<hbm>>
        %dma_start3A_82 = arith.constant 0 : i32
        %dma_start3A_83 = tpu.memref_slice %arg7[%add3A_21, %dma_start3A_82] : memref<10000x64xf32, #tpu.memory_space<hbm>> -> memref<128x64xf32, #tpu.memory_space<hbm>>
        %dma_start3A_84 = arith.constant 0 : i32
        %dma_start3A_85 = arith.constant 0 : i32
        %dma_start3A_86 = tpu.memref_slice %arg10[%dma_start3A_84, %dma_start3A_85] : memref<128x64xf32, #tpu.memory_space<vmem>> -> memref<128x64xf32, #tpu.memory_space<vmem>>
        tpu.enqueue_dma source(%dma_start3A_86 : memref<128x64xf32, #tpu.memory_space<vmem>>) target(%dma_start3A_83 : memref<128x64xf32, #tpu.memory_space<hbm>>) target_semaphore(%run_scoped3A : memref<!tpu.dma_semaphore, #tpu.memory_space<semaphore_mem>>)
        %dma_wait3A = arith.constant 0 : i32
        %dma_wait3A_87 = arith.constant 0 : i32
        %dma_wait3A_88 = tpu.memref_slice %arg10[%dma_wait3A, %dma_wait3A_87] : memref<128x64xf32, #tpu.memory_space<vmem>> -> memref<128x64xf32, #tpu.memory_space<vmem>>
        %dma_wait3A_89 = arith.constant 0 : i32
        %dma_wait3A_90 = tpu.memref_slice %arg7[%add3A_21, %dma_wait3A_89] : memref<10000x64xf32, #tpu.memory_space<hbm>> -> memref<128x64xf32, #tpu.memory_space<hbm>>
        %dma_wait3A_91 = arith.constant 0 : i32
        %dma_wait3A_92 = tpu.memref_slice %arg7[%add3A_21, %dma_wait3A_91] : memref<10000x64xf32, #tpu.memory_space<hbm>> -> memref<128x64xf32, #tpu.memory_space<hbm>>
        %dma_wait3A_93 = arith.constant 0 : i32
        %dma_wait3A_94 = arith.constant 0 : i32
        %dma_wait3A_95 = tpu.memref_slice %arg10[%dma_wait3A_93, %dma_wait3A_94] : memref<128x64xf32, #tpu.memory_space<vmem>> -> memref<128x64xf32, #tpu.memory_space<vmem>>
        tpu.wait_dma2 semaphore(%run_scoped3A : memref<!tpu.dma_semaphore, #tpu.memory_space<semaphore_mem>>) src(%dma_wait3A_95 : memref<128x64xf32, #tpu.memory_space<vmem>>) dst(%dma_wait3A_92 : memref<128x64xf32, #tpu.memory_space<hbm>>)
        tpu.yield
      }) : () -> ()
    } else {
    }
    %add3A_32 = arith.constant 128 : i32
    %add3A_33 = arith.addi %mul3A_0, %add3A_32 : i32
    "tpu.region"() ({
      %run_scoped3A = tpu.sem_alloc : memref<!tpu.dma_semaphore, #tpu.memory_space<semaphore_mem>>
      %dma_start3A = arith.constant 0 : i32
      %dma_start3A_78 = arith.constant 0 : i32
      %dma_start3A_79 = tpu.memref_slice %arg10[%dma_start3A, %dma_start3A_78] : memref<128x64xf32, #tpu.memory_space<vmem>> -> memref<128x64xf32, #tpu.memory_space<vmem>>
      %dma_start3A_80 = arith.constant 0 : i32
      %dma_start3A_81 = tpu.memref_slice %arg11[%add3A_33, %dma_start3A_80] : memref<10000x64xf32, #tpu.memory_space<vmem_shared>> -> memref<128x64xf32, #tpu.memory_space<vmem_shared>>
      %dma_start3A_82 = arith.constant 0 : i32
      %dma_start3A_83 = arith.constant 0 : i32
      %dma_start3A_84 = tpu.memref_slice %arg10[%dma_start3A_82, %dma_start3A_83] : memref<128x64xf32, #tpu.memory_space<vmem>> -> memref<128x64xf32, #tpu.memory_space<vmem>>
      %dma_start3A_85 = arith.constant 0 : i32
      %dma_start3A_86 = tpu.memref_slice %arg11[%add3A_33, %dma_start3A_85] : memref<10000x64xf32, #tpu.memory_space<vmem_shared>> -> memref<128x64xf32, #tpu.memory_space<vmem_shared>>
      tpu.enqueue_dma source(%dma_start3A_86 : memref<128x64xf32, #tpu.memory_space<vmem_shared>>) target(%dma_start3A_84 : memref<128x64xf32, #tpu.memory_space<vmem>>) target_semaphore(%run_scoped3A : memref<!tpu.dma_semaphore, #tpu.memory_space<semaphore_mem>>)
      %dma_wait3A = arith.constant 0 : i32
      %dma_wait3A_87 = arith.constant 0 : i32
      %dma_wait3A_88 = tpu.memref_slice %arg10[%dma_wait3A, %dma_wait3A_87] : memref<128x64xf32, #tpu.memory_space<vmem>> -> memref<128x64xf32, #tpu.memory_space<vmem>>
      %dma_wait3A_89 = arith.constant 0 : i32
      %dma_wait3A_90 = tpu.memref_slice %arg11[%add3A_33, %dma_wait3A_89] : memref<10000x64xf32, #tpu.memory_space<vmem_shared>> -> memref<128x64xf32, #tpu.memory_space<vmem_shared>>
      %dma_wait3A_91 = arith.constant 0 : i32
      %dma_wait3A_92 = arith.constant 0 : i32
      %dma_wait3A_93 = tpu.memref_slice %arg10[%dma_wait3A_91, %dma_wait3A_92] : memref<128x64xf32, #tpu.memory_space<vmem>> -> memref<128x64xf32, #tpu.memory_space<vmem>>
      %dma_wait3A_94 = arith.constant 0 : i32
      %dma_wait3A_95 = tpu.memref_slice %arg11[%add3A_33, %dma_wait3A_94] : memref<10000x64xf32, #tpu.memory_space<vmem_shared>> -> memref<128x64xf32, #tpu.memory_space<vmem_shared>>
      tpu.wait_dma2 semaphore(%run_scoped3A : memref<!tpu.dma_semaphore, #tpu.memory_space<semaphore_mem>>) src(%dma_wait3A_95 : memref<128x64xf32, #tpu.memory_space<vmem_shared>>) dst(%dma_wait3A_93 : memref<128x64xf32, #tpu.memory_space<vmem>>)
      tpu.yield
    }) : () -> ()
    %eq3A_34 = arith.constant 0 : i32
    %eq3A_35 = arith.cmpi eq, %arg0, %eq3A_34 : i32
    %convert_element_type3A_36 = arith.extui %eq3A_35 : i1 to i32
    %cond3A_37 = arith.constant 0 : i32
    %cond3A_38 = arith.cmpi ne, %convert_element_type3A_36, %cond3A_37 : i32
    scf.if %cond3A_38 {
      "tpu.region"() ({
        %run_scoped3A = tpu.sem_alloc : memref<!tpu.dma_semaphore, #tpu.memory_space<semaphore_mem>>
        %dma_start3A = arith.constant 0 : i32
        %dma_start3A_78 = arith.constant 0 : i32
        %dma_start3A_79 = tpu.memref_slice %arg10[%dma_start3A, %dma_start3A_78] : memref<128x64xf32, #tpu.memory_space<vmem>> -> memref<128x64xf32, #tpu.memory_space<vmem>>
        %dma_start3A_80 = arith.constant 0 : i32
        %dma_start3A_81 = tpu.memref_slice %arg6[%add3A_33, %dma_start3A_80] : memref<10000x64xf32, #tpu.memory_space<hbm>> -> memref<128x64xf32, #tpu.memory_space<hbm>>
        %dma_start3A_82 = arith.constant 0 : i32
        %dma_start3A_83 = tpu.memref_slice %arg6[%add3A_33, %dma_start3A_82] : memref<10000x64xf32, #tpu.memory_space<hbm>> -> memref<128x64xf32, #tpu.memory_space<hbm>>
        %dma_start3A_84 = arith.constant 0 : i32
        %dma_start3A_85 = arith.constant 0 : i32
        %dma_start3A_86 = tpu.memref_slice %arg10[%dma_start3A_84, %dma_start3A_85] : memref<128x64xf32, #tpu.memory_space<vmem>> -> memref<128x64xf32, #tpu.memory_space<vmem>>
        tpu.enqueue_dma source(%dma_start3A_86 : memref<128x64xf32, #tpu.memory_space<vmem>>) target(%dma_start3A_83 : memref<128x64xf32, #tpu.memory_space<hbm>>) target_semaphore(%run_scoped3A : memref<!tpu.dma_semaphore, #tpu.memory_space<semaphore_mem>>)
        %dma_wait3A = arith.constant 0 : i32
        %dma_wait3A_87 = arith.constant 0 : i32
        %dma_wait3A_88 = tpu.memref_slice %arg10[%dma_wait3A, %dma_wait3A_87] : memref<128x64xf32, #tpu.memory_space<vmem>> -> memref<128x64xf32, #tpu.memory_space<vmem>>
        %dma_wait3A_89 = arith.constant 0 : i32
        %dma_wait3A_90 = tpu.memref_slice %arg6[%add3A_33, %dma_wait3A_89] : memref<10000x64xf32, #tpu.memory_space<hbm>> -> memref<128x64xf32, #tpu.memory_space<hbm>>
        %dma_wait3A_91 = arith.constant 0 : i32
        %dma_wait3A_92 = tpu.memref_slice %arg6[%add3A_33, %dma_wait3A_91] : memref<10000x64xf32, #tpu.memory_space<hbm>> -> memref<128x64xf32, #tpu.memory_space<hbm>>
        %dma_wait3A_93 = arith.constant 0 : i32
        %dma_wait3A_94 = arith.constant 0 : i32
        %dma_wait3A_95 = tpu.memref_slice %arg10[%dma_wait3A_93, %dma_wait3A_94] : memref<128x64xf32, #tpu.memory_space<vmem>> -> memref<128x64xf32, #tpu.memory_space<vmem>>
        tpu.wait_dma2 semaphore(%run_scoped3A : memref<!tpu.dma_semaphore, #tpu.memory_space<semaphore_mem>>) src(%dma_wait3A_95 : memref<128x64xf32, #tpu.memory_space<vmem>>) dst(%dma_wait3A_92 : memref<128x64xf32, #tpu.memory_space<hbm>>)
        tpu.yield
      }) : () -> ()
    } else {
    }
    %eq3A_39 = arith.constant 1 : i32
    %eq3A_40 = arith.cmpi eq, %arg0, %eq3A_39 : i32
    %convert_element_type3A_41 = arith.extui %eq3A_40 : i1 to i32
    %cond3A_42 = arith.constant 0 : i32
    %cond3A_43 = arith.cmpi ne, %convert_element_type3A_41, %cond3A_42 : i32
    scf.if %cond3A_43 {
      "tpu.region"() ({
        %run_scoped3A = tpu.sem_alloc : memref<!tpu.dma_semaphore, #tpu.memory_space<semaphore_mem>>
        %dma_start3A = arith.constant 0 : i32
        %dma_start3A_78 = arith.constant 0 : i32
        %dma_start3A_79 = tpu.memref_slice %arg10[%dma_start3A, %dma_start3A_78] : memref<128x64xf32, #tpu.memory_space<vmem>> -> memref<128x64xf32, #tpu.memory_space<vmem>>
        %dma_start3A_80 = arith.constant 0 : i32
        %dma_start3A_81 = tpu.memref_slice %arg7[%add3A_33, %dma_start3A_80] : memref<10000x64xf32, #tpu.memory_space<hbm>> -> memref<128x64xf32, #tpu.memory_space<hbm>>
        %dma_start3A_82 = arith.constant 0 : i32
        %dma_start3A_83 = tpu.memref_slice %arg7[%add3A_33, %dma_start3A_82] : memref<10000x64xf32, #tpu.memory_space<hbm>> -> memref<128x64xf32, #tpu.memory_space<hbm>>
        %dma_start3A_84 = arith.constant 0 : i32
        %dma_start3A_85 = arith.constant 0 : i32
        %dma_start3A_86 = tpu.memref_slice %arg10[%dma_start3A_84, %dma_start3A_85] : memref<128x64xf32, #tpu.memory_space<vmem>> -> memref<128x64xf32, #tpu.memory_space<vmem>>
        tpu.enqueue_dma source(%dma_start3A_86 : memref<128x64xf32, #tpu.memory_space<vmem>>) target(%dma_start3A_83 : memref<128x64xf32, #tpu.memory_space<hbm>>) target_semaphore(%run_scoped3A : memref<!tpu.dma_semaphore, #tpu.memory_space<semaphore_mem>>)
        %dma_wait3A = arith.constant 0 : i32
        %dma_wait3A_87 = arith.constant 0 : i32
        %dma_wait3A_88 = tpu.memref_slice %arg10[%dma_wait3A, %dma_wait3A_87] : memref<128x64xf32, #tpu.memory_space<vmem>> -> memref<128x64xf32, #tpu.memory_space<vmem>>
        %dma_wait3A_89 = arith.constant 0 : i32
        %dma_wait3A_90 = tpu.memref_slice %arg7[%add3A_33, %dma_wait3A_89] : memref<10000x64xf32, #tpu.memory_space<hbm>> -> memref<128x64xf32, #tpu.memory_space<hbm>>
        %dma_wait3A_91 = arith.constant 0 : i32
        %dma_wait3A_92 = tpu.memref_slice %arg7[%add3A_33, %dma_wait3A_91] : memref<10000x64xf32, #tpu.memory_space<hbm>> -> memref<128x64xf32, #tpu.memory_space<hbm>>
        %dma_wait3A_93 = arith.constant 0 : i32
        %dma_wait3A_94 = arith.constant 0 : i32
        %dma_wait3A_95 = tpu.memref_slice %arg10[%dma_wait3A_93, %dma_wait3A_94] : memref<128x64xf32, #tpu.memory_space<vmem>> -> memref<128x64xf32, #tpu.memory_space<vmem>>
        tpu.wait_dma2 semaphore(%run_scoped3A : memref<!tpu.dma_semaphore, #tpu.memory_space<semaphore_mem>>) src(%dma_wait3A_95 : memref<128x64xf32, #tpu.memory_space<vmem>>) dst(%dma_wait3A_92 : memref<128x64xf32, #tpu.memory_space<hbm>>)
        tpu.yield
      }) : () -> ()
    } else {
    }
    %add3A_44 = arith.constant 256 : i32
    %add3A_45 = arith.addi %mul3A_0, %add3A_44 : i32
    "tpu.region"() ({
      %run_scoped3A = tpu.sem_alloc : memref<!tpu.dma_semaphore, #tpu.memory_space<semaphore_mem>>
      %dma_start3A = arith.constant 0 : i32
      %dma_start3A_78 = arith.constant 0 : i32
      %dma_start3A_79 = tpu.memref_slice %arg10[%dma_start3A, %dma_start3A_78] : memref<128x64xf32, #tpu.memory_space<vmem>> -> memref<128x64xf32, #tpu.memory_space<vmem>>
      %dma_start3A_80 = arith.constant 0 : i32
      %dma_start3A_81 = tpu.memref_slice %arg11[%add3A_45, %dma_start3A_80] : memref<10000x64xf32, #tpu.memory_space<vmem_shared>> -> memref<128x64xf32, #tpu.memory_space<vmem_shared>>
      %dma_start3A_82 = arith.constant 0 : i32
      %dma_start3A_83 = arith.constant 0 : i32
      %dma_start3A_84 = tpu.memref_slice %arg10[%dma_start3A_82, %dma_start3A_83] : memref<128x64xf32, #tpu.memory_space<vmem>> -> memref<128x64xf32, #tpu.memory_space<vmem>>
      %dma_start3A_85 = arith.constant 0 : i32
      %dma_start3A_86 = tpu.memref_slice %arg11[%add3A_45, %dma_start3A_85] : memref<10000x64xf32, #tpu.memory_space<vmem_shared>> -> memref<128x64xf32, #tpu.memory_space<vmem_shared>>
      tpu.enqueue_dma source(%dma_start3A_86 : memref<128x64xf32, #tpu.memory_space<vmem_shared>>) target(%dma_start3A_84 : memref<128x64xf32, #tpu.memory_space<vmem>>) target_semaphore(%run_scoped3A : memref<!tpu.dma_semaphore, #tpu.memory_space<semaphore_mem>>)
      %dma_wait3A = arith.constant 0 : i32
      %dma_wait3A_87 = arith.constant 0 : i32
      %dma_wait3A_88 = tpu.memref_slice %arg10[%dma_wait3A, %dma_wait3A_87] : memref<128x64xf32, #tpu.memory_space<vmem>> -> memref<128x64xf32, #tpu.memory_space<vmem>>
      %dma_wait3A_89 = arith.constant 0 : i32
      %dma_wait3A_90 = tpu.memref_slice %arg11[%add3A_45, %dma_wait3A_89] : memref<10000x64xf32, #tpu.memory_space<vmem_shared>> -> memref<128x64xf32, #tpu.memory_space<vmem_shared>>
      %dma_wait3A_91 = arith.constant 0 : i32
      %dma_wait3A_92 = arith.constant 0 : i32
      %dma_wait3A_93 = tpu.memref_slice %arg10[%dma_wait3A_91, %dma_wait3A_92] : memref<128x64xf32, #tpu.memory_space<vmem>> -> memref<128x64xf32, #tpu.memory_space<vmem>>
      %dma_wait3A_94 = arith.constant 0 : i32
      %dma_wait3A_95 = tpu.memref_slice %arg11[%add3A_45, %dma_wait3A_94] : memref<10000x64xf32, #tpu.memory_space<vmem_shared>> -> memref<128x64xf32, #tpu.memory_space<vmem_shared>>
      tpu.wait_dma2 semaphore(%run_scoped3A : memref<!tpu.dma_semaphore, #tpu.memory_space<semaphore_mem>>) src(%dma_wait3A_95 : memref<128x64xf32, #tpu.memory_space<vmem_shared>>) dst(%dma_wait3A_93 : memref<128x64xf32, #tpu.memory_space<vmem>>)
      tpu.yield
    }) : () -> ()
    %eq3A_46 = arith.constant 0 : i32
    %eq3A_47 = arith.cmpi eq, %arg0, %eq3A_46 : i32
    %convert_element_type3A_48 = arith.extui %eq3A_47 : i1 to i32
    %cond3A_49 = arith.constant 0 : i32
    %cond3A_50 = arith.cmpi ne, %convert_element_type3A_48, %cond3A_49 : i32
    scf.if %cond3A_50 {
      "tpu.region"() ({
        %run_scoped3A = tpu.sem_alloc : memref<!tpu.dma_semaphore, #tpu.memory_space<semaphore_mem>>
        %dma_start3A = arith.constant 0 : i32
        %dma_start3A_78 = arith.constant 0 : i32
        %dma_start3A_79 = tpu.memref_slice %arg10[%dma_start3A, %dma_start3A_78] : memref<128x64xf32, #tpu.memory_space<vmem>> -> memref<128x64xf32, #tpu.memory_space<vmem>>
        %dma_start3A_80 = arith.constant 0 : i32
        %dma_start3A_81 = tpu.memref_slice %arg6[%add3A_45, %dma_start3A_80] : memref<10000x64xf32, #tpu.memory_space<hbm>> -> memref<128x64xf32, #tpu.memory_space<hbm>>
        %dma_start3A_82 = arith.constant 0 : i32
        %dma_start3A_83 = tpu.memref_slice %arg6[%add3A_45, %dma_start3A_82] : memref<10000x64xf32, #tpu.memory_space<hbm>> -> memref<128x64xf32, #tpu.memory_space<hbm>>
        %dma_start3A_84 = arith.constant 0 : i32
        %dma_start3A_85 = arith.constant 0 : i32
        %dma_start3A_86 = tpu.memref_slice %arg10[%dma_start3A_84, %dma_start3A_85] : memref<128x64xf32, #tpu.memory_space<vmem>> -> memref<128x64xf32, #tpu.memory_space<vmem>>
        tpu.enqueue_dma source(%dma_start3A_86 : memref<128x64xf32, #tpu.memory_space<vmem>>) target(%dma_start3A_83 : memref<128x64xf32, #tpu.memory_space<hbm>>) target_semaphore(%run_scoped3A : memref<!tpu.dma_semaphore, #tpu.memory_space<semaphore_mem>>)
        %dma_wait3A = arith.constant 0 : i32
        %dma_wait3A_87 = arith.constant 0 : i32
        %dma_wait3A_88 = tpu.memref_slice %arg10[%dma_wait3A, %dma_wait3A_87] : memref<128x64xf32, #tpu.memory_space<vmem>> -> memref<128x64xf32, #tpu.memory_space<vmem>>
        %dma_wait3A_89 = arith.constant 0 : i32
        %dma_wait3A_90 = tpu.memref_slice %arg6[%add3A_45, %dma_wait3A_89] : memref<10000x64xf32, #tpu.memory_space<hbm>> -> memref<128x64xf32, #tpu.memory_space<hbm>>
        %dma_wait3A_91 = arith.constant 0 : i32
        %dma_wait3A_92 = tpu.memref_slice %arg6[%add3A_45, %dma_wait3A_91] : memref<10000x64xf32, #tpu.memory_space<hbm>> -> memref<128x64xf32, #tpu.memory_space<hbm>>
        %dma_wait3A_93 = arith.constant 0 : i32
        %dma_wait3A_94 = arith.constant 0 : i32
        %dma_wait3A_95 = tpu.memref_slice %arg10[%dma_wait3A_93, %dma_wait3A_94] : memref<128x64xf32, #tpu.memory_space<vmem>> -> memref<128x64xf32, #tpu.memory_space<vmem>>
        tpu.wait_dma2 semaphore(%run_scoped3A : memref<!tpu.dma_semaphore, #tpu.memory_space<semaphore_mem>>) src(%dma_wait3A_95 : memref<128x64xf32, #tpu.memory_space<vmem>>) dst(%dma_wait3A_92 : memref<128x64xf32, #tpu.memory_space<hbm>>)
        tpu.yield
      }) : () -> ()
    } else {
    }
    %eq3A_51 = arith.constant 1 : i32
    %eq3A_52 = arith.cmpi eq, %arg0, %eq3A_51 : i32
    %convert_element_type3A_53 = arith.extui %eq3A_52 : i1 to i32
    %cond3A_54 = arith.constant 0 : i32
    %cond3A_55 = arith.cmpi ne, %convert_element_type3A_53, %cond3A_54 : i32
    scf.if %cond3A_55 {
      "tpu.region"() ({
        %run_scoped3A = tpu.sem_alloc : memref<!tpu.dma_semaphore, #tpu.memory_space<semaphore_mem>>
        %dma_start3A = arith.constant 0 : i32
        %dma_start3A_78 = arith.constant 0 : i32
        %dma_start3A_79 = tpu.memref_slice %arg10[%dma_start3A, %dma_start3A_78] : memref<128x64xf32, #tpu.memory_space<vmem>> -> memref<128x64xf32, #tpu.memory_space<vmem>>
        %dma_start3A_80 = arith.constant 0 : i32
        %dma_start3A_81 = tpu.memref_slice %arg7[%add3A_45, %dma_start3A_80] : memref<10000x64xf32, #tpu.memory_space<hbm>> -> memref<128x64xf32, #tpu.memory_space<hbm>>
        %dma_start3A_82 = arith.constant 0 : i32
        %dma_start3A_83 = tpu.memref_slice %arg7[%add3A_45, %dma_start3A_82] : memref<10000x64xf32, #tpu.memory_space<hbm>> -> memref<128x64xf32, #tpu.memory_space<hbm>>
        %dma_start3A_84 = arith.constant 0 : i32
        %dma_start3A_85 = arith.constant 0 : i32
        %dma_start3A_86 = tpu.memref_slice %arg10[%dma_start3A_84, %dma_start3A_85] : memref<128x64xf32, #tpu.memory_space<vmem>> -> memref<128x64xf32, #tpu.memory_space<vmem>>
        tpu.enqueue_dma source(%dma_start3A_86 : memref<128x64xf32, #tpu.memory_space<vmem>>) target(%dma_start3A_83 : memref<128x64xf32, #tpu.memory_space<hbm>>) target_semaphore(%run_scoped3A : memref<!tpu.dma_semaphore, #tpu.memory_space<semaphore_mem>>)
        %dma_wait3A = arith.constant 0 : i32
        %dma_wait3A_87 = arith.constant 0 : i32
        %dma_wait3A_88 = tpu.memref_slice %arg10[%dma_wait3A, %dma_wait3A_87] : memref<128x64xf32, #tpu.memory_space<vmem>> -> memref<128x64xf32, #tpu.memory_space<vmem>>
        %dma_wait3A_89 = arith.constant 0 : i32
        %dma_wait3A_90 = tpu.memref_slice %arg7[%add3A_45, %dma_wait3A_89] : memref<10000x64xf32, #tpu.memory_space<hbm>> -> memref<128x64xf32, #tpu.memory_space<hbm>>
        %dma_wait3A_91 = arith.constant 0 : i32
        %dma_wait3A_92 = tpu.memref_slice %arg7[%add3A_45, %dma_wait3A_91] : memref<10000x64xf32, #tpu.memory_space<hbm>> -> memref<128x64xf32, #tpu.memory_space<hbm>>
        %dma_wait3A_93 = arith.constant 0 : i32
        %dma_wait3A_94 = arith.constant 0 : i32
        %dma_wait3A_95 = tpu.memref_slice %arg10[%dma_wait3A_93, %dma_wait3A_94] : memref<128x64xf32, #tpu.memory_space<vmem>> -> memref<128x64xf32, #tpu.memory_space<vmem>>
        tpu.wait_dma2 semaphore(%run_scoped3A : memref<!tpu.dma_semaphore, #tpu.memory_space<semaphore_mem>>) src(%dma_wait3A_95 : memref<128x64xf32, #tpu.memory_space<vmem>>) dst(%dma_wait3A_92 : memref<128x64xf32, #tpu.memory_space<hbm>>)
        tpu.yield
      }) : () -> ()
    } else {
    }
    %add3A_56 = arith.constant 384 : i32
    %add3A_57 = arith.addi %mul3A_0, %add3A_56 : i32
    "tpu.region"() ({
      %run_scoped3A = tpu.sem_alloc : memref<!tpu.dma_semaphore, #tpu.memory_space<semaphore_mem>>
      %dma_start3A = arith.constant 0 : i32
      %dma_start3A_78 = arith.constant 0 : i32
      %dma_start3A_79 = tpu.memref_slice %arg10[%dma_start3A, %dma_start3A_78] : memref<128x64xf32, #tpu.memory_space<vmem>> -> memref<128x64xf32, #tpu.memory_space<vmem>>
      %dma_start3A_80 = arith.constant 0 : i32
      %dma_start3A_81 = tpu.memref_slice %arg11[%add3A_57, %dma_start3A_80] : memref<10000x64xf32, #tpu.memory_space<vmem_shared>> -> memref<128x64xf32, #tpu.memory_space<vmem_shared>>
      %dma_start3A_82 = arith.constant 0 : i32
      %dma_start3A_83 = arith.constant 0 : i32
      %dma_start3A_84 = tpu.memref_slice %arg10[%dma_start3A_82, %dma_start3A_83] : memref<128x64xf32, #tpu.memory_space<vmem>> -> memref<128x64xf32, #tpu.memory_space<vmem>>
      %dma_start3A_85 = arith.constant 0 : i32
      %dma_start3A_86 = tpu.memref_slice %arg11[%add3A_57, %dma_start3A_85] : memref<10000x64xf32, #tpu.memory_space<vmem_shared>> -> memref<128x64xf32, #tpu.memory_space<vmem_shared>>
      tpu.enqueue_dma source(%dma_start3A_86 : memref<128x64xf32, #tpu.memory_space<vmem_shared>>) target(%dma_start3A_84 : memref<128x64xf32, #tpu.memory_space<vmem>>) target_semaphore(%run_scoped3A : memref<!tpu.dma_semaphore, #tpu.memory_space<semaphore_mem>>)
      %dma_wait3A = arith.constant 0 : i32
      %dma_wait3A_87 = arith.constant 0 : i32
      %dma_wait3A_88 = tpu.memref_slice %arg10[%dma_wait3A, %dma_wait3A_87] : memref<128x64xf32, #tpu.memory_space<vmem>> -> memref<128x64xf32, #tpu.memory_space<vmem>>
      %dma_wait3A_89 = arith.constant 0 : i32
      %dma_wait3A_90 = tpu.memref_slice %arg11[%add3A_57, %dma_wait3A_89] : memref<10000x64xf32, #tpu.memory_space<vmem_shared>> -> memref<128x64xf32, #tpu.memory_space<vmem_shared>>
      %dma_wait3A_91 = arith.constant 0 : i32
      %dma_wait3A_92 = arith.constant 0 : i32
      %dma_wait3A_93 = tpu.memref_slice %arg10[%dma_wait3A_91, %dma_wait3A_92] : memref<128x64xf32, #tpu.memory_space<vmem>> -> memref<128x64xf32, #tpu.memory_space<vmem>>
      %dma_wait3A_94 = arith.constant 0 : i32
      %dma_wait3A_95 = tpu.memref_slice %arg11[%add3A_57, %dma_wait3A_94] : memref<10000x64xf32, #tpu.memory_space<vmem_shared>> -> memref<128x64xf32, #tpu.memory_space<vmem_shared>>
      tpu.wait_dma2 semaphore(%run_scoped3A : memref<!tpu.dma_semaphore, #tpu.memory_space<semaphore_mem>>) src(%dma_wait3A_95 : memref<128x64xf32, #tpu.memory_space<vmem_shared>>) dst(%dma_wait3A_93 : memref<128x64xf32, #tpu.memory_space<vmem>>)
      tpu.yield
    }) : () -> ()
    %eq3A_58 = arith.constant 0 : i32
    %eq3A_59 = arith.cmpi eq, %arg0, %eq3A_58 : i32
    %convert_element_type3A_60 = arith.extui %eq3A_59 : i1 to i32
    %cond3A_61 = arith.constant 0 : i32
    %cond3A_62 = arith.cmpi ne, %convert_element_type3A_60, %cond3A_61 : i32
    scf.if %cond3A_62 {
      "tpu.region"() ({
        %run_scoped3A = tpu.sem_alloc : memref<!tpu.dma_semaphore, #tpu.memory_space<semaphore_mem>>
        %dma_start3A = arith.constant 0 : i32
        %dma_start3A_78 = arith.constant 0 : i32
        %dma_start3A_79 = tpu.memref_slice %arg10[%dma_start3A, %dma_start3A_78] : memref<128x64xf32, #tpu.memory_space<vmem>> -> memref<128x64xf32, #tpu.memory_space<vmem>>
        %dma_start3A_80 = arith.constant 0 : i32
        %dma_start3A_81 = tpu.memref_slice %arg6[%add3A_57, %dma_start3A_80] : memref<10000x64xf32, #tpu.memory_space<hbm>> -> memref<128x64xf32, #tpu.memory_space<hbm>>
        %dma_start3A_82 = arith.constant 0 : i32
        %dma_start3A_83 = tpu.memref_slice %arg6[%add3A_57, %dma_start3A_82] : memref<10000x64xf32, #tpu.memory_space<hbm>> -> memref<128x64xf32, #tpu.memory_space<hbm>>
        %dma_start3A_84 = arith.constant 0 : i32
        %dma_start3A_85 = arith.constant 0 : i32
        %dma_start3A_86 = tpu.memref_slice %arg10[%dma_start3A_84, %dma_start3A_85] : memref<128x64xf32, #tpu.memory_space<vmem>> -> memref<128x64xf32, #tpu.memory_space<vmem>>
        tpu.enqueue_dma source(%dma_start3A_86 : memref<128x64xf32, #tpu.memory_space<vmem>>) target(%dma_start3A_83 : memref<128x64xf32, #tpu.memory_space<hbm>>) target_semaphore(%run_scoped3A : memref<!tpu.dma_semaphore, #tpu.memory_space<semaphore_mem>>)
        %dma_wait3A = arith.constant 0 : i32
        %dma_wait3A_87 = arith.constant 0 : i32
        %dma_wait3A_88 = tpu.memref_slice %arg10[%dma_wait3A, %dma_wait3A_87] : memref<128x64xf32, #tpu.memory_space<vmem>> -> memref<128x64xf32, #tpu.memory_space<vmem>>
        %dma_wait3A_89 = arith.constant 0 : i32
        %dma_wait3A_90 = tpu.memref_slice %arg6[%add3A_57, %dma_wait3A_89] : memref<10000x64xf32, #tpu.memory_space<hbm>> -> memref<128x64xf32, #tpu.memory_space<hbm>>
        %dma_wait3A_91 = arith.constant 0 : i32
        %dma_wait3A_92 = tpu.memref_slice %arg6[%add3A_57, %dma_wait3A_91] : memref<10000x64xf32, #tpu.memory_space<hbm>> -> memref<128x64xf32, #tpu.memory_space<hbm>>
        %dma_wait3A_93 = arith.constant 0 : i32
        %dma_wait3A_94 = arith.constant 0 : i32
        %dma_wait3A_95 = tpu.memref_slice %arg10[%dma_wait3A_93, %dma_wait3A_94] : memref<128x64xf32, #tpu.memory_space<vmem>> -> memref<128x64xf32, #tpu.memory_space<vmem>>
        tpu.wait_dma2 semaphore(%run_scoped3A : memref<!tpu.dma_semaphore, #tpu.memory_space<semaphore_mem>>) src(%dma_wait3A_95 : memref<128x64xf32, #tpu.memory_space<vmem>>) dst(%dma_wait3A_92 : memref<128x64xf32, #tpu.memory_space<hbm>>)
        tpu.yield
      }) : () -> ()
    } else {
    }
    %eq3A_63 = arith.constant 1 : i32
    %eq3A_64 = arith.cmpi eq, %arg0, %eq3A_63 : i32
    %convert_element_type3A_65 = arith.extui %eq3A_64 : i1 to i32
    %cond3A_66 = arith.constant 0 : i32
    %cond3A_67 = arith.cmpi ne, %convert_element_type3A_65, %cond3A_66 : i32
    scf.if %cond3A_67 {
      "tpu.region"() ({
        %run_scoped3A = tpu.sem_alloc : memref<!tpu.dma_semaphore, #tpu.memory_space<semaphore_mem>>
        %dma_start3A = arith.constant 0 : i32
        %dma_start3A_78 = arith.constant 0 : i32
        %dma_start3A_79 = tpu.memref_slice %arg10[%dma_start3A, %dma_start3A_78] : memref<128x64xf32, #tpu.memory_space<vmem>> -> memref<128x64xf32, #tpu.memory_space<vmem>>
        %dma_start3A_80 = arith.constant 0 : i32
        %dma_start3A_81 = tpu.memref_slice %arg7[%add3A_57, %dma_start3A_80] : memref<10000x64xf32, #tpu.memory_space<hbm>> -> memref<128x64xf32, #tpu.memory_space<hbm>>
        %dma_start3A_82 = arith.constant 0 : i32
        %dma_start3A_83 = tpu.memref_slice %arg7[%add3A_57, %dma_start3A_82] : memref<10000x64xf32, #tpu.memory_space<hbm>> -> memref<128x64xf32, #tpu.memory_space<hbm>>
        %dma_start3A_84 = arith.constant 0 : i32
        %dma_start3A_85 = arith.constant 0 : i32
        %dma_start3A_86 = tpu.memref_slice %arg10[%dma_start3A_84, %dma_start3A_85] : memref<128x64xf32, #tpu.memory_space<vmem>> -> memref<128x64xf32, #tpu.memory_space<vmem>>
        tpu.enqueue_dma source(%dma_start3A_86 : memref<128x64xf32, #tpu.memory_space<vmem>>) target(%dma_start3A_83 : memref<128x64xf32, #tpu.memory_space<hbm>>) target_semaphore(%run_scoped3A : memref<!tpu.dma_semaphore, #tpu.memory_space<semaphore_mem>>)
        %dma_wait3A = arith.constant 0 : i32
        %dma_wait3A_87 = arith.constant 0 : i32
        %dma_wait3A_88 = tpu.memref_slice %arg10[%dma_wait3A, %dma_wait3A_87] : memref<128x64xf32, #tpu.memory_space<vmem>> -> memref<128x64xf32, #tpu.memory_space<vmem>>
        %dma_wait3A_89 = arith.constant 0 : i32
        %dma_wait3A_90 = tpu.memref_slice %arg7[%add3A_57, %dma_wait3A_89] : memref<10000x64xf32, #tpu.memory_space<hbm>> -> memref<128x64xf32, #tpu.memory_space<hbm>>
        %dma_wait3A_91 = arith.constant 0 : i32
        %dma_wait3A_92 = tpu.memref_slice %arg7[%add3A_57, %dma_wait3A_91] : memref<10000x64xf32, #tpu.memory_space<hbm>> -> memref<128x64xf32, #tpu.memory_space<hbm>>
        %dma_wait3A_93 = arith.constant 0 : i32
        %dma_wait3A_94 = arith.constant 0 : i32
        %dma_wait3A_95 = tpu.memref_slice %arg10[%dma_wait3A_93, %dma_wait3A_94] : memref<128x64xf32, #tpu.memory_space<vmem>> -> memref<128x64xf32, #tpu.memory_space<vmem>>
        tpu.wait_dma2 semaphore(%run_scoped3A : memref<!tpu.dma_semaphore, #tpu.memory_space<semaphore_mem>>) src(%dma_wait3A_95 : memref<128x64xf32, #tpu.memory_space<vmem>>) dst(%dma_wait3A_92 : memref<128x64xf32, #tpu.memory_space<hbm>>)
        tpu.yield
      }) : () -> ()
    } else {
    }
    %lt3A_68 = arith.constant 15 : i32
    %lt3A_69 = arith.cmpi slt, %arg1, %lt3A_68 : i32
    %convert_element_type3A_70 = arith.extui %lt3A_69 : i1 to i32
    %cond3A_71 = arith.constant 0 : i32
    %cond3A_72 = arith.cmpi ne, %convert_element_type3A_70, %cond3A_71 : i32
    scf.if %cond3A_72 {
      %add3A_78 = arith.constant 512 : i32
      %add3A_79 = arith.addi %mul3A_0, %add3A_78 : i32
      "tpu.region"() ({
        %run_scoped3A = tpu.sem_alloc : memref<!tpu.dma_semaphore, #tpu.memory_space<semaphore_mem>>
        %dma_start3A = arith.constant 0 : i32
        %dma_start3A_90 = arith.constant 0 : i32
        %dma_start3A_91 = tpu.memref_slice %arg10[%dma_start3A, %dma_start3A_90] : memref<128x64xf32, #tpu.memory_space<vmem>> -> memref<120x64xf32, #tpu.memory_space<vmem>>
        %dma_start3A_92 = arith.constant 0 : i32
        %dma_start3A_93 = tpu.memref_slice %arg11[%add3A_79, %dma_start3A_92] : memref<10000x64xf32, #tpu.memory_space<vmem_shared>> -> memref<120x64xf32, #tpu.memory_space<vmem_shared>>
        %dma_start3A_94 = arith.constant 0 : i32
        %dma_start3A_95 = arith.constant 0 : i32
        %dma_start3A_96 = tpu.memref_slice %arg10[%dma_start3A_94, %dma_start3A_95] : memref<128x64xf32, #tpu.memory_space<vmem>> -> memref<120x64xf32, #tpu.memory_space<vmem>>
        %dma_start3A_97 = arith.constant 0 : i32
        %dma_start3A_98 = tpu.memref_slice %arg11[%add3A_79, %dma_start3A_97] : memref<10000x64xf32, #tpu.memory_space<vmem_shared>> -> memref<120x64xf32, #tpu.memory_space<vmem_shared>>
        tpu.enqueue_dma source(%dma_start3A_98 : memref<120x64xf32, #tpu.memory_space<vmem_shared>>) target(%dma_start3A_96 : memref<120x64xf32, #tpu.memory_space<vmem>>) target_semaphore(%run_scoped3A : memref<!tpu.dma_semaphore, #tpu.memory_space<semaphore_mem>>)
        %dma_wait3A = arith.constant 0 : i32
        %dma_wait3A_99 = arith.constant 0 : i32
        %dma_wait3A_100 = tpu.memref_slice %arg10[%dma_wait3A, %dma_wait3A_99] : memref<128x64xf32, #tpu.memory_space<vmem>> -> memref<120x64xf32, #tpu.memory_space<vmem>>
        %dma_wait3A_101 = arith.constant 0 : i32
        %dma_wait3A_102 = tpu.memref_slice %arg11[%add3A_79, %dma_wait3A_101] : memref<10000x64xf32, #tpu.memory_space<vmem_shared>> -> memref<120x64xf32, #tpu.memory_space<vmem_shared>>
        %dma_wait3A_103 = arith.constant 0 : i32
        %dma_wait3A_104 = arith.constant 0 : i32
        %dma_wait3A_105 = tpu.memref_slice %arg10[%dma_wait3A_103, %dma_wait3A_104] : memref<128x64xf32, #tpu.memory_space<vmem>> -> memref<120x64xf32, #tpu.memory_space<vmem>>
        %dma_wait3A_106 = arith.constant 0 : i32
        %dma_wait3A_107 = tpu.memref_slice %arg11[%add3A_79, %dma_wait3A_106] : memref<10000x64xf32, #tpu.memory_space<vmem_shared>> -> memref<120x64xf32, #tpu.memory_space<vmem_shared>>
        tpu.wait_dma2 semaphore(%run_scoped3A : memref<!tpu.dma_semaphore, #tpu.memory_space<semaphore_mem>>) src(%dma_wait3A_107 : memref<120x64xf32, #tpu.memory_space<vmem_shared>>) dst(%dma_wait3A_105 : memref<120x64xf32, #tpu.memory_space<vmem>>)
        tpu.yield
      }) : () -> ()
      %eq3A_80 = arith.constant 0 : i32
      %eq3A_81 = arith.cmpi eq, %arg0, %eq3A_80 : i32
      %convert_element_type3A_82 = arith.extui %eq3A_81 : i1 to i32
      %cond3A_83 = arith.constant 0 : i32
      %cond3A_84 = arith.cmpi ne, %convert_element_type3A_82, %cond3A_83 : i32
      scf.if %cond3A_84 {
        "tpu.region"() ({
          %run_scoped3A = tpu.sem_alloc : memref<!tpu.dma_semaphore, #tpu.memory_space<semaphore_mem>>
          %dma_start3A = arith.constant 0 : i32
          %dma_start3A_90 = arith.constant 0 : i32
          %dma_start3A_91 = tpu.memref_slice %arg10[%dma_start3A, %dma_start3A_90] : memref<128x64xf32, #tpu.memory_space<vmem>> -> memref<120x64xf32, #tpu.memory_space<vmem>>
          %dma_start3A_92 = arith.constant 0 : i32
          %dma_start3A_93 = tpu.memref_slice %arg6[%add3A_79, %dma_start3A_92] : memref<10000x64xf32, #tpu.memory_space<hbm>> -> memref<120x64xf32, #tpu.memory_space<hbm>>
          %dma_start3A_94 = arith.constant 0 : i32
          %dma_start3A_95 = tpu.memref_slice %arg6[%add3A_79, %dma_start3A_94] : memref<10000x64xf32, #tpu.memory_space<hbm>> -> memref<120x64xf32, #tpu.memory_space<hbm>>
          %dma_start3A_96 = arith.constant 0 : i32
          %dma_start3A_97 = arith.constant 0 : i32
          %dma_start3A_98 = tpu.memref_slice %arg10[%dma_start3A_96, %dma_start3A_97] : memref<128x64xf32, #tpu.memory_space<vmem>> -> memref<120x64xf32, #tpu.memory_space<vmem>>
          tpu.enqueue_dma source(%dma_start3A_98 : memref<120x64xf32, #tpu.memory_space<vmem>>) target(%dma_start3A_95 : memref<120x64xf32, #tpu.memory_space<hbm>>) target_semaphore(%run_scoped3A : memref<!tpu.dma_semaphore, #tpu.memory_space<semaphore_mem>>)
          %dma_wait3A = arith.constant 0 : i32
          %dma_wait3A_99 = arith.constant 0 : i32
          %dma_wait3A_100 = tpu.memref_slice %arg10[%dma_wait3A, %dma_wait3A_99] : memref<128x64xf32, #tpu.memory_space<vmem>> -> memref<120x64xf32, #tpu.memory_space<vmem>>
          %dma_wait3A_101 = arith.constant 0 : i32
          %dma_wait3A_102 = tpu.memref_slice %arg6[%add3A_79, %dma_wait3A_101] : memref<10000x64xf32, #tpu.memory_space<hbm>> -> memref<120x64xf32, #tpu.memory_space<hbm>>
          %dma_wait3A_103 = arith.constant 0 : i32
          %dma_wait3A_104 = tpu.memref_slice %arg6[%add3A_79, %dma_wait3A_103] : memref<10000x64xf32, #tpu.memory_space<hbm>> -> memref<120x64xf32, #tpu.memory_space<hbm>>
          %dma_wait3A_105 = arith.constant 0 : i32
          %dma_wait3A_106 = arith.constant 0 : i32
          %dma_wait3A_107 = tpu.memref_slice %arg10[%dma_wait3A_105, %dma_wait3A_106] : memref<128x64xf32, #tpu.memory_space<vmem>> -> memref<120x64xf32, #tpu.memory_space<vmem>>
          tpu.wait_dma2 semaphore(%run_scoped3A : memref<!tpu.dma_semaphore, #tpu.memory_space<semaphore_mem>>) src(%dma_wait3A_107 : memref<120x64xf32, #tpu.memory_space<vmem>>) dst(%dma_wait3A_104 : memref<120x64xf32, #tpu.memory_space<hbm>>)
          tpu.yield
        }) : () -> ()
      } else {
      }
      %eq3A_85 = arith.constant 1 : i32
      %eq3A_86 = arith.cmpi eq, %arg0, %eq3A_85 : i32
      %convert_element_type3A_87 = arith.extui %eq3A_86 : i1 to i32
      %cond3A_88 = arith.constant 0 : i32
      %cond3A_89 = arith.cmpi ne, %convert_element_type3A_87, %cond3A_88 : i32
      scf.if %cond3A_89 {
        "tpu.region"() ({
          %run_scoped3A = tpu.sem_alloc : memref<!tpu.dma_semaphore, #tpu.memory_space<semaphore_mem>>
          %dma_start3A = arith.constant 0 : i32
          %dma_start3A_90 = arith.constant 0 : i32
          %dma_start3A_91 = tpu.memref_slice %arg10[%dma_start3A, %dma_start3A_90] : memref<128x64xf32, #tpu.memory_space<vmem>> -> memref<120x64xf32, #tpu.memory_space<vmem>>
          %dma_start3A_92 = arith.constant 0 : i32
          %dma_start3A_93 = tpu.memref_slice %arg7[%add3A_79, %dma_start3A_92] : memref<10000x64xf32, #tpu.memory_space<hbm>> -> memref<120x64xf32, #tpu.memory_space<hbm>>
          %dma_start3A_94 = arith.constant 0 : i32
          %dma_start3A_95 = tpu.memref_slice %arg7[%add3A_79, %dma_start3A_94] : memref<10000x64xf32, #tpu.memory_space<hbm>> -> memref<120x64xf32, #tpu.memory_space<hbm>>
          %dma_start3A_96 = arith.constant 0 : i32
          %dma_start3A_97 = arith.constant 0 : i32
          %dma_start3A_98 = tpu.memref_slice %arg10[%dma_start3A_96, %dma_start3A_97] : memref<128x64xf32, #tpu.memory_space<vmem>> -> memref<120x64xf32, #tpu.memory_space<vmem>>
          tpu.enqueue_dma source(%dma_start3A_98 : memref<120x64xf32, #tpu.memory_space<vmem>>) target(%dma_start3A_95 : memref<120x64xf32, #tpu.memory_space<hbm>>) target_semaphore(%run_scoped3A : memref<!tpu.dma_semaphore, #tpu.memory_space<semaphore_mem>>)
          %dma_wait3A = arith.constant 0 : i32
          %dma_wait3A_99 = arith.constant 0 : i32
          %dma_wait3A_100 = tpu.memref_slice %arg10[%dma_wait3A, %dma_wait3A_99] : memref<128x64xf32, #tpu.memory_space<vmem>> -> memref<120x64xf32, #tpu.memory_space<vmem>>
          %dma_wait3A_101 = arith.constant 0 : i32
          %dma_wait3A_102 = tpu.memref_slice %arg7[%add3A_79, %dma_wait3A_101] : memref<10000x64xf32, #tpu.memory_space<hbm>> -> memref<120x64xf32, #tpu.memory_space<hbm>>
          %dma_wait3A_103 = arith.constant 0 : i32
          %dma_wait3A_104 = tpu.memref_slice %arg7[%add3A_79, %dma_wait3A_103] : memref<10000x64xf32, #tpu.memory_space<hbm>> -> memref<120x64xf32, #tpu.memory_space<hbm>>
          %dma_wait3A_105 = arith.constant 0 : i32
          %dma_wait3A_106 = arith.constant 0 : i32
          %dma_wait3A_107 = tpu.memref_slice %arg10[%dma_wait3A_105, %dma_wait3A_106] : memref<128x64xf32, #tpu.memory_space<vmem>> -> memref<120x64xf32, #tpu.memory_space<vmem>>
          tpu.wait_dma2 semaphore(%run_scoped3A : memref<!tpu.dma_semaphore, #tpu.memory_space<semaphore_mem>>) src(%dma_wait3A_107 : memref<120x64xf32, #tpu.memory_space<vmem>>) dst(%dma_wait3A_104 : memref<120x64xf32, #tpu.memory_space<hbm>>)
          tpu.yield
        }) : () -> ()
      } else {
      }
    } else {
    }
    %eq3A_73 = arith.constant 15 : i32
    %eq3A_74 = arith.cmpi eq, %arg1, %eq3A_73 : i32
    %convert_element_type3A_75 = arith.extui %eq3A_74 : i1 to i32
    %cond3A_76 = arith.constant 0 : i32
    %cond3A_77 = arith.cmpi ne, %convert_element_type3A_75, %cond3A_76 : i32
    scf.if %cond3A_77 {
      %add3A_78 = arith.constant 512 : i32
      %add3A_79 = arith.addi %mul3A_0, %add3A_78 : i32
      "tpu.region"() ({
        %run_scoped3A = tpu.sem_alloc : memref<!tpu.dma_semaphore, #tpu.memory_space<semaphore_mem>>
        %dma_start3A = arith.constant 0 : i32
        %dma_start3A_90 = arith.constant 0 : i32
        %dma_start3A_91 = tpu.memref_slice %arg10[%dma_start3A, %dma_start3A_90] : memref<128x64xf32, #tpu.memory_space<vmem>> -> memref<8x64xf32, #tpu.memory_space<vmem>>
        %dma_start3A_92 = arith.constant 0 : i32
        %dma_start3A_93 = tpu.memref_slice %arg11[%add3A_79, %dma_start3A_92] : memref<10000x64xf32, #tpu.memory_space<vmem_shared>> -> memref<8x64xf32, #tpu.memory_space<vmem_shared>>
        %dma_start3A_94 = arith.constant 0 : i32
        %dma_start3A_95 = arith.constant 0 : i32
        %dma_start3A_96 = tpu.memref_slice %arg10[%dma_start3A_94, %dma_start3A_95] : memref<128x64xf32, #tpu.memory_space<vmem>> -> memref<8x64xf32, #tpu.memory_space<vmem>>
        %dma_start3A_97 = arith.constant 0 : i32
        %dma_start3A_98 = tpu.memref_slice %arg11[%add3A_79, %dma_start3A_97] : memref<10000x64xf32, #tpu.memory_space<vmem_shared>> -> memref<8x64xf32, #tpu.memory_space<vmem_shared>>
        tpu.enqueue_dma source(%dma_start3A_98 : memref<8x64xf32, #tpu.memory_space<vmem_shared>>) target(%dma_start3A_96 : memref<8x64xf32, #tpu.memory_space<vmem>>) target_semaphore(%run_scoped3A : memref<!tpu.dma_semaphore, #tpu.memory_space<semaphore_mem>>)
        %dma_wait3A = arith.constant 0 : i32
        %dma_wait3A_99 = arith.constant 0 : i32
        %dma_wait3A_100 = tpu.memref_slice %arg10[%dma_wait3A, %dma_wait3A_99] : memref<128x64xf32, #tpu.memory_space<vmem>> -> memref<8x64xf32, #tpu.memory_space<vmem>>
        %dma_wait3A_101 = arith.constant 0 : i32
        %dma_wait3A_102 = tpu.memref_slice %arg11[%add3A_79, %dma_wait3A_101] : memref<10000x64xf32, #tpu.memory_space<vmem_shared>> -> memref<8x64xf32, #tpu.memory_space<vmem_shared>>
        %dma_wait3A_103 = arith.constant 0 : i32
        %dma_wait3A_104 = arith.constant 0 : i32
        %dma_wait3A_105 = tpu.memref_slice %arg10[%dma_wait3A_103, %dma_wait3A_104] : memref<128x64xf32, #tpu.memory_space<vmem>> -> memref<8x64xf32, #tpu.memory_space<vmem>>
        %dma_wait3A_106 = arith.constant 0 : i32
        %dma_wait3A_107 = tpu.memref_slice %arg11[%add3A_79, %dma_wait3A_106] : memref<10000x64xf32, #tpu.memory_space<vmem_shared>> -> memref<8x64xf32, #tpu.memory_space<vmem_shared>>
        tpu.wait_dma2 semaphore(%run_scoped3A : memref<!tpu.dma_semaphore, #tpu.memory_space<semaphore_mem>>) src(%dma_wait3A_107 : memref<8x64xf32, #tpu.memory_space<vmem_shared>>) dst(%dma_wait3A_105 : memref<8x64xf32, #tpu.memory_space<vmem>>)
        tpu.yield
      }) : () -> ()
      %eq3A_80 = arith.constant 0 : i32
      %eq3A_81 = arith.cmpi eq, %arg0, %eq3A_80 : i32
      %convert_element_type3A_82 = arith.extui %eq3A_81 : i1 to i32
      %cond3A_83 = arith.constant 0 : i32
      %cond3A_84 = arith.cmpi ne, %convert_element_type3A_82, %cond3A_83 : i32
      scf.if %cond3A_84 {
        "tpu.region"() ({
          %run_scoped3A = tpu.sem_alloc : memref<!tpu.dma_semaphore, #tpu.memory_space<semaphore_mem>>
          %dma_start3A = arith.constant 0 : i32
          %dma_start3A_90 = arith.constant 0 : i32
          %dma_start3A_91 = tpu.memref_slice %arg10[%dma_start3A, %dma_start3A_90] : memref<128x64xf32, #tpu.memory_space<vmem>> -> memref<8x64xf32, #tpu.memory_space<vmem>>
          %dma_start3A_92 = arith.constant 0 : i32
          %dma_start3A_93 = tpu.memref_slice %arg6[%add3A_79, %dma_start3A_92] : memref<10000x64xf32, #tpu.memory_space<hbm>> -> memref<8x64xf32, #tpu.memory_space<hbm>>
          %dma_start3A_94 = arith.constant 0 : i32
          %dma_start3A_95 = tpu.memref_slice %arg6[%add3A_79, %dma_start3A_94] : memref<10000x64xf32, #tpu.memory_space<hbm>> -> memref<8x64xf32, #tpu.memory_space<hbm>>
          %dma_start3A_96 = arith.constant 0 : i32
          %dma_start3A_97 = arith.constant 0 : i32
          %dma_start3A_98 = tpu.memref_slice %arg10[%dma_start3A_96, %dma_start3A_97] : memref<128x64xf32, #tpu.memory_space<vmem>> -> memref<8x64xf32, #tpu.memory_space<vmem>>
          tpu.enqueue_dma source(%dma_start3A_98 : memref<8x64xf32, #tpu.memory_space<vmem>>) target(%dma_start3A_95 : memref<8x64xf32, #tpu.memory_space<hbm>>) target_semaphore(%run_scoped3A : memref<!tpu.dma_semaphore, #tpu.memory_space<semaphore_mem>>)
          %dma_wait3A = arith.constant 0 : i32
          %dma_wait3A_99 = arith.constant 0 : i32
          %dma_wait3A_100 = tpu.memref_slice %arg10[%dma_wait3A, %dma_wait3A_99] : memref<128x64xf32, #tpu.memory_space<vmem>> -> memref<8x64xf32, #tpu.memory_space<vmem>>
          %dma_wait3A_101 = arith.constant 0 : i32
          %dma_wait3A_102 = tpu.memref_slice %arg6[%add3A_79, %dma_wait3A_101] : memref<10000x64xf32, #tpu.memory_space<hbm>> -> memref<8x64xf32, #tpu.memory_space<hbm>>
          %dma_wait3A_103 = arith.constant 0 : i32
          %dma_wait3A_104 = tpu.memref_slice %arg6[%add3A_79, %dma_wait3A_103] : memref<10000x64xf32, #tpu.memory_space<hbm>> -> memref<8x64xf32, #tpu.memory_space<hbm>>
          %dma_wait3A_105 = arith.constant 0 : i32
          %dma_wait3A_106 = arith.constant 0 : i32
          %dma_wait3A_107 = tpu.memref_slice %arg10[%dma_wait3A_105, %dma_wait3A_106] : memref<128x64xf32, #tpu.memory_space<vmem>> -> memref<8x64xf32, #tpu.memory_space<vmem>>
          tpu.wait_dma2 semaphore(%run_scoped3A : memref<!tpu.dma_semaphore, #tpu.memory_space<semaphore_mem>>) src(%dma_wait3A_107 : memref<8x64xf32, #tpu.memory_space<vmem>>) dst(%dma_wait3A_104 : memref<8x64xf32, #tpu.memory_space<hbm>>)
          tpu.yield
        }) : () -> ()
      } else {
      }
      %eq3A_85 = arith.constant 1 : i32
      %eq3A_86 = arith.cmpi eq, %arg0, %eq3A_85 : i32
      %convert_element_type3A_87 = arith.extui %eq3A_86 : i1 to i32
      %cond3A_88 = arith.constant 0 : i32
      %cond3A_89 = arith.cmpi ne, %convert_element_type3A_87, %cond3A_88 : i32
      scf.if %cond3A_89 {
        "tpu.region"() ({
          %run_scoped3A = tpu.sem_alloc : memref<!tpu.dma_semaphore, #tpu.memory_space<semaphore_mem>>
          %dma_start3A = arith.constant 0 : i32
          %dma_start3A_90 = arith.constant 0 : i32
          %dma_start3A_91 = tpu.memref_slice %arg10[%dma_start3A, %dma_start3A_90] : memref<128x64xf32, #tpu.memory_space<vmem>> -> memref<8x64xf32, #tpu.memory_space<vmem>>
          %dma_start3A_92 = arith.constant 0 : i32
          %dma_start3A_93 = tpu.memref_slice %arg7[%add3A_79, %dma_start3A_92] : memref<10000x64xf32, #tpu.memory_space<hbm>> -> memref<8x64xf32, #tpu.memory_space<hbm>>
          %dma_start3A_94 = arith.constant 0 : i32
          %dma_start3A_95 = tpu.memref_slice %arg7[%add3A_79, %dma_start3A_94] : memref<10000x64xf32, #tpu.memory_space<hbm>> -> memref<8x64xf32, #tpu.memory_space<hbm>>
          %dma_start3A_96 = arith.constant 0 : i32
          %dma_start3A_97 = arith.constant 0 : i32
          %dma_start3A_98 = tpu.memref_slice %arg10[%dma_start3A_96, %dma_start3A_97] : memref<128x64xf32, #tpu.memory_space<vmem>> -> memref<8x64xf32, #tpu.memory_space<vmem>>
          tpu.enqueue_dma source(%dma_start3A_98 : memref<8x64xf32, #tpu.memory_space<vmem>>) target(%dma_start3A_95 : memref<8x64xf32, #tpu.memory_space<hbm>>) target_semaphore(%run_scoped3A : memref<!tpu.dma_semaphore, #tpu.memory_space<semaphore_mem>>)
          %dma_wait3A = arith.constant 0 : i32
          %dma_wait3A_99 = arith.constant 0 : i32
          %dma_wait3A_100 = tpu.memref_slice %arg10[%dma_wait3A, %dma_wait3A_99] : memref<128x64xf32, #tpu.memory_space<vmem>> -> memref<8x64xf32, #tpu.memory_space<vmem>>
          %dma_wait3A_101 = arith.constant 0 : i32
          %dma_wait3A_102 = tpu.memref_slice %arg7[%add3A_79, %dma_wait3A_101] : memref<10000x64xf32, #tpu.memory_space<hbm>> -> memref<8x64xf32, #tpu.memory_space<hbm>>
          %dma_wait3A_103 = arith.constant 0 : i32
          %dma_wait3A_104 = tpu.memref_slice %arg7[%add3A_79, %dma_wait3A_103] : memref<10000x64xf32, #tpu.memory_space<hbm>> -> memref<8x64xf32, #tpu.memory_space<hbm>>
          %dma_wait3A_105 = arith.constant 0 : i32
          %dma_wait3A_106 = arith.constant 0 : i32
          %dma_wait3A_107 = tpu.memref_slice %arg10[%dma_wait3A_105, %dma_wait3A_106] : memref<128x64xf32, #tpu.memory_space<vmem>> -> memref<8x64xf32, #tpu.memory_space<vmem>>
          tpu.wait_dma2 semaphore(%run_scoped3A : memref<!tpu.dma_semaphore, #tpu.memory_space<semaphore_mem>>) src(%dma_wait3A_107 : memref<8x64xf32, #tpu.memory_space<vmem>>) dst(%dma_wait3A_104 : memref<8x64xf32, #tpu.memory_space<hbm>>)
          tpu.yield
        }) : () -> ()
      } else {
      }
    } else {
    }
    return
  }
}

#map = affine_map<(d0, d1) -> (0)>
#map1 = affine_map<(d0, d1) -> (0, 0)>
module attributes {stable_mosaic.version = 14 : i64} {
  func.func @_gather_body(%arg0: i32, %arg1: i32, %arg2: memref<320000xi32, #tpu.memory_space<hbm>>, %arg3: memref<320000xi32, #tpu.memory_space<hbm>>, %arg4: memref<10000x128xf32, #tpu.memory_space<hbm>>, %arg5: memref<128x16xf32, #tpu.memory_space<hbm>>, %arg6: memref<128x16xf32, #tpu.memory_space<hbm>>, %arg7: memref<320000x128xf32, #tpu.memory_space<hbm>>, %arg8: memref<320000x128xf32, #tpu.memory_space<hbm>>, %arg9: memref<20000x16xf32, #tpu.memory_space<hbm>>, %arg10: memref<128xi32, #tpu.memory_space<vmem>>, %arg11: memref<128x128xf32, #tpu.memory_space<vmem>>, %arg12: memref<128x16xf32, #tpu.memory_space<vmem>>, %arg13: memref<128x16xf32, #tpu.memory_space<vmem>>, %arg14: memref<10000x16xf32, #tpu.memory_space<vmem_shared>>, %arg15: memref<!tpu.dma_semaphore, #tpu.memory_space<semaphore_mem>>) attributes {dimension_semantics = [#tpu.dimension_semantics<core_parallel>, #tpu.dimension_semantics<subcore_parallel>], iteration_bounds = array<i64: 2, 16>, scalar_prefetch = 0 : i64, scratch_operands = 6 : i64, tpu.core_type = #tpu.core_type<sc_vector_subcore>, window_params = [{transform_indices = #map}, {transform_indices = #map}, {transform_indices = #map1}, {transform_indices = #map1}, {transform_indices = #map1}, {transform_indices = #map1}, {transform_indices = #map1}, {transform_indices = #map1}]} {
    %mul3A = arith.constant 2 : i32
    %mul3A_0 = arith.muli %arg1, %mul3A : i32
    %add3A = arith.addi %mul3A_0, %arg0 : i32
    %mul3A_1 = arith.constant 632 : i32
    %mul3A_2 = arith.muli %arg1, %mul3A_1 : i32
    "tpu.region"() ({
      %run_scoped3A = tpu.sem_alloc : memref<!tpu.dma_semaphore, #tpu.memory_space<semaphore_mem>>
      tpu.enqueue_dma source(%arg5 : memref<128x16xf32, #tpu.memory_space<hbm>>) target(%arg12 : memref<128x16xf32, #tpu.memory_space<vmem>>) target_semaphore(%run_scoped3A : memref<!tpu.dma_semaphore, #tpu.memory_space<semaphore_mem>>)
      tpu.wait_dma2 semaphore(%run_scoped3A : memref<!tpu.dma_semaphore, #tpu.memory_space<semaphore_mem>>) src(%arg5 : memref<128x16xf32, #tpu.memory_space<hbm>>) dst(%arg12 : memref<128x16xf32, #tpu.memory_space<vmem>>)
      tpu.yield
    }) : () -> ()
    "tpu.region"() ({
      %run_scoped3A = tpu.sem_alloc : memref<!tpu.dma_semaphore, #tpu.memory_space<semaphore_mem>>
      tpu.enqueue_dma source(%arg6 : memref<128x16xf32, #tpu.memory_space<hbm>>) target(%arg13 : memref<128x16xf32, #tpu.memory_space<vmem>>) target_semaphore(%run_scoped3A : memref<!tpu.dma_semaphore, #tpu.memory_space<semaphore_mem>>)
      tpu.wait_dma2 semaphore(%run_scoped3A : memref<!tpu.dma_semaphore, #tpu.memory_space<semaphore_mem>>) src(%arg6 : memref<128x16xf32, #tpu.memory_space<hbm>>) dst(%arg13 : memref<128x16xf32, #tpu.memory_space<vmem>>)
      tpu.yield
    }) : () -> ()
    %add3A_3 = arith.constant 0 : i32
    %add3A_4 = arith.addi %mul3A_2, %add3A_3 : i32
    "tpu.region"() ({
      %run_scoped3A = tpu.sem_alloc : memref<!tpu.dma_semaphore, #tpu.memory_space<semaphore_mem>>
      %dma_start3A = arith.constant 0 : i32
      %dma_start3A_53 = arith.constant 0 : i32
      %dma_start3A_54 = tpu.memref_slice %arg12[%dma_start3A, %dma_start3A_53] : memref<128x16xf32, #tpu.memory_space<vmem>> -> memref<128x16xf32, #tpu.memory_space<vmem>>
      %dma_start3A_55 = arith.constant 0 : i32
      %dma_start3A_56 = tpu.memref_slice %arg14[%add3A_4, %dma_start3A_55] : memref<10000x16xf32, #tpu.memory_space<vmem_shared>> -> memref<128x16xf32, #tpu.memory_space<vmem_shared>>
      %dma_start3A_57 = arith.constant 0 : i32
      %dma_start3A_58 = tpu.memref_slice %arg14[%add3A_4, %dma_start3A_57] : memref<10000x16xf32, #tpu.memory_space<vmem_shared>> -> memref<128x16xf32, #tpu.memory_space<vmem_shared>>
      %dma_start3A_59 = arith.constant 0 : i32
      %dma_start3A_60 = arith.constant 0 : i32
      %dma_start3A_61 = tpu.memref_slice %arg12[%dma_start3A_59, %dma_start3A_60] : memref<128x16xf32, #tpu.memory_space<vmem>> -> memref<128x16xf32, #tpu.memory_space<vmem>>
      tpu.enqueue_dma source(%dma_start3A_61 : memref<128x16xf32, #tpu.memory_space<vmem>>) target(%dma_start3A_58 : memref<128x16xf32, #tpu.memory_space<vmem_shared>>) target_semaphore(%run_scoped3A : memref<!tpu.dma_semaphore, #tpu.memory_space<semaphore_mem>>)
      %dma_wait3A = arith.constant 0 : i32
      %dma_wait3A_62 = arith.constant 0 : i32
      %dma_wait3A_63 = tpu.memref_slice %arg12[%dma_wait3A, %dma_wait3A_62] : memref<128x16xf32, #tpu.memory_space<vmem>> -> memref<128x16xf32, #tpu.memory_space<vmem>>
      %dma_wait3A_64 = arith.constant 0 : i32
      %dma_wait3A_65 = tpu.memref_slice %arg14[%add3A_4, %dma_wait3A_64] : memref<10000x16xf32, #tpu.memory_space<vmem_shared>> -> memref<128x16xf32, #tpu.memory_space<vmem_shared>>
      %dma_wait3A_66 = arith.constant 0 : i32
      %dma_wait3A_67 = tpu.memref_slice %arg14[%add3A_4, %dma_wait3A_66] : memref<10000x16xf32, #tpu.memory_space<vmem_shared>> -> memref<128x16xf32, #tpu.memory_space<vmem_shared>>
      %dma_wait3A_68 = arith.constant 0 : i32
      %dma_wait3A_69 = arith.constant 0 : i32
      %dma_wait3A_70 = tpu.memref_slice %arg12[%dma_wait3A_68, %dma_wait3A_69] : memref<128x16xf32, #tpu.memory_space<vmem>> -> memref<128x16xf32, #tpu.memory_space<vmem>>
      tpu.wait_dma2 semaphore(%run_scoped3A : memref<!tpu.dma_semaphore, #tpu.memory_space<semaphore_mem>>) src(%dma_wait3A_70 : memref<128x16xf32, #tpu.memory_space<vmem>>) dst(%dma_wait3A_67 : memref<128x16xf32, #tpu.memory_space<vmem_shared>>)
      tpu.yield
    }) : () -> ()
    %add3A_5 = arith.constant 128 : i32
    %add3A_6 = arith.addi %mul3A_2, %add3A_5 : i32
    "tpu.region"() ({
      %run_scoped3A = tpu.sem_alloc : memref<!tpu.dma_semaphore, #tpu.memory_space<semaphore_mem>>
      %dma_start3A = arith.constant 0 : i32
      %dma_start3A_53 = arith.constant 0 : i32
      %dma_start3A_54 = tpu.memref_slice %arg12[%dma_start3A, %dma_start3A_53] : memref<128x16xf32, #tpu.memory_space<vmem>> -> memref<128x16xf32, #tpu.memory_space<vmem>>
      %dma_start3A_55 = arith.constant 0 : i32
      %dma_start3A_56 = tpu.memref_slice %arg14[%add3A_6, %dma_start3A_55] : memref<10000x16xf32, #tpu.memory_space<vmem_shared>> -> memref<128x16xf32, #tpu.memory_space<vmem_shared>>
      %dma_start3A_57 = arith.constant 0 : i32
      %dma_start3A_58 = tpu.memref_slice %arg14[%add3A_6, %dma_start3A_57] : memref<10000x16xf32, #tpu.memory_space<vmem_shared>> -> memref<128x16xf32, #tpu.memory_space<vmem_shared>>
      %dma_start3A_59 = arith.constant 0 : i32
      %dma_start3A_60 = arith.constant 0 : i32
      %dma_start3A_61 = tpu.memref_slice %arg12[%dma_start3A_59, %dma_start3A_60] : memref<128x16xf32, #tpu.memory_space<vmem>> -> memref<128x16xf32, #tpu.memory_space<vmem>>
      tpu.enqueue_dma source(%dma_start3A_61 : memref<128x16xf32, #tpu.memory_space<vmem>>) target(%dma_start3A_58 : memref<128x16xf32, #tpu.memory_space<vmem_shared>>) target_semaphore(%run_scoped3A : memref<!tpu.dma_semaphore, #tpu.memory_space<semaphore_mem>>)
      %dma_wait3A = arith.constant 0 : i32
      %dma_wait3A_62 = arith.constant 0 : i32
      %dma_wait3A_63 = tpu.memref_slice %arg12[%dma_wait3A, %dma_wait3A_62] : memref<128x16xf32, #tpu.memory_space<vmem>> -> memref<128x16xf32, #tpu.memory_space<vmem>>
      %dma_wait3A_64 = arith.constant 0 : i32
      %dma_wait3A_65 = tpu.memref_slice %arg14[%add3A_6, %dma_wait3A_64] : memref<10000x16xf32, #tpu.memory_space<vmem_shared>> -> memref<128x16xf32, #tpu.memory_space<vmem_shared>>
      %dma_wait3A_66 = arith.constant 0 : i32
      %dma_wait3A_67 = tpu.memref_slice %arg14[%add3A_6, %dma_wait3A_66] : memref<10000x16xf32, #tpu.memory_space<vmem_shared>> -> memref<128x16xf32, #tpu.memory_space<vmem_shared>>
      %dma_wait3A_68 = arith.constant 0 : i32
      %dma_wait3A_69 = arith.constant 0 : i32
      %dma_wait3A_70 = tpu.memref_slice %arg12[%dma_wait3A_68, %dma_wait3A_69] : memref<128x16xf32, #tpu.memory_space<vmem>> -> memref<128x16xf32, #tpu.memory_space<vmem>>
      tpu.wait_dma2 semaphore(%run_scoped3A : memref<!tpu.dma_semaphore, #tpu.memory_space<semaphore_mem>>) src(%dma_wait3A_70 : memref<128x16xf32, #tpu.memory_space<vmem>>) dst(%dma_wait3A_67 : memref<128x16xf32, #tpu.memory_space<vmem_shared>>)
      tpu.yield
    }) : () -> ()
    %add3A_7 = arith.constant 256 : i32
    %add3A_8 = arith.addi %mul3A_2, %add3A_7 : i32
    "tpu.region"() ({
      %run_scoped3A = tpu.sem_alloc : memref<!tpu.dma_semaphore, #tpu.memory_space<semaphore_mem>>
      %dma_start3A = arith.constant 0 : i32
      %dma_start3A_53 = arith.constant 0 : i32
      %dma_start3A_54 = tpu.memref_slice %arg12[%dma_start3A, %dma_start3A_53] : memref<128x16xf32, #tpu.memory_space<vmem>> -> memref<128x16xf32, #tpu.memory_space<vmem>>
      %dma_start3A_55 = arith.constant 0 : i32
      %dma_start3A_56 = tpu.memref_slice %arg14[%add3A_8, %dma_start3A_55] : memref<10000x16xf32, #tpu.memory_space<vmem_shared>> -> memref<128x16xf32, #tpu.memory_space<vmem_shared>>
      %dma_start3A_57 = arith.constant 0 : i32
      %dma_start3A_58 = tpu.memref_slice %arg14[%add3A_8, %dma_start3A_57] : memref<10000x16xf32, #tpu.memory_space<vmem_shared>> -> memref<128x16xf32, #tpu.memory_space<vmem_shared>>
      %dma_start3A_59 = arith.constant 0 : i32
      %dma_start3A_60 = arith.constant 0 : i32
      %dma_start3A_61 = tpu.memref_slice %arg12[%dma_start3A_59, %dma_start3A_60] : memref<128x16xf32, #tpu.memory_space<vmem>> -> memref<128x16xf32, #tpu.memory_space<vmem>>
      tpu.enqueue_dma source(%dma_start3A_61 : memref<128x16xf32, #tpu.memory_space<vmem>>) target(%dma_start3A_58 : memref<128x16xf32, #tpu.memory_space<vmem_shared>>) target_semaphore(%run_scoped3A : memref<!tpu.dma_semaphore, #tpu.memory_space<semaphore_mem>>)
      %dma_wait3A = arith.constant 0 : i32
      %dma_wait3A_62 = arith.constant 0 : i32
      %dma_wait3A_63 = tpu.memref_slice %arg12[%dma_wait3A, %dma_wait3A_62] : memref<128x16xf32, #tpu.memory_space<vmem>> -> memref<128x16xf32, #tpu.memory_space<vmem>>
      %dma_wait3A_64 = arith.constant 0 : i32
      %dma_wait3A_65 = tpu.memref_slice %arg14[%add3A_8, %dma_wait3A_64] : memref<10000x16xf32, #tpu.memory_space<vmem_shared>> -> memref<128x16xf32, #tpu.memory_space<vmem_shared>>
      %dma_wait3A_66 = arith.constant 0 : i32
      %dma_wait3A_67 = tpu.memref_slice %arg14[%add3A_8, %dma_wait3A_66] : memref<10000x16xf32, #tpu.memory_space<vmem_shared>> -> memref<128x16xf32, #tpu.memory_space<vmem_shared>>
      %dma_wait3A_68 = arith.constant 0 : i32
      %dma_wait3A_69 = arith.constant 0 : i32
      %dma_wait3A_70 = tpu.memref_slice %arg12[%dma_wait3A_68, %dma_wait3A_69] : memref<128x16xf32, #tpu.memory_space<vmem>> -> memref<128x16xf32, #tpu.memory_space<vmem>>
      tpu.wait_dma2 semaphore(%run_scoped3A : memref<!tpu.dma_semaphore, #tpu.memory_space<semaphore_mem>>) src(%dma_wait3A_70 : memref<128x16xf32, #tpu.memory_space<vmem>>) dst(%dma_wait3A_67 : memref<128x16xf32, #tpu.memory_space<vmem_shared>>)
      tpu.yield
    }) : () -> ()
    %add3A_9 = arith.constant 384 : i32
    %add3A_10 = arith.addi %mul3A_2, %add3A_9 : i32
    "tpu.region"() ({
      %run_scoped3A = tpu.sem_alloc : memref<!tpu.dma_semaphore, #tpu.memory_space<semaphore_mem>>
      %dma_start3A = arith.constant 0 : i32
      %dma_start3A_53 = arith.constant 0 : i32
      %dma_start3A_54 = tpu.memref_slice %arg12[%dma_start3A, %dma_start3A_53] : memref<128x16xf32, #tpu.memory_space<vmem>> -> memref<128x16xf32, #tpu.memory_space<vmem>>
      %dma_start3A_55 = arith.constant 0 : i32
      %dma_start3A_56 = tpu.memref_slice %arg14[%add3A_10, %dma_start3A_55] : memref<10000x16xf32, #tpu.memory_space<vmem_shared>> -> memref<128x16xf32, #tpu.memory_space<vmem_shared>>
      %dma_start3A_57 = arith.constant 0 : i32
      %dma_start3A_58 = tpu.memref_slice %arg14[%add3A_10, %dma_start3A_57] : memref<10000x16xf32, #tpu.memory_space<vmem_shared>> -> memref<128x16xf32, #tpu.memory_space<vmem_shared>>
      %dma_start3A_59 = arith.constant 0 : i32
      %dma_start3A_60 = arith.constant 0 : i32
      %dma_start3A_61 = tpu.memref_slice %arg12[%dma_start3A_59, %dma_start3A_60] : memref<128x16xf32, #tpu.memory_space<vmem>> -> memref<128x16xf32, #tpu.memory_space<vmem>>
      tpu.enqueue_dma source(%dma_start3A_61 : memref<128x16xf32, #tpu.memory_space<vmem>>) target(%dma_start3A_58 : memref<128x16xf32, #tpu.memory_space<vmem_shared>>) target_semaphore(%run_scoped3A : memref<!tpu.dma_semaphore, #tpu.memory_space<semaphore_mem>>)
      %dma_wait3A = arith.constant 0 : i32
      %dma_wait3A_62 = arith.constant 0 : i32
      %dma_wait3A_63 = tpu.memref_slice %arg12[%dma_wait3A, %dma_wait3A_62] : memref<128x16xf32, #tpu.memory_space<vmem>> -> memref<128x16xf32, #tpu.memory_space<vmem>>
      %dma_wait3A_64 = arith.constant 0 : i32
      %dma_wait3A_65 = tpu.memref_slice %arg14[%add3A_10, %dma_wait3A_64] : memref<10000x16xf32, #tpu.memory_space<vmem_shared>> -> memref<128x16xf32, #tpu.memory_space<vmem_shared>>
      %dma_wait3A_66 = arith.constant 0 : i32
      %dma_wait3A_67 = tpu.memref_slice %arg14[%add3A_10, %dma_wait3A_66] : memref<10000x16xf32, #tpu.memory_space<vmem_shared>> -> memref<128x16xf32, #tpu.memory_space<vmem_shared>>
      %dma_wait3A_68 = arith.constant 0 : i32
      %dma_wait3A_69 = arith.constant 0 : i32
      %dma_wait3A_70 = tpu.memref_slice %arg12[%dma_wait3A_68, %dma_wait3A_69] : memref<128x16xf32, #tpu.memory_space<vmem>> -> memref<128x16xf32, #tpu.memory_space<vmem>>
      tpu.wait_dma2 semaphore(%run_scoped3A : memref<!tpu.dma_semaphore, #tpu.memory_space<semaphore_mem>>) src(%dma_wait3A_70 : memref<128x16xf32, #tpu.memory_space<vmem>>) dst(%dma_wait3A_67 : memref<128x16xf32, #tpu.memory_space<vmem_shared>>)
      tpu.yield
    }) : () -> ()
    %lt3A = arith.constant 15 : i32
    %lt3A_11 = arith.cmpi slt, %arg1, %lt3A : i32
    %convert_element_type3A = arith.extui %lt3A_11 : i1 to i32
    %cond3A = arith.constant 0 : i32
    %cond3A_12 = arith.cmpi ne, %convert_element_type3A, %cond3A : i32
    scf.if %cond3A_12 {
      %add3A_53 = arith.constant 512 : i32
      %add3A_54 = arith.addi %mul3A_2, %add3A_53 : i32
      "tpu.region"() ({
        %run_scoped3A = tpu.sem_alloc : memref<!tpu.dma_semaphore, #tpu.memory_space<semaphore_mem>>
        %dma_start3A = arith.constant 0 : i32
        %dma_start3A_55 = arith.constant 0 : i32
        %dma_start3A_56 = tpu.memref_slice %arg12[%dma_start3A, %dma_start3A_55] : memref<128x16xf32, #tpu.memory_space<vmem>> -> memref<120x16xf32, #tpu.memory_space<vmem>>
        %dma_start3A_57 = arith.constant 0 : i32
        %dma_start3A_58 = tpu.memref_slice %arg14[%add3A_54, %dma_start3A_57] : memref<10000x16xf32, #tpu.memory_space<vmem_shared>> -> memref<120x16xf32, #tpu.memory_space<vmem_shared>>
        %dma_start3A_59 = arith.constant 0 : i32
        %dma_start3A_60 = tpu.memref_slice %arg14[%add3A_54, %dma_start3A_59] : memref<10000x16xf32, #tpu.memory_space<vmem_shared>> -> memref<120x16xf32, #tpu.memory_space<vmem_shared>>
        %dma_start3A_61 = arith.constant 0 : i32
        %dma_start3A_62 = arith.constant 0 : i32
        %dma_start3A_63 = tpu.memref_slice %arg12[%dma_start3A_61, %dma_start3A_62] : memref<128x16xf32, #tpu.memory_space<vmem>> -> memref<120x16xf32, #tpu.memory_space<vmem>>
        tpu.enqueue_dma source(%dma_start3A_63 : memref<120x16xf32, #tpu.memory_space<vmem>>) target(%dma_start3A_60 : memref<120x16xf32, #tpu.memory_space<vmem_shared>>) target_semaphore(%run_scoped3A : memref<!tpu.dma_semaphore, #tpu.memory_space<semaphore_mem>>)
        %dma_wait3A = arith.constant 0 : i32
        %dma_wait3A_64 = arith.constant 0 : i32
        %dma_wait3A_65 = tpu.memref_slice %arg12[%dma_wait3A, %dma_wait3A_64] : memref<128x16xf32, #tpu.memory_space<vmem>> -> memref<120x16xf32, #tpu.memory_space<vmem>>
        %dma_wait3A_66 = arith.constant 0 : i32
        %dma_wait3A_67 = tpu.memref_slice %arg14[%add3A_54, %dma_wait3A_66] : memref<10000x16xf32, #tpu.memory_space<vmem_shared>> -> memref<120x16xf32, #tpu.memory_space<vmem_shared>>
        %dma_wait3A_68 = arith.constant 0 : i32
        %dma_wait3A_69 = tpu.memref_slice %arg14[%add3A_54, %dma_wait3A_68] : memref<10000x16xf32, #tpu.memory_space<vmem_shared>> -> memref<120x16xf32, #tpu.memory_space<vmem_shared>>
        %dma_wait3A_70 = arith.constant 0 : i32
        %dma_wait3A_71 = arith.constant 0 : i32
        %dma_wait3A_72 = tpu.memref_slice %arg12[%dma_wait3A_70, %dma_wait3A_71] : memref<128x16xf32, #tpu.memory_space<vmem>> -> memref<120x16xf32, #tpu.memory_space<vmem>>
        tpu.wait_dma2 semaphore(%run_scoped3A : memref<!tpu.dma_semaphore, #tpu.memory_space<semaphore_mem>>) src(%dma_wait3A_72 : memref<120x16xf32, #tpu.memory_space<vmem>>) dst(%dma_wait3A_69 : memref<120x16xf32, #tpu.memory_space<vmem_shared>>)
        tpu.yield
      }) : () -> ()
    } else {
    }
    %eq3A = arith.constant 15 : i32
    %eq3A_13 = arith.cmpi eq, %arg1, %eq3A : i32
    %convert_element_type3A_14 = arith.extui %eq3A_13 : i1 to i32
    %cond3A_15 = arith.constant 0 : i32
    %cond3A_16 = arith.cmpi ne, %convert_element_type3A_14, %cond3A_15 : i32
    scf.if %cond3A_16 {
      %add3A_53 = arith.constant 512 : i32
      %add3A_54 = arith.addi %mul3A_2, %add3A_53 : i32
      "tpu.region"() ({
        %run_scoped3A = tpu.sem_alloc : memref<!tpu.dma_semaphore, #tpu.memory_space<semaphore_mem>>
        %dma_start3A = arith.constant 0 : i32
        %dma_start3A_55 = arith.constant 0 : i32
        %dma_start3A_56 = tpu.memref_slice %arg12[%dma_start3A, %dma_start3A_55] : memref<128x16xf32, #tpu.memory_space<vmem>> -> memref<8x16xf32, #tpu.memory_space<vmem>>
        %dma_start3A_57 = arith.constant 0 : i32
        %dma_start3A_58 = tpu.memref_slice %arg14[%add3A_54, %dma_start3A_57] : memref<10000x16xf32, #tpu.memory_space<vmem_shared>> -> memref<8x16xf32, #tpu.memory_space<vmem_shared>>
        %dma_start3A_59 = arith.constant 0 : i32
        %dma_start3A_60 = tpu.memref_slice %arg14[%add3A_54, %dma_start3A_59] : memref<10000x16xf32, #tpu.memory_space<vmem_shared>> -> memref<8x16xf32, #tpu.memory_space<vmem_shared>>
        %dma_start3A_61 = arith.constant 0 : i32
        %dma_start3A_62 = arith.constant 0 : i32
        %dma_start3A_63 = tpu.memref_slice %arg12[%dma_start3A_61, %dma_start3A_62] : memref<128x16xf32, #tpu.memory_space<vmem>> -> memref<8x16xf32, #tpu.memory_space<vmem>>
        tpu.enqueue_dma source(%dma_start3A_63 : memref<8x16xf32, #tpu.memory_space<vmem>>) target(%dma_start3A_60 : memref<8x16xf32, #tpu.memory_space<vmem_shared>>) target_semaphore(%run_scoped3A : memref<!tpu.dma_semaphore, #tpu.memory_space<semaphore_mem>>)
        %dma_wait3A = arith.constant 0 : i32
        %dma_wait3A_64 = arith.constant 0 : i32
        %dma_wait3A_65 = tpu.memref_slice %arg12[%dma_wait3A, %dma_wait3A_64] : memref<128x16xf32, #tpu.memory_space<vmem>> -> memref<8x16xf32, #tpu.memory_space<vmem>>
        %dma_wait3A_66 = arith.constant 0 : i32
        %dma_wait3A_67 = tpu.memref_slice %arg14[%add3A_54, %dma_wait3A_66] : memref<10000x16xf32, #tpu.memory_space<vmem_shared>> -> memref<8x16xf32, #tpu.memory_space<vmem_shared>>
        %dma_wait3A_68 = arith.constant 0 : i32
        %dma_wait3A_69 = tpu.memref_slice %arg14[%add3A_54, %dma_wait3A_68] : memref<10000x16xf32, #tpu.memory_space<vmem_shared>> -> memref<8x16xf32, #tpu.memory_space<vmem_shared>>
        %dma_wait3A_70 = arith.constant 0 : i32
        %dma_wait3A_71 = arith.constant 0 : i32
        %dma_wait3A_72 = tpu.memref_slice %arg12[%dma_wait3A_70, %dma_wait3A_71] : memref<128x16xf32, #tpu.memory_space<vmem>> -> memref<8x16xf32, #tpu.memory_space<vmem>>
        tpu.wait_dma2 semaphore(%run_scoped3A : memref<!tpu.dma_semaphore, #tpu.memory_space<semaphore_mem>>) src(%dma_wait3A_72 : memref<8x16xf32, #tpu.memory_space<vmem>>) dst(%dma_wait3A_69 : memref<8x16xf32, #tpu.memory_space<vmem_shared>>)
        tpu.yield
      }) : () -> ()
    } else {
    }
    %barrier3A = arith.constant 0 : index
    tpu.barrier barrier_id(%barrier3A)
    %scan3A = arith.constant 0 : i32
    %scan3A_17 = arith.constant 0 : i32
    %scan3A_18 = arith.constant 79 : i32
    %scan3A_19 = arith.addi %scan3A_17, %scan3A_18 : i32
    %scan3A_20 = arith.constant 1 : i32
    scf.for %scan3A_53 = %scan3A_17 to %scan3A_19 step %scan3A_20  : i32 {
      %mul3A_54 = arith.constant 32 : i32
      %mul3A_55 = arith.muli %scan3A_53, %mul3A_54 : i32
      %add3A_56 = arith.addi %add3A, %mul3A_55 : i32
      %lt3A_57 = arith.constant 2500 : i32
      %lt3A_58 = arith.cmpi slt, %add3A_56, %lt3A_57 : i32
      %convert_element_type3A_59 = arith.extui %lt3A_58 : i1 to i32
      %cond3A_60 = arith.constant 0 : i32
      %cond3A_61 = arith.cmpi ne, %convert_element_type3A_59, %cond3A_60 : i32
      scf.if %cond3A_61 {
        %mul3A_62 = arith.constant 128 : i32
        %mul3A_63 = arith.muli %add3A_56, %mul3A_62 : i32
        "tpu.region"() ({
          %run_scoped3A = tpu.sem_alloc : memref<!tpu.dma_semaphore, #tpu.memory_space<semaphore_mem>>
          %dma_start3A_74 = tpu.memref_slice %arg2[%mul3A_63] : memref<320000xi32, #tpu.memory_space<hbm>> -> memref<128xi32, #tpu.memory_space<hbm>>
          %dma_start3A_75 = tpu.memref_slice %arg2[%mul3A_63] : memref<320000xi32, #tpu.memory_space<hbm>> -> memref<128xi32, #tpu.memory_space<hbm>>
          tpu.enqueue_dma source(%dma_start3A_75 : memref<128xi32, #tpu.memory_space<hbm>>) target(%arg10 : memref<128xi32, #tpu.memory_space<vmem>>) target_semaphore(%run_scoped3A : memref<!tpu.dma_semaphore, #tpu.memory_space<semaphore_mem>>)
          %dma_wait3A_76 = tpu.memref_slice %arg2[%mul3A_63] : memref<320000xi32, #tpu.memory_space<hbm>> -> memref<128xi32, #tpu.memory_space<hbm>>
          %dma_wait3A_77 = tpu.memref_slice %arg2[%mul3A_63] : memref<320000xi32, #tpu.memory_space<hbm>> -> memref<128xi32, #tpu.memory_space<hbm>>
          tpu.wait_dma2 semaphore(%run_scoped3A : memref<!tpu.dma_semaphore, #tpu.memory_space<semaphore_mem>>) src(%dma_wait3A_77 : memref<128xi32, #tpu.memory_space<hbm>>) dst(%arg10 : memref<128xi32, #tpu.memory_space<vmem>>)
          tpu.yield
        }) : () -> ()
        %dma_start3A = arith.constant 0 : i32
        %dma_start3A_64 = arith.constant 0 : i32
        %dma_start3A_65 = tpu.memref_slice %arg4[%dma_start3A, %dma_start3A_64] : memref<10000x128xf32, #tpu.memory_space<hbm>> -> memref<10000x128xf32, #tpu.memory_space<hbm>>
        tpu.enqueue_indirect_dma source(%dma_start3A_65 : memref<10000x128xf32, #tpu.memory_space<hbm>>) target(%arg11 : memref<128x128xf32, #tpu.memory_space<vmem>>) offsets(%arg10 : memref<128xi32, #tpu.memory_space<vmem>>) semaphore(%arg15 : memref<!tpu.dma_semaphore, #tpu.memory_space<semaphore_mem>>)
        %dma_wait3A = arith.constant 0 : i32
        %dma_wait3A_66 = arith.constant 0 : i32
        %dma_wait3A_67 = tpu.memref_slice %arg4[%dma_wait3A, %dma_wait3A_66] : memref<10000x128xf32, #tpu.memory_space<hbm>> -> memref<10000x128xf32, #tpu.memory_space<hbm>>
        tpu.wait_indirect_dma semaphore(%arg15 : memref<!tpu.dma_semaphore, #tpu.memory_space<semaphore_mem>>) src(%dma_wait3A_67 : memref<10000x128xf32, #tpu.memory_space<hbm>>) dst(%arg11 : memref<128x128xf32, #tpu.memory_space<vmem>>)
        "tpu.region"() ({
          %run_scoped3A = tpu.sem_alloc : memref<!tpu.dma_semaphore, #tpu.memory_space<semaphore_mem>>
          %dma_start3A_74 = arith.constant 0 : i32
          %dma_start3A_75 = tpu.memref_slice %arg7[%mul3A_63, %dma_start3A_74] : memref<320000x128xf32, #tpu.memory_space<hbm>> -> memref<128x128xf32, #tpu.memory_space<hbm>>
          %dma_start3A_76 = arith.constant 0 : i32
          %dma_start3A_77 = tpu.memref_slice %arg7[%mul3A_63, %dma_start3A_76] : memref<320000x128xf32, #tpu.memory_space<hbm>> -> memref<128x128xf32, #tpu.memory_space<hbm>>
          tpu.enqueue_dma source(%arg11 : memref<128x128xf32, #tpu.memory_space<vmem>>) target(%dma_start3A_77 : memref<128x128xf32, #tpu.memory_space<hbm>>) target_semaphore(%run_scoped3A : memref<!tpu.dma_semaphore, #tpu.memory_space<semaphore_mem>>)
          %dma_wait3A_78 = arith.constant 0 : i32
          %dma_wait3A_79 = tpu.memref_slice %arg7[%mul3A_63, %dma_wait3A_78] : memref<320000x128xf32, #tpu.memory_space<hbm>> -> memref<128x128xf32, #tpu.memory_space<hbm>>
          %dma_wait3A_80 = arith.constant 0 : i32
          %dma_wait3A_81 = tpu.memref_slice %arg7[%mul3A_63, %dma_wait3A_80] : memref<320000x128xf32, #tpu.memory_space<hbm>> -> memref<128x128xf32, #tpu.memory_space<hbm>>
          tpu.wait_dma2 semaphore(%run_scoped3A : memref<!tpu.dma_semaphore, #tpu.memory_space<semaphore_mem>>) src(%arg11 : memref<128x128xf32, #tpu.memory_space<vmem>>) dst(%dma_wait3A_81 : memref<128x128xf32, #tpu.memory_space<hbm>>)
          tpu.yield
        }) : () -> ()
        "tpu.region"() ({
          %run_scoped3A = tpu.sem_alloc : memref<!tpu.dma_semaphore, #tpu.memory_space<semaphore_mem>>
          %dma_start3A_74 = tpu.memref_slice %arg3[%mul3A_63] : memref<320000xi32, #tpu.memory_space<hbm>> -> memref<128xi32, #tpu.memory_space<hbm>>
          %dma_start3A_75 = tpu.memref_slice %arg3[%mul3A_63] : memref<320000xi32, #tpu.memory_space<hbm>> -> memref<128xi32, #tpu.memory_space<hbm>>
          tpu.enqueue_dma source(%dma_start3A_75 : memref<128xi32, #tpu.memory_space<hbm>>) target(%arg10 : memref<128xi32, #tpu.memory_space<vmem>>) target_semaphore(%run_scoped3A : memref<!tpu.dma_semaphore, #tpu.memory_space<semaphore_mem>>)
          %dma_wait3A_76 = tpu.memref_slice %arg3[%mul3A_63] : memref<320000xi32, #tpu.memory_space<hbm>> -> memref<128xi32, #tpu.memory_space<hbm>>
          %dma_wait3A_77 = tpu.memref_slice %arg3[%mul3A_63] : memref<320000xi32, #tpu.memory_space<hbm>> -> memref<128xi32, #tpu.memory_space<hbm>>
          tpu.wait_dma2 semaphore(%run_scoped3A : memref<!tpu.dma_semaphore, #tpu.memory_space<semaphore_mem>>) src(%dma_wait3A_77 : memref<128xi32, #tpu.memory_space<hbm>>) dst(%arg10 : memref<128xi32, #tpu.memory_space<vmem>>)
          tpu.yield
        }) : () -> ()
        %dma_start3A_68 = arith.constant 0 : i32
        %dma_start3A_69 = arith.constant 0 : i32
        %dma_start3A_70 = tpu.memref_slice %arg4[%dma_start3A_68, %dma_start3A_69] : memref<10000x128xf32, #tpu.memory_space<hbm>> -> memref<10000x128xf32, #tpu.memory_space<hbm>>
        tpu.enqueue_indirect_dma source(%dma_start3A_70 : memref<10000x128xf32, #tpu.memory_space<hbm>>) target(%arg11 : memref<128x128xf32, #tpu.memory_space<vmem>>) offsets(%arg10 : memref<128xi32, #tpu.memory_space<vmem>>) semaphore(%arg15 : memref<!tpu.dma_semaphore, #tpu.memory_space<semaphore_mem>>)
        %dma_wait3A_71 = arith.constant 0 : i32
        %dma_wait3A_72 = arith.constant 0 : i32
        %dma_wait3A_73 = tpu.memref_slice %arg4[%dma_wait3A_71, %dma_wait3A_72] : memref<10000x128xf32, #tpu.memory_space<hbm>> -> memref<10000x128xf32, #tpu.memory_space<hbm>>
        tpu.wait_indirect_dma semaphore(%arg15 : memref<!tpu.dma_semaphore, #tpu.memory_space<semaphore_mem>>) src(%dma_wait3A_73 : memref<10000x128xf32, #tpu.memory_space<hbm>>) dst(%arg11 : memref<128x128xf32, #tpu.memory_space<vmem>>)
        "tpu.region"() ({
          %run_scoped3A = tpu.sem_alloc : memref<!tpu.dma_semaphore, #tpu.memory_space<semaphore_mem>>
          %dma_start3A_74 = arith.constant 0 : i32
          %dma_start3A_75 = tpu.memref_slice %arg8[%mul3A_63, %dma_start3A_74] : memref<320000x128xf32, #tpu.memory_space<hbm>> -> memref<128x128xf32, #tpu.memory_space<hbm>>
          %dma_start3A_76 = arith.constant 0 : i32
          %dma_start3A_77 = tpu.memref_slice %arg8[%mul3A_63, %dma_start3A_76] : memref<320000x128xf32, #tpu.memory_space<hbm>> -> memref<128x128xf32, #tpu.memory_space<hbm>>
          tpu.enqueue_dma source(%arg11 : memref<128x128xf32, #tpu.memory_space<vmem>>) target(%dma_start3A_77 : memref<128x128xf32, #tpu.memory_space<hbm>>) target_semaphore(%run_scoped3A : memref<!tpu.dma_semaphore, #tpu.memory_space<semaphore_mem>>)
          %dma_wait3A_78 = arith.constant 0 : i32
          %dma_wait3A_79 = tpu.memref_slice %arg8[%mul3A_63, %dma_wait3A_78] : memref<320000x128xf32, #tpu.memory_space<hbm>> -> memref<128x128xf32, #tpu.memory_space<hbm>>
          %dma_wait3A_80 = arith.constant 0 : i32
          %dma_wait3A_81 = tpu.memref_slice %arg8[%mul3A_63, %dma_wait3A_80] : memref<320000x128xf32, #tpu.memory_space<hbm>> -> memref<128x128xf32, #tpu.memory_space<hbm>>
          tpu.wait_dma2 semaphore(%run_scoped3A : memref<!tpu.dma_semaphore, #tpu.memory_space<semaphore_mem>>) src(%arg11 : memref<128x128xf32, #tpu.memory_space<vmem>>) dst(%dma_wait3A_81 : memref<128x128xf32, #tpu.memory_space<hbm>>)
          tpu.yield
        }) : () -> ()
        "tpu.region"() ({
          %run_scoped3A = tpu.sem_alloc : memref<!tpu.dma_semaphore, #tpu.memory_space<semaphore_mem>>
          %dma_start3A_74 = arith.constant 0 : i32
          %dma_start3A_75 = arith.constant 0 : i32
          %dma_start3A_76 = tpu.memref_slice %arg14[%dma_start3A_74, %dma_start3A_75] : memref<10000x16xf32, #tpu.memory_space<vmem_shared>> -> memref<10000x16xf32, #tpu.memory_space<vmem_shared>>
          tpu.enqueue_indirect_dma source(%arg13 : memref<128x16xf32, #tpu.memory_space<vmem>>) target(%dma_start3A_76 : memref<10000x16xf32, #tpu.memory_space<vmem_shared>>) offsets(%arg10 : memref<128xi32, #tpu.memory_space<vmem>>) semaphore(%run_scoped3A : memref<!tpu.dma_semaphore, #tpu.memory_space<semaphore_mem>>) {add = true}
          %dma_wait3A_77 = arith.constant 0 : i32
          %dma_wait3A_78 = arith.constant 0 : i32
          %dma_wait3A_79 = tpu.memref_slice %arg14[%dma_wait3A_77, %dma_wait3A_78] : memref<10000x16xf32, #tpu.memory_space<vmem_shared>> -> memref<10000x16xf32, #tpu.memory_space<vmem_shared>>
          tpu.wait_indirect_dma semaphore(%run_scoped3A : memref<!tpu.dma_semaphore, #tpu.memory_space<semaphore_mem>>) src(%arg13 : memref<128x16xf32, #tpu.memory_space<vmem>>) dst(%dma_wait3A_79 : memref<10000x16xf32, #tpu.memory_space<vmem_shared>>)
          tpu.yield
        }) : () -> ()
      } else {
      }
    }
    %scan3A_21 = arith.constant 79 : i32
    %barrier3A_22 = arith.constant 0 : index
    tpu.barrier barrier_id(%barrier3A_22)
    %add3A_23 = arith.constant 0 : i32
    %add3A_24 = arith.addi %mul3A_2, %add3A_23 : i32
    "tpu.region"() ({
      %run_scoped3A = tpu.sem_alloc : memref<!tpu.dma_semaphore, #tpu.memory_space<semaphore_mem>>
      %dma_start3A = arith.constant 0 : i32
      %dma_start3A_53 = arith.constant 0 : i32
      %dma_start3A_54 = tpu.memref_slice %arg12[%dma_start3A, %dma_start3A_53] : memref<128x16xf32, #tpu.memory_space<vmem>> -> memref<128x16xf32, #tpu.memory_space<vmem>>
      %dma_start3A_55 = arith.constant 0 : i32
      %dma_start3A_56 = tpu.memref_slice %arg14[%add3A_24, %dma_start3A_55] : memref<10000x16xf32, #tpu.memory_space<vmem_shared>> -> memref<128x16xf32, #tpu.memory_space<vmem_shared>>
      %dma_start3A_57 = arith.constant 0 : i32
      %dma_start3A_58 = arith.constant 0 : i32
      %dma_start3A_59 = tpu.memref_slice %arg12[%dma_start3A_57, %dma_start3A_58] : memref<128x16xf32, #tpu.memory_space<vmem>> -> memref<128x16xf32, #tpu.memory_space<vmem>>
      %dma_start3A_60 = arith.constant 0 : i32
      %dma_start3A_61 = tpu.memref_slice %arg14[%add3A_24, %dma_start3A_60] : memref<10000x16xf32, #tpu.memory_space<vmem_shared>> -> memref<128x16xf32, #tpu.memory_space<vmem_shared>>
      tpu.enqueue_dma source(%dma_start3A_61 : memref<128x16xf32, #tpu.memory_space<vmem_shared>>) target(%dma_start3A_59 : memref<128x16xf32, #tpu.memory_space<vmem>>) target_semaphore(%run_scoped3A : memref<!tpu.dma_semaphore, #tpu.memory_space<semaphore_mem>>)
      %dma_wait3A = arith.constant 0 : i32
      %dma_wait3A_62 = arith.constant 0 : i32
      %dma_wait3A_63 = tpu.memref_slice %arg12[%dma_wait3A, %dma_wait3A_62] : memref<128x16xf32, #tpu.memory_space<vmem>> -> memref<128x16xf32, #tpu.memory_space<vmem>>
      %dma_wait3A_64 = arith.constant 0 : i32
      %dma_wait3A_65 = tpu.memref_slice %arg14[%add3A_24, %dma_wait3A_64] : memref<10000x16xf32, #tpu.memory_space<vmem_shared>> -> memref<128x16xf32, #tpu.memory_space<vmem_shared>>
      %dma_wait3A_66 = arith.constant 0 : i32
      %dma_wait3A_67 = arith.constant 0 : i32
      %dma_wait3A_68 = tpu.memref_slice %arg12[%dma_wait3A_66, %dma_wait3A_67] : memref<128x16xf32, #tpu.memory_space<vmem>> -> memref<128x16xf32, #tpu.memory_space<vmem>>
      %dma_wait3A_69 = arith.constant 0 : i32
      %dma_wait3A_70 = tpu.memref_slice %arg14[%add3A_24, %dma_wait3A_69] : memref<10000x16xf32, #tpu.memory_space<vmem_shared>> -> memref<128x16xf32, #tpu.memory_space<vmem_shared>>
      tpu.wait_dma2 semaphore(%run_scoped3A : memref<!tpu.dma_semaphore, #tpu.memory_space<semaphore_mem>>) src(%dma_wait3A_70 : memref<128x16xf32, #tpu.memory_space<vmem_shared>>) dst(%dma_wait3A_68 : memref<128x16xf32, #tpu.memory_space<vmem>>)
      tpu.yield
    }) : () -> ()
    %mul3A_25 = arith.constant 10000 : i32
    %mul3A_26 = arith.muli %arg0, %mul3A_25 : i32
    %add3A_27 = arith.addi %mul3A_26, %add3A_24 : i32
    "tpu.region"() ({
      %run_scoped3A = tpu.sem_alloc : memref<!tpu.dma_semaphore, #tpu.memory_space<semaphore_mem>>
      %dma_start3A = arith.constant 0 : i32
      %dma_start3A_53 = arith.constant 0 : i32
      %dma_start3A_54 = tpu.memref_slice %arg12[%dma_start3A, %dma_start3A_53] : memref<128x16xf32, #tpu.memory_space<vmem>> -> memref<128x16xf32, #tpu.memory_space<vmem>>
      %dma_start3A_55 = arith.constant 0 : i32
      %dma_start3A_56 = tpu.memref_slice %arg9[%add3A_27, %dma_start3A_55] : memref<20000x16xf32, #tpu.memory_space<hbm>> -> memref<128x16xf32, #tpu.memory_space<hbm>>
      %dma_start3A_57 = arith.constant 0 : i32
      %dma_start3A_58 = tpu.memref_slice %arg9[%add3A_27, %dma_start3A_57] : memref<20000x16xf32, #tpu.memory_space<hbm>> -> memref<128x16xf32, #tpu.memory_space<hbm>>
      %dma_start3A_59 = arith.constant 0 : i32
      %dma_start3A_60 = arith.constant 0 : i32
      %dma_start3A_61 = tpu.memref_slice %arg12[%dma_start3A_59, %dma_start3A_60] : memref<128x16xf32, #tpu.memory_space<vmem>> -> memref<128x16xf32, #tpu.memory_space<vmem>>
      tpu.enqueue_dma source(%dma_start3A_61 : memref<128x16xf32, #tpu.memory_space<vmem>>) target(%dma_start3A_58 : memref<128x16xf32, #tpu.memory_space<hbm>>) target_semaphore(%run_scoped3A : memref<!tpu.dma_semaphore, #tpu.memory_space<semaphore_mem>>)
      %dma_wait3A = arith.constant 0 : i32
      %dma_wait3A_62 = arith.constant 0 : i32
      %dma_wait3A_63 = tpu.memref_slice %arg12[%dma_wait3A, %dma_wait3A_62] : memref<128x16xf32, #tpu.memory_space<vmem>> -> memref<128x16xf32, #tpu.memory_space<vmem>>
      %dma_wait3A_64 = arith.constant 0 : i32
      %dma_wait3A_65 = tpu.memref_slice %arg9[%add3A_27, %dma_wait3A_64] : memref<20000x16xf32, #tpu.memory_space<hbm>> -> memref<128x16xf32, #tpu.memory_space<hbm>>
      %dma_wait3A_66 = arith.constant 0 : i32
      %dma_wait3A_67 = tpu.memref_slice %arg9[%add3A_27, %dma_wait3A_66] : memref<20000x16xf32, #tpu.memory_space<hbm>> -> memref<128x16xf32, #tpu.memory_space<hbm>>
      %dma_wait3A_68 = arith.constant 0 : i32
      %dma_wait3A_69 = arith.constant 0 : i32
      %dma_wait3A_70 = tpu.memref_slice %arg12[%dma_wait3A_68, %dma_wait3A_69] : memref<128x16xf32, #tpu.memory_space<vmem>> -> memref<128x16xf32, #tpu.memory_space<vmem>>
      tpu.wait_dma2 semaphore(%run_scoped3A : memref<!tpu.dma_semaphore, #tpu.memory_space<semaphore_mem>>) src(%dma_wait3A_70 : memref<128x16xf32, #tpu.memory_space<vmem>>) dst(%dma_wait3A_67 : memref<128x16xf32, #tpu.memory_space<hbm>>)
      tpu.yield
    }) : () -> ()
    %add3A_28 = arith.constant 128 : i32
    %add3A_29 = arith.addi %mul3A_2, %add3A_28 : i32
    "tpu.region"() ({
      %run_scoped3A = tpu.sem_alloc : memref<!tpu.dma_semaphore, #tpu.memory_space<semaphore_mem>>
      %dma_start3A = arith.constant 0 : i32
      %dma_start3A_53 = arith.constant 0 : i32
      %dma_start3A_54 = tpu.memref_slice %arg12[%dma_start3A, %dma_start3A_53] : memref<128x16xf32, #tpu.memory_space<vmem>> -> memref<128x16xf32, #tpu.memory_space<vmem>>
      %dma_start3A_55 = arith.constant 0 : i32
      %dma_start3A_56 = tpu.memref_slice %arg14[%add3A_29, %dma_start3A_55] : memref<10000x16xf32, #tpu.memory_space<vmem_shared>> -> memref<128x16xf32, #tpu.memory_space<vmem_shared>>
      %dma_start3A_57 = arith.constant 0 : i32
      %dma_start3A_58 = arith.constant 0 : i32
      %dma_start3A_59 = tpu.memref_slice %arg12[%dma_start3A_57, %dma_start3A_58] : memref<128x16xf32, #tpu.memory_space<vmem>> -> memref<128x16xf32, #tpu.memory_space<vmem>>
      %dma_start3A_60 = arith.constant 0 : i32
      %dma_start3A_61 = tpu.memref_slice %arg14[%add3A_29, %dma_start3A_60] : memref<10000x16xf32, #tpu.memory_space<vmem_shared>> -> memref<128x16xf32, #tpu.memory_space<vmem_shared>>
      tpu.enqueue_dma source(%dma_start3A_61 : memref<128x16xf32, #tpu.memory_space<vmem_shared>>) target(%dma_start3A_59 : memref<128x16xf32, #tpu.memory_space<vmem>>) target_semaphore(%run_scoped3A : memref<!tpu.dma_semaphore, #tpu.memory_space<semaphore_mem>>)
      %dma_wait3A = arith.constant 0 : i32
      %dma_wait3A_62 = arith.constant 0 : i32
      %dma_wait3A_63 = tpu.memref_slice %arg12[%dma_wait3A, %dma_wait3A_62] : memref<128x16xf32, #tpu.memory_space<vmem>> -> memref<128x16xf32, #tpu.memory_space<vmem>>
      %dma_wait3A_64 = arith.constant 0 : i32
      %dma_wait3A_65 = tpu.memref_slice %arg14[%add3A_29, %dma_wait3A_64] : memref<10000x16xf32, #tpu.memory_space<vmem_shared>> -> memref<128x16xf32, #tpu.memory_space<vmem_shared>>
      %dma_wait3A_66 = arith.constant 0 : i32
      %dma_wait3A_67 = arith.constant 0 : i32
      %dma_wait3A_68 = tpu.memref_slice %arg12[%dma_wait3A_66, %dma_wait3A_67] : memref<128x16xf32, #tpu.memory_space<vmem>> -> memref<128x16xf32, #tpu.memory_space<vmem>>
      %dma_wait3A_69 = arith.constant 0 : i32
      %dma_wait3A_70 = tpu.memref_slice %arg14[%add3A_29, %dma_wait3A_69] : memref<10000x16xf32, #tpu.memory_space<vmem_shared>> -> memref<128x16xf32, #tpu.memory_space<vmem_shared>>
      tpu.wait_dma2 semaphore(%run_scoped3A : memref<!tpu.dma_semaphore, #tpu.memory_space<semaphore_mem>>) src(%dma_wait3A_70 : memref<128x16xf32, #tpu.memory_space<vmem_shared>>) dst(%dma_wait3A_68 : memref<128x16xf32, #tpu.memory_space<vmem>>)
      tpu.yield
    }) : () -> ()
    %mul3A_30 = arith.constant 10000 : i32
    %mul3A_31 = arith.muli %arg0, %mul3A_30 : i32
    %add3A_32 = arith.addi %mul3A_31, %add3A_29 : i32
    "tpu.region"() ({
      %run_scoped3A = tpu.sem_alloc : memref<!tpu.dma_semaphore, #tpu.memory_space<semaphore_mem>>
      %dma_start3A = arith.constant 0 : i32
      %dma_start3A_53 = arith.constant 0 : i32
      %dma_start3A_54 = tpu.memref_slice %arg12[%dma_start3A, %dma_start3A_53] : memref<128x16xf32, #tpu.memory_space<vmem>> -> memref<128x16xf32, #tpu.memory_space<vmem>>
      %dma_start3A_55 = arith.constant 0 : i32
      %dma_start3A_56 = tpu.memref_slice %arg9[%add3A_32, %dma_start3A_55] : memref<20000x16xf32, #tpu.memory_space<hbm>> -> memref<128x16xf32, #tpu.memory_space<hbm>>
      %dma_start3A_57 = arith.constant 0 : i32
      %dma_start3A_58 = tpu.memref_slice %arg9[%add3A_32, %dma_start3A_57] : memref<20000x16xf32, #tpu.memory_space<hbm>> -> memref<128x16xf32, #tpu.memory_space<hbm>>
      %dma_start3A_59 = arith.constant 0 : i32
      %dma_start3A_60 = arith.constant 0 : i32
      %dma_start3A_61 = tpu.memref_slice %arg12[%dma_start3A_59, %dma_start3A_60] : memref<128x16xf32, #tpu.memory_space<vmem>> -> memref<128x16xf32, #tpu.memory_space<vmem>>
      tpu.enqueue_dma source(%dma_start3A_61 : memref<128x16xf32, #tpu.memory_space<vmem>>) target(%dma_start3A_58 : memref<128x16xf32, #tpu.memory_space<hbm>>) target_semaphore(%run_scoped3A : memref<!tpu.dma_semaphore, #tpu.memory_space<semaphore_mem>>)
      %dma_wait3A = arith.constant 0 : i32
      %dma_wait3A_62 = arith.constant 0 : i32
      %dma_wait3A_63 = tpu.memref_slice %arg12[%dma_wait3A, %dma_wait3A_62] : memref<128x16xf32, #tpu.memory_space<vmem>> -> memref<128x16xf32, #tpu.memory_space<vmem>>
      %dma_wait3A_64 = arith.constant 0 : i32
      %dma_wait3A_65 = tpu.memref_slice %arg9[%add3A_32, %dma_wait3A_64] : memref<20000x16xf32, #tpu.memory_space<hbm>> -> memref<128x16xf32, #tpu.memory_space<hbm>>
      %dma_wait3A_66 = arith.constant 0 : i32
      %dma_wait3A_67 = tpu.memref_slice %arg9[%add3A_32, %dma_wait3A_66] : memref<20000x16xf32, #tpu.memory_space<hbm>> -> memref<128x16xf32, #tpu.memory_space<hbm>>
      %dma_wait3A_68 = arith.constant 0 : i32
      %dma_wait3A_69 = arith.constant 0 : i32
      %dma_wait3A_70 = tpu.memref_slice %arg12[%dma_wait3A_68, %dma_wait3A_69] : memref<128x16xf32, #tpu.memory_space<vmem>> -> memref<128x16xf32, #tpu.memory_space<vmem>>
      tpu.wait_dma2 semaphore(%run_scoped3A : memref<!tpu.dma_semaphore, #tpu.memory_space<semaphore_mem>>) src(%dma_wait3A_70 : memref<128x16xf32, #tpu.memory_space<vmem>>) dst(%dma_wait3A_67 : memref<128x16xf32, #tpu.memory_space<hbm>>)
      tpu.yield
    }) : () -> ()
    %add3A_33 = arith.constant 256 : i32
    %add3A_34 = arith.addi %mul3A_2, %add3A_33 : i32
    "tpu.region"() ({
      %run_scoped3A = tpu.sem_alloc : memref<!tpu.dma_semaphore, #tpu.memory_space<semaphore_mem>>
      %dma_start3A = arith.constant 0 : i32
      %dma_start3A_53 = arith.constant 0 : i32
      %dma_start3A_54 = tpu.memref_slice %arg12[%dma_start3A, %dma_start3A_53] : memref<128x16xf32, #tpu.memory_space<vmem>> -> memref<128x16xf32, #tpu.memory_space<vmem>>
      %dma_start3A_55 = arith.constant 0 : i32
      %dma_start3A_56 = tpu.memref_slice %arg14[%add3A_34, %dma_start3A_55] : memref<10000x16xf32, #tpu.memory_space<vmem_shared>> -> memref<128x16xf32, #tpu.memory_space<vmem_shared>>
      %dma_start3A_57 = arith.constant 0 : i32
      %dma_start3A_58 = arith.constant 0 : i32
      %dma_start3A_59 = tpu.memref_slice %arg12[%dma_start3A_57, %dma_start3A_58] : memref<128x16xf32, #tpu.memory_space<vmem>> -> memref<128x16xf32, #tpu.memory_space<vmem>>
      %dma_start3A_60 = arith.constant 0 : i32
      %dma_start3A_61 = tpu.memref_slice %arg14[%add3A_34, %dma_start3A_60] : memref<10000x16xf32, #tpu.memory_space<vmem_shared>> -> memref<128x16xf32, #tpu.memory_space<vmem_shared>>
      tpu.enqueue_dma source(%dma_start3A_61 : memref<128x16xf32, #tpu.memory_space<vmem_shared>>) target(%dma_start3A_59 : memref<128x16xf32, #tpu.memory_space<vmem>>) target_semaphore(%run_scoped3A : memref<!tpu.dma_semaphore, #tpu.memory_space<semaphore_mem>>)
      %dma_wait3A = arith.constant 0 : i32
      %dma_wait3A_62 = arith.constant 0 : i32
      %dma_wait3A_63 = tpu.memref_slice %arg12[%dma_wait3A, %dma_wait3A_62] : memref<128x16xf32, #tpu.memory_space<vmem>> -> memref<128x16xf32, #tpu.memory_space<vmem>>
      %dma_wait3A_64 = arith.constant 0 : i32
      %dma_wait3A_65 = tpu.memref_slice %arg14[%add3A_34, %dma_wait3A_64] : memref<10000x16xf32, #tpu.memory_space<vmem_shared>> -> memref<128x16xf32, #tpu.memory_space<vmem_shared>>
      %dma_wait3A_66 = arith.constant 0 : i32
      %dma_wait3A_67 = arith.constant 0 : i32
      %dma_wait3A_68 = tpu.memref_slice %arg12[%dma_wait3A_66, %dma_wait3A_67] : memref<128x16xf32, #tpu.memory_space<vmem>> -> memref<128x16xf32, #tpu.memory_space<vmem>>
      %dma_wait3A_69 = arith.constant 0 : i32
      %dma_wait3A_70 = tpu.memref_slice %arg14[%add3A_34, %dma_wait3A_69] : memref<10000x16xf32, #tpu.memory_space<vmem_shared>> -> memref<128x16xf32, #tpu.memory_space<vmem_shared>>
      tpu.wait_dma2 semaphore(%run_scoped3A : memref<!tpu.dma_semaphore, #tpu.memory_space<semaphore_mem>>) src(%dma_wait3A_70 : memref<128x16xf32, #tpu.memory_space<vmem_shared>>) dst(%dma_wait3A_68 : memref<128x16xf32, #tpu.memory_space<vmem>>)
      tpu.yield
    }) : () -> ()
    %mul3A_35 = arith.constant 10000 : i32
    %mul3A_36 = arith.muli %arg0, %mul3A_35 : i32
    %add3A_37 = arith.addi %mul3A_36, %add3A_34 : i32
    "tpu.region"() ({
      %run_scoped3A = tpu.sem_alloc : memref<!tpu.dma_semaphore, #tpu.memory_space<semaphore_mem>>
      %dma_start3A = arith.constant 0 : i32
      %dma_start3A_53 = arith.constant 0 : i32
      %dma_start3A_54 = tpu.memref_slice %arg12[%dma_start3A, %dma_start3A_53] : memref<128x16xf32, #tpu.memory_space<vmem>> -> memref<128x16xf32, #tpu.memory_space<vmem>>
      %dma_start3A_55 = arith.constant 0 : i32
      %dma_start3A_56 = tpu.memref_slice %arg9[%add3A_37, %dma_start3A_55] : memref<20000x16xf32, #tpu.memory_space<hbm>> -> memref<128x16xf32, #tpu.memory_space<hbm>>
      %dma_start3A_57 = arith.constant 0 : i32
      %dma_start3A_58 = tpu.memref_slice %arg9[%add3A_37, %dma_start3A_57] : memref<20000x16xf32, #tpu.memory_space<hbm>> -> memref<128x16xf32, #tpu.memory_space<hbm>>
      %dma_start3A_59 = arith.constant 0 : i32
      %dma_start3A_60 = arith.constant 0 : i32
      %dma_start3A_61 = tpu.memref_slice %arg12[%dma_start3A_59, %dma_start3A_60] : memref<128x16xf32, #tpu.memory_space<vmem>> -> memref<128x16xf32, #tpu.memory_space<vmem>>
      tpu.enqueue_dma source(%dma_start3A_61 : memref<128x16xf32, #tpu.memory_space<vmem>>) target(%dma_start3A_58 : memref<128x16xf32, #tpu.memory_space<hbm>>) target_semaphore(%run_scoped3A : memref<!tpu.dma_semaphore, #tpu.memory_space<semaphore_mem>>)
      %dma_wait3A = arith.constant 0 : i32
      %dma_wait3A_62 = arith.constant 0 : i32
      %dma_wait3A_63 = tpu.memref_slice %arg12[%dma_wait3A, %dma_wait3A_62] : memref<128x16xf32, #tpu.memory_space<vmem>> -> memref<128x16xf32, #tpu.memory_space<vmem>>
      %dma_wait3A_64 = arith.constant 0 : i32
      %dma_wait3A_65 = tpu.memref_slice %arg9[%add3A_37, %dma_wait3A_64] : memref<20000x16xf32, #tpu.memory_space<hbm>> -> memref<128x16xf32, #tpu.memory_space<hbm>>
      %dma_wait3A_66 = arith.constant 0 : i32
      %dma_wait3A_67 = tpu.memref_slice %arg9[%add3A_37, %dma_wait3A_66] : memref<20000x16xf32, #tpu.memory_space<hbm>> -> memref<128x16xf32, #tpu.memory_space<hbm>>
      %dma_wait3A_68 = arith.constant 0 : i32
      %dma_wait3A_69 = arith.constant 0 : i32
      %dma_wait3A_70 = tpu.memref_slice %arg12[%dma_wait3A_68, %dma_wait3A_69] : memref<128x16xf32, #tpu.memory_space<vmem>> -> memref<128x16xf32, #tpu.memory_space<vmem>>
      tpu.wait_dma2 semaphore(%run_scoped3A : memref<!tpu.dma_semaphore, #tpu.memory_space<semaphore_mem>>) src(%dma_wait3A_70 : memref<128x16xf32, #tpu.memory_space<vmem>>) dst(%dma_wait3A_67 : memref<128x16xf32, #tpu.memory_space<hbm>>)
      tpu.yield
    }) : () -> ()
    %add3A_38 = arith.constant 384 : i32
    %add3A_39 = arith.addi %mul3A_2, %add3A_38 : i32
    "tpu.region"() ({
      %run_scoped3A = tpu.sem_alloc : memref<!tpu.dma_semaphore, #tpu.memory_space<semaphore_mem>>
      %dma_start3A = arith.constant 0 : i32
      %dma_start3A_53 = arith.constant 0 : i32
      %dma_start3A_54 = tpu.memref_slice %arg12[%dma_start3A, %dma_start3A_53] : memref<128x16xf32, #tpu.memory_space<vmem>> -> memref<128x16xf32, #tpu.memory_space<vmem>>
      %dma_start3A_55 = arith.constant 0 : i32
      %dma_start3A_56 = tpu.memref_slice %arg14[%add3A_39, %dma_start3A_55] : memref<10000x16xf32, #tpu.memory_space<vmem_shared>> -> memref<128x16xf32, #tpu.memory_space<vmem_shared>>
      %dma_start3A_57 = arith.constant 0 : i32
      %dma_start3A_58 = arith.constant 0 : i32
      %dma_start3A_59 = tpu.memref_slice %arg12[%dma_start3A_57, %dma_start3A_58] : memref<128x16xf32, #tpu.memory_space<vmem>> -> memref<128x16xf32, #tpu.memory_space<vmem>>
      %dma_start3A_60 = arith.constant 0 : i32
      %dma_start3A_61 = tpu.memref_slice %arg14[%add3A_39, %dma_start3A_60] : memref<10000x16xf32, #tpu.memory_space<vmem_shared>> -> memref<128x16xf32, #tpu.memory_space<vmem_shared>>
      tpu.enqueue_dma source(%dma_start3A_61 : memref<128x16xf32, #tpu.memory_space<vmem_shared>>) target(%dma_start3A_59 : memref<128x16xf32, #tpu.memory_space<vmem>>) target_semaphore(%run_scoped3A : memref<!tpu.dma_semaphore, #tpu.memory_space<semaphore_mem>>)
      %dma_wait3A = arith.constant 0 : i32
      %dma_wait3A_62 = arith.constant 0 : i32
      %dma_wait3A_63 = tpu.memref_slice %arg12[%dma_wait3A, %dma_wait3A_62] : memref<128x16xf32, #tpu.memory_space<vmem>> -> memref<128x16xf32, #tpu.memory_space<vmem>>
      %dma_wait3A_64 = arith.constant 0 : i32
      %dma_wait3A_65 = tpu.memref_slice %arg14[%add3A_39, %dma_wait3A_64] : memref<10000x16xf32, #tpu.memory_space<vmem_shared>> -> memref<128x16xf32, #tpu.memory_space<vmem_shared>>
      %dma_wait3A_66 = arith.constant 0 : i32
      %dma_wait3A_67 = arith.constant 0 : i32
      %dma_wait3A_68 = tpu.memref_slice %arg12[%dma_wait3A_66, %dma_wait3A_67] : memref<128x16xf32, #tpu.memory_space<vmem>> -> memref<128x16xf32, #tpu.memory_space<vmem>>
      %dma_wait3A_69 = arith.constant 0 : i32
      %dma_wait3A_70 = tpu.memref_slice %arg14[%add3A_39, %dma_wait3A_69] : memref<10000x16xf32, #tpu.memory_space<vmem_shared>> -> memref<128x16xf32, #tpu.memory_space<vmem_shared>>
      tpu.wait_dma2 semaphore(%run_scoped3A : memref<!tpu.dma_semaphore, #tpu.memory_space<semaphore_mem>>) src(%dma_wait3A_70 : memref<128x16xf32, #tpu.memory_space<vmem_shared>>) dst(%dma_wait3A_68 : memref<128x16xf32, #tpu.memory_space<vmem>>)
      tpu.yield
    }) : () -> ()
    %mul3A_40 = arith.constant 10000 : i32
    %mul3A_41 = arith.muli %arg0, %mul3A_40 : i32
    %add3A_42 = arith.addi %mul3A_41, %add3A_39 : i32
    "tpu.region"() ({
      %run_scoped3A = tpu.sem_alloc : memref<!tpu.dma_semaphore, #tpu.memory_space<semaphore_mem>>
      %dma_start3A = arith.constant 0 : i32
      %dma_start3A_53 = arith.constant 0 : i32
      %dma_start3A_54 = tpu.memref_slice %arg12[%dma_start3A, %dma_start3A_53] : memref<128x16xf32, #tpu.memory_space<vmem>> -> memref<128x16xf32, #tpu.memory_space<vmem>>
      %dma_start3A_55 = arith.constant 0 : i32
      %dma_start3A_56 = tpu.memref_slice %arg9[%add3A_42, %dma_start3A_55] : memref<20000x16xf32, #tpu.memory_space<hbm>> -> memref<128x16xf32, #tpu.memory_space<hbm>>
      %dma_start3A_57 = arith.constant 0 : i32
      %dma_start3A_58 = tpu.memref_slice %arg9[%add3A_42, %dma_start3A_57] : memref<20000x16xf32, #tpu.memory_space<hbm>> -> memref<128x16xf32, #tpu.memory_space<hbm>>
      %dma_start3A_59 = arith.constant 0 : i32
      %dma_start3A_60 = arith.constant 0 : i32
      %dma_start3A_61 = tpu.memref_slice %arg12[%dma_start3A_59, %dma_start3A_60] : memref<128x16xf32, #tpu.memory_space<vmem>> -> memref<128x16xf32, #tpu.memory_space<vmem>>
      tpu.enqueue_dma source(%dma_start3A_61 : memref<128x16xf32, #tpu.memory_space<vmem>>) target(%dma_start3A_58 : memref<128x16xf32, #tpu.memory_space<hbm>>) target_semaphore(%run_scoped3A : memref<!tpu.dma_semaphore, #tpu.memory_space<semaphore_mem>>)
      %dma_wait3A = arith.constant 0 : i32
      %dma_wait3A_62 = arith.constant 0 : i32
      %dma_wait3A_63 = tpu.memref_slice %arg12[%dma_wait3A, %dma_wait3A_62] : memref<128x16xf32, #tpu.memory_space<vmem>> -> memref<128x16xf32, #tpu.memory_space<vmem>>
      %dma_wait3A_64 = arith.constant 0 : i32
      %dma_wait3A_65 = tpu.memref_slice %arg9[%add3A_42, %dma_wait3A_64] : memref<20000x16xf32, #tpu.memory_space<hbm>> -> memref<128x16xf32, #tpu.memory_space<hbm>>
      %dma_wait3A_66 = arith.constant 0 : i32
      %dma_wait3A_67 = tpu.memref_slice %arg9[%add3A_42, %dma_wait3A_66] : memref<20000x16xf32, #tpu.memory_space<hbm>> -> memref<128x16xf32, #tpu.memory_space<hbm>>
      %dma_wait3A_68 = arith.constant 0 : i32
      %dma_wait3A_69 = arith.constant 0 : i32
      %dma_wait3A_70 = tpu.memref_slice %arg12[%dma_wait3A_68, %dma_wait3A_69] : memref<128x16xf32, #tpu.memory_space<vmem>> -> memref<128x16xf32, #tpu.memory_space<vmem>>
      tpu.wait_dma2 semaphore(%run_scoped3A : memref<!tpu.dma_semaphore, #tpu.memory_space<semaphore_mem>>) src(%dma_wait3A_70 : memref<128x16xf32, #tpu.memory_space<vmem>>) dst(%dma_wait3A_67 : memref<128x16xf32, #tpu.memory_space<hbm>>)
      tpu.yield
    }) : () -> ()
    %lt3A_43 = arith.constant 15 : i32
    %lt3A_44 = arith.cmpi slt, %arg1, %lt3A_43 : i32
    %convert_element_type3A_45 = arith.extui %lt3A_44 : i1 to i32
    %cond3A_46 = arith.constant 0 : i32
    %cond3A_47 = arith.cmpi ne, %convert_element_type3A_45, %cond3A_46 : i32
    scf.if %cond3A_47 {
      %add3A_53 = arith.constant 512 : i32
      %add3A_54 = arith.addi %mul3A_2, %add3A_53 : i32
      "tpu.region"() ({
        %run_scoped3A = tpu.sem_alloc : memref<!tpu.dma_semaphore, #tpu.memory_space<semaphore_mem>>
        %dma_start3A = arith.constant 0 : i32
        %dma_start3A_58 = arith.constant 0 : i32
        %dma_start3A_59 = tpu.memref_slice %arg12[%dma_start3A, %dma_start3A_58] : memref<128x16xf32, #tpu.memory_space<vmem>> -> memref<120x16xf32, #tpu.memory_space<vmem>>
        %dma_start3A_60 = arith.constant 0 : i32
        %dma_start3A_61 = tpu.memref_slice %arg14[%add3A_54, %dma_start3A_60] : memref<10000x16xf32, #tpu.memory_space<vmem_shared>> -> memref<120x16xf32, #tpu.memory_space<vmem_shared>>
        %dma_start3A_62 = arith.constant 0 : i32
        %dma_start3A_63 = arith.constant 0 : i32
        %dma_start3A_64 = tpu.memref_slice %arg12[%dma_start3A_62, %dma_start3A_63] : memref<128x16xf32, #tpu.memory_space<vmem>> -> memref<120x16xf32, #tpu.memory_space<vmem>>
        %dma_start3A_65 = arith.constant 0 : i32
        %dma_start3A_66 = tpu.memref_slice %arg14[%add3A_54, %dma_start3A_65] : memref<10000x16xf32, #tpu.memory_space<vmem_shared>> -> memref<120x16xf32, #tpu.memory_space<vmem_shared>>
        tpu.enqueue_dma source(%dma_start3A_66 : memref<120x16xf32, #tpu.memory_space<vmem_shared>>) target(%dma_start3A_64 : memref<120x16xf32, #tpu.memory_space<vmem>>) target_semaphore(%run_scoped3A : memref<!tpu.dma_semaphore, #tpu.memory_space<semaphore_mem>>)
        %dma_wait3A = arith.constant 0 : i32
        %dma_wait3A_67 = arith.constant 0 : i32
        %dma_wait3A_68 = tpu.memref_slice %arg12[%dma_wait3A, %dma_wait3A_67] : memref<128x16xf32, #tpu.memory_space<vmem>> -> memref<120x16xf32, #tpu.memory_space<vmem>>
        %dma_wait3A_69 = arith.constant 0 : i32
        %dma_wait3A_70 = tpu.memref_slice %arg14[%add3A_54, %dma_wait3A_69] : memref<10000x16xf32, #tpu.memory_space<vmem_shared>> -> memref<120x16xf32, #tpu.memory_space<vmem_shared>>
        %dma_wait3A_71 = arith.constant 0 : i32
        %dma_wait3A_72 = arith.constant 0 : i32
        %dma_wait3A_73 = tpu.memref_slice %arg12[%dma_wait3A_71, %dma_wait3A_72] : memref<128x16xf32, #tpu.memory_space<vmem>> -> memref<120x16xf32, #tpu.memory_space<vmem>>
        %dma_wait3A_74 = arith.constant 0 : i32
        %dma_wait3A_75 = tpu.memref_slice %arg14[%add3A_54, %dma_wait3A_74] : memref<10000x16xf32, #tpu.memory_space<vmem_shared>> -> memref<120x16xf32, #tpu.memory_space<vmem_shared>>
        tpu.wait_dma2 semaphore(%run_scoped3A : memref<!tpu.dma_semaphore, #tpu.memory_space<semaphore_mem>>) src(%dma_wait3A_75 : memref<120x16xf32, #tpu.memory_space<vmem_shared>>) dst(%dma_wait3A_73 : memref<120x16xf32, #tpu.memory_space<vmem>>)
        tpu.yield
      }) : () -> ()
      %mul3A_55 = arith.constant 10000 : i32
      %mul3A_56 = arith.muli %arg0, %mul3A_55 : i32
      %add3A_57 = arith.addi %mul3A_56, %add3A_54 : i32
      "tpu.region"() ({
        %run_scoped3A = tpu.sem_alloc : memref<!tpu.dma_semaphore, #tpu.memory_space<semaphore_mem>>
        %dma_start3A = arith.constant 0 : i32
        %dma_start3A_58 = arith.constant 0 : i32
        %dma_start3A_59 = tpu.memref_slice %arg12[%dma_start3A, %dma_start3A_58] : memref<128x16xf32, #tpu.memory_space<vmem>> -> memref<120x16xf32, #tpu.memory_space<vmem>>
        %dma_start3A_60 = arith.constant 0 : i32
        %dma_start3A_61 = tpu.memref_slice %arg9[%add3A_57, %dma_start3A_60] : memref<20000x16xf32, #tpu.memory_space<hbm>> -> memref<120x16xf32, #tpu.memory_space<hbm>>
        %dma_start3A_62 = arith.constant 0 : i32
        %dma_start3A_63 = tpu.memref_slice %arg9[%add3A_57, %dma_start3A_62] : memref<20000x16xf32, #tpu.memory_space<hbm>> -> memref<120x16xf32, #tpu.memory_space<hbm>>
        %dma_start3A_64 = arith.constant 0 : i32
        %dma_start3A_65 = arith.constant 0 : i32
        %dma_start3A_66 = tpu.memref_slice %arg12[%dma_start3A_64, %dma_start3A_65] : memref<128x16xf32, #tpu.memory_space<vmem>> -> memref<120x16xf32, #tpu.memory_space<vmem>>
        tpu.enqueue_dma source(%dma_start3A_66 : memref<120x16xf32, #tpu.memory_space<vmem>>) target(%dma_start3A_63 : memref<120x16xf32, #tpu.memory_space<hbm>>) target_semaphore(%run_scoped3A : memref<!tpu.dma_semaphore, #tpu.memory_space<semaphore_mem>>)
        %dma_wait3A = arith.constant 0 : i32
        %dma_wait3A_67 = arith.constant 0 : i32
        %dma_wait3A_68 = tpu.memref_slice %arg12[%dma_wait3A, %dma_wait3A_67] : memref<128x16xf32, #tpu.memory_space<vmem>> -> memref<120x16xf32, #tpu.memory_space<vmem>>
        %dma_wait3A_69 = arith.constant 0 : i32
        %dma_wait3A_70 = tpu.memref_slice %arg9[%add3A_57, %dma_wait3A_69] : memref<20000x16xf32, #tpu.memory_space<hbm>> -> memref<120x16xf32, #tpu.memory_space<hbm>>
        %dma_wait3A_71 = arith.constant 0 : i32
        %dma_wait3A_72 = tpu.memref_slice %arg9[%add3A_57, %dma_wait3A_71] : memref<20000x16xf32, #tpu.memory_space<hbm>> -> memref<120x16xf32, #tpu.memory_space<hbm>>
        %dma_wait3A_73 = arith.constant 0 : i32
        %dma_wait3A_74 = arith.constant 0 : i32
        %dma_wait3A_75 = tpu.memref_slice %arg12[%dma_wait3A_73, %dma_wait3A_74] : memref<128x16xf32, #tpu.memory_space<vmem>> -> memref<120x16xf32, #tpu.memory_space<vmem>>
        tpu.wait_dma2 semaphore(%run_scoped3A : memref<!tpu.dma_semaphore, #tpu.memory_space<semaphore_mem>>) src(%dma_wait3A_75 : memref<120x16xf32, #tpu.memory_space<vmem>>) dst(%dma_wait3A_72 : memref<120x16xf32, #tpu.memory_space<hbm>>)
        tpu.yield
      }) : () -> ()
    } else {
    }
    %eq3A_48 = arith.constant 15 : i32
    %eq3A_49 = arith.cmpi eq, %arg1, %eq3A_48 : i32
    %convert_element_type3A_50 = arith.extui %eq3A_49 : i1 to i32
    %cond3A_51 = arith.constant 0 : i32
    %cond3A_52 = arith.cmpi ne, %convert_element_type3A_50, %cond3A_51 : i32
    scf.if %cond3A_52 {
      %add3A_53 = arith.constant 512 : i32
      %add3A_54 = arith.addi %mul3A_2, %add3A_53 : i32
      "tpu.region"() ({
        %run_scoped3A = tpu.sem_alloc : memref<!tpu.dma_semaphore, #tpu.memory_space<semaphore_mem>>
        %dma_start3A = arith.constant 0 : i32
        %dma_start3A_58 = arith.constant 0 : i32
        %dma_start3A_59 = tpu.memref_slice %arg12[%dma_start3A, %dma_start3A_58] : memref<128x16xf32, #tpu.memory_space<vmem>> -> memref<8x16xf32, #tpu.memory_space<vmem>>
        %dma_start3A_60 = arith.constant 0 : i32
        %dma_start3A_61 = tpu.memref_slice %arg14[%add3A_54, %dma_start3A_60] : memref<10000x16xf32, #tpu.memory_space<vmem_shared>> -> memref<8x16xf32, #tpu.memory_space<vmem_shared>>
        %dma_start3A_62 = arith.constant 0 : i32
        %dma_start3A_63 = arith.constant 0 : i32
        %dma_start3A_64 = tpu.memref_slice %arg12[%dma_start3A_62, %dma_start3A_63] : memref<128x16xf32, #tpu.memory_space<vmem>> -> memref<8x16xf32, #tpu.memory_space<vmem>>
        %dma_start3A_65 = arith.constant 0 : i32
        %dma_start3A_66 = tpu.memref_slice %arg14[%add3A_54, %dma_start3A_65] : memref<10000x16xf32, #tpu.memory_space<vmem_shared>> -> memref<8x16xf32, #tpu.memory_space<vmem_shared>>
        tpu.enqueue_dma source(%dma_start3A_66 : memref<8x16xf32, #tpu.memory_space<vmem_shared>>) target(%dma_start3A_64 : memref<8x16xf32, #tpu.memory_space<vmem>>) target_semaphore(%run_scoped3A : memref<!tpu.dma_semaphore, #tpu.memory_space<semaphore_mem>>)
        %dma_wait3A = arith.constant 0 : i32
        %dma_wait3A_67 = arith.constant 0 : i32
        %dma_wait3A_68 = tpu.memref_slice %arg12[%dma_wait3A, %dma_wait3A_67] : memref<128x16xf32, #tpu.memory_space<vmem>> -> memref<8x16xf32, #tpu.memory_space<vmem>>
        %dma_wait3A_69 = arith.constant 0 : i32
        %dma_wait3A_70 = tpu.memref_slice %arg14[%add3A_54, %dma_wait3A_69] : memref<10000x16xf32, #tpu.memory_space<vmem_shared>> -> memref<8x16xf32, #tpu.memory_space<vmem_shared>>
        %dma_wait3A_71 = arith.constant 0 : i32
        %dma_wait3A_72 = arith.constant 0 : i32
        %dma_wait3A_73 = tpu.memref_slice %arg12[%dma_wait3A_71, %dma_wait3A_72] : memref<128x16xf32, #tpu.memory_space<vmem>> -> memref<8x16xf32, #tpu.memory_space<vmem>>
        %dma_wait3A_74 = arith.constant 0 : i32
        %dma_wait3A_75 = tpu.memref_slice %arg14[%add3A_54, %dma_wait3A_74] : memref<10000x16xf32, #tpu.memory_space<vmem_shared>> -> memref<8x16xf32, #tpu.memory_space<vmem_shared>>
        tpu.wait_dma2 semaphore(%run_scoped3A : memref<!tpu.dma_semaphore, #tpu.memory_space<semaphore_mem>>) src(%dma_wait3A_75 : memref<8x16xf32, #tpu.memory_space<vmem_shared>>) dst(%dma_wait3A_73 : memref<8x16xf32, #tpu.memory_space<vmem>>)
        tpu.yield
      }) : () -> ()
      %mul3A_55 = arith.constant 10000 : i32
      %mul3A_56 = arith.muli %arg0, %mul3A_55 : i32
      %add3A_57 = arith.addi %mul3A_56, %add3A_54 : i32
      "tpu.region"() ({
        %run_scoped3A = tpu.sem_alloc : memref<!tpu.dma_semaphore, #tpu.memory_space<semaphore_mem>>
        %dma_start3A = arith.constant 0 : i32
        %dma_start3A_58 = arith.constant 0 : i32
        %dma_start3A_59 = tpu.memref_slice %arg12[%dma_start3A, %dma_start3A_58] : memref<128x16xf32, #tpu.memory_space<vmem>> -> memref<8x16xf32, #tpu.memory_space<vmem>>
        %dma_start3A_60 = arith.constant 0 : i32
        %dma_start3A_61 = tpu.memref_slice %arg9[%add3A_57, %dma_start3A_60] : memref<20000x16xf32, #tpu.memory_space<hbm>> -> memref<8x16xf32, #tpu.memory_space<hbm>>
        %dma_start3A_62 = arith.constant 0 : i32
        %dma_start3A_63 = tpu.memref_slice %arg9[%add3A_57, %dma_start3A_62] : memref<20000x16xf32, #tpu.memory_space<hbm>> -> memref<8x16xf32, #tpu.memory_space<hbm>>
        %dma_start3A_64 = arith.constant 0 : i32
        %dma_start3A_65 = arith.constant 0 : i32
        %dma_start3A_66 = tpu.memref_slice %arg12[%dma_start3A_64, %dma_start3A_65] : memref<128x16xf32, #tpu.memory_space<vmem>> -> memref<8x16xf32, #tpu.memory_space<vmem>>
        tpu.enqueue_dma source(%dma_start3A_66 : memref<8x16xf32, #tpu.memory_space<vmem>>) target(%dma_start3A_63 : memref<8x16xf32, #tpu.memory_space<hbm>>) target_semaphore(%run_scoped3A : memref<!tpu.dma_semaphore, #tpu.memory_space<semaphore_mem>>)
        %dma_wait3A = arith.constant 0 : i32
        %dma_wait3A_67 = arith.constant 0 : i32
        %dma_wait3A_68 = tpu.memref_slice %arg12[%dma_wait3A, %dma_wait3A_67] : memref<128x16xf32, #tpu.memory_space<vmem>> -> memref<8x16xf32, #tpu.memory_space<vmem>>
        %dma_wait3A_69 = arith.constant 0 : i32
        %dma_wait3A_70 = tpu.memref_slice %arg9[%add3A_57, %dma_wait3A_69] : memref<20000x16xf32, #tpu.memory_space<hbm>> -> memref<8x16xf32, #tpu.memory_space<hbm>>
        %dma_wait3A_71 = arith.constant 0 : i32
        %dma_wait3A_72 = tpu.memref_slice %arg9[%add3A_57, %dma_wait3A_71] : memref<20000x16xf32, #tpu.memory_space<hbm>> -> memref<8x16xf32, #tpu.memory_space<hbm>>
        %dma_wait3A_73 = arith.constant 0 : i32
        %dma_wait3A_74 = arith.constant 0 : i32
        %dma_wait3A_75 = tpu.memref_slice %arg12[%dma_wait3A_73, %dma_wait3A_74] : memref<128x16xf32, #tpu.memory_space<vmem>> -> memref<8x16xf32, #tpu.memory_space<vmem>>
        tpu.wait_dma2 semaphore(%run_scoped3A : memref<!tpu.dma_semaphore, #tpu.memory_space<semaphore_mem>>) src(%dma_wait3A_75 : memref<8x16xf32, #tpu.memory_space<vmem>>) dst(%dma_wait3A_72 : memref<8x16xf32, #tpu.memory_space<hbm>>)
        tpu.yield
      }) : () -> ()
    } else {
    }
    return
  }
}

module attributes {stable_mosaic.version = 14 : i64} {
  func.func @_edge_mlp_body(%arg0: i32, %arg1: memref<2560x128xf32, #tpu.memory_space<vmem>>, %arg2: memref<2560x128xf32, #tpu.memory_space<vmem>>, %arg3: memref<2560x128xf32, #tpu.memory_space<vmem>>, %arg4: memref<128x128xf32, #tpu.memory_space<vmem>>, %arg5: memref<128x128xf32, #tpu.memory_space<vmem>>, %arg6: memref<128x128xf32, #tpu.memory_space<vmem>>, %arg7: memref<1x128xf32, #tpu.memory_space<vmem>>, %arg8: memref<128x128xf32, #tpu.memory_space<vmem>>, %arg9: memref<1x128xf32, #tpu.memory_space<vmem>>, %arg10: memref<128x128xf32, #tpu.memory_space<vmem>>, %arg11: memref<128x128xf32, #tpu.memory_space<vmem>>, %arg12: memref<1x128xf32, #tpu.memory_space<vmem>>, %arg13: memref<128x128xf32, #tpu.memory_space<vmem>>, %arg14: memref<1x128xf32, #tpu.memory_space<vmem>>, %arg15: memref<2560x128xf32, #tpu.memory_space<vmem>>, %arg16: memref<2560x64xf32, #tpu.memory_space<vmem>>, %arg17: memref<2560x64xf32, #tpu.memory_space<vmem>>) attributes {dimension_semantics = [#tpu.dimension_semantics<arbitrary>], iteration_bounds = array<i64: 125>, scalar_prefetch = 0 : i64, scratch_operands = 0 : i64, tpu.core_type = #tpu.core_type<tc>, window_params = [{transform_indices = @transform_0, window_bounds = array<i64: 2560, 128>}, {transform_indices = @transform_1, window_bounds = array<i64: 2560, 128>}, {transform_indices = @transform_2, window_bounds = array<i64: 2560, 128>}, {pipeline_mode = #tpu.pipeline_mode<synchronous>, transform_indices = @transform_3, window_bounds = array<i64: 128, 128>}, {pipeline_mode = #tpu.pipeline_mode<synchronous>, transform_indices = @transform_4, window_bounds = array<i64: 128, 128>}, {pipeline_mode = #tpu.pipeline_mode<synchronous>, transform_indices = @transform_5, window_bounds = array<i64: 128, 128>}, {pipeline_mode = #tpu.pipeline_mode<synchronous>, transform_indices = @transform_6, window_bounds = array<i64: 1, 128>}, {pipeline_mode = #tpu.pipeline_mode<synchronous>, transform_indices = @transform_7, window_bounds = array<i64: 128, 128>}, {pipeline_mode = #tpu.pipeline_mode<synchronous>, transform_indices = @transform_8, window_bounds = array<i64: 1, 128>}, {pipeline_mode = #tpu.pipeline_mode<synchronous>, transform_indices = @transform_9, window_bounds = array<i64: 128, 128>}, {pipeline_mode = #tpu.pipeline_mode<synchronous>, transform_indices = @transform_10, window_bounds = array<i64: 128, 128>}, {pipeline_mode = #tpu.pipeline_mode<synchronous>, transform_indices = @transform_11, window_bounds = array<i64: 1, 128>}, {pipeline_mode = #tpu.pipeline_mode<synchronous>, transform_indices = @transform_12, window_bounds = array<i64: 128, 128>}, {pipeline_mode = #tpu.pipeline_mode<synchronous>, transform_indices = @transform_13, window_bounds = array<i64: 1, 128>}, {transform_indices = @transform_14, window_bounds = array<i64: 2560, 128>}, {transform_indices = @transform_15, window_bounds = array<i64: 2560, 64>}, {transform_indices = @transform_16, window_bounds = array<i64: 2560, 64>}]} {
    %get3A = arith.constant 0 : index
    %get3A_0 = arith.constant 0 : index
    %get3A_1 = vector.load %arg1[%get3A, %get3A_0] : memref<2560x128xf32, #tpu.memory_space<vmem>>, vector<2560x128xf32>
    %get3A_2 = arith.constant 0 : index
    %get3A_3 = arith.constant 0 : index
    %get3A_4 = vector.load %arg4[%get3A_2, %get3A_3] : memref<128x128xf32, #tpu.memory_space<vmem>>, vector<128x128xf32>
    %dot_general3A = arith.constant dense<0.000000e+00> : vector<2560x128xf32>
    %dot_general3A_5 = tpu.matmul %get3A_1, %get3A_4, %dot_general3A {dimension_numbers = #tpu.dot_dimension_numbers<[1], [0], [0], [1], [0, 0, 1, 1], [], []>, transpose_lhs_hint = false} : vector<2560x128xf32>, vector<128x128xf32>, vector<2560x128xf32> -> vector<2560x128xf32>
    %get3A_6 = arith.constant 0 : index
    %get3A_7 = arith.constant 0 : index
    %get3A_8 = vector.load %arg2[%get3A_6, %get3A_7] : memref<2560x128xf32, #tpu.memory_space<vmem>>, vector<2560x128xf32>
    %get3A_9 = arith.constant 0 : index
    %get3A_10 = arith.constant 0 : index
    %get3A_11 = vector.load %arg5[%get3A_9, %get3A_10] : memref<128x128xf32, #tpu.memory_space<vmem>>, vector<128x128xf32>
    %dot_general3A_12 = arith.constant dense<0.000000e+00> : vector<2560x128xf32>
    %dot_general3A_13 = tpu.matmul %get3A_8, %get3A_11, %dot_general3A_12 {dimension_numbers = #tpu.dot_dimension_numbers<[1], [0], [0], [1], [0, 0, 1, 1], [], []>, transpose_lhs_hint = false} : vector<2560x128xf32>, vector<128x128xf32>, vector<2560x128xf32> -> vector<2560x128xf32>
    %add3A = arith.addf %dot_general3A_5, %dot_general3A_13 : vector<2560x128xf32>
    %get3A_14 = arith.constant 0 : index
    %get3A_15 = arith.constant 0 : index
    %get3A_16 = vector.load %arg3[%get3A_14, %get3A_15] : memref<2560x128xf32, #tpu.memory_space<vmem>>, vector<2560x128xf32>
    %get3A_17 = arith.constant 0 : index
    %get3A_18 = arith.constant 0 : index
    %get3A_19 = vector.load %arg6[%get3A_17, %get3A_18] : memref<128x128xf32, #tpu.memory_space<vmem>>, vector<128x128xf32>
    %dot_general3A_20 = arith.constant dense<0.000000e+00> : vector<2560x128xf32>
    %dot_general3A_21 = tpu.matmul %get3A_16, %get3A_19, %dot_general3A_20 {dimension_numbers = #tpu.dot_dimension_numbers<[1], [0], [0], [1], [0, 0, 1, 1], [], []>, transpose_lhs_hint = false} : vector<2560x128xf32>, vector<128x128xf32>, vector<2560x128xf32> -> vector<2560x128xf32>
    %add3A_22 = arith.addf %add3A, %dot_general3A_21 : vector<2560x128xf32>
    %get3A_23 = arith.constant 0 : index
    %get3A_24 = arith.constant 0 : index
    %get3A_25 = vector.load %arg7[%get3A_23, %get3A_24] : memref<1x128xf32, #tpu.memory_space<vmem>>, vector<1x128xf32>
    %add3A_26 = vector.broadcast %get3A_25 : vector<1x128xf32> to vector<2560x128xf32>
    %add3A_27 = arith.addf %add3A_22, %add3A_26 : vector<2560x128xf32>
    %max3A = arith.constant 0.000000e+00 : f32
    %max3A_28 = vector.broadcast %max3A : f32 to vector<2560x128xf32>
    %max3A_29 = arith.maximumf %add3A_27, %max3A_28 : vector<2560x128xf32>
    %get3A_30 = arith.constant 0 : index
    %get3A_31 = arith.constant 0 : index
    %get3A_32 = vector.load %arg8[%get3A_30, %get3A_31] : memref<128x128xf32, #tpu.memory_space<vmem>>, vector<128x128xf32>
    %dot_general3A_33 = arith.constant dense<0.000000e+00> : vector<2560x128xf32>
    %dot_general3A_34 = tpu.matmul %max3A_29, %get3A_32, %dot_general3A_33 {dimension_numbers = #tpu.dot_dimension_numbers<[1], [0], [0], [1], [0, 0, 1, 1], [], []>, transpose_lhs_hint = false} : vector<2560x128xf32>, vector<128x128xf32>, vector<2560x128xf32> -> vector<2560x128xf32>
    %get3A_35 = arith.constant 0 : index
    %get3A_36 = arith.constant 0 : index
    %get3A_37 = vector.load %arg9[%get3A_35, %get3A_36] : memref<1x128xf32, #tpu.memory_space<vmem>>, vector<1x128xf32>
    %add3A_38 = vector.broadcast %get3A_37 : vector<1x128xf32> to vector<2560x128xf32>
    %add3A_39 = arith.addf %dot_general3A_34, %add3A_38 : vector<2560x128xf32>
    %swap3A = arith.constant 0 : index
    %swap3A_40 = arith.constant 0 : index
    %swap3A_41 = vector.load %arg15[%swap3A, %swap3A_40] : memref<2560x128xf32, #tpu.memory_space<vmem>>, vector<2560x128xf32>
    tpu.vector_store %arg15[%swap3A, %swap3A_40], %add3A_39 {strides = array<i32>} : memref<2560x128xf32, #tpu.memory_space<vmem>>, vector<2560x128xf32>,
    %get3A_42 = arith.constant 0 : index
    %get3A_43 = arith.constant 0 : index
    %get3A_44 = vector.load %arg1[%get3A_42, %get3A_43] : memref<2560x128xf32, #tpu.memory_space<vmem>>, vector<2560x128xf32>
    %get3A_45 = arith.constant 0 : index
    %get3A_46 = arith.constant 0 : index
    %get3A_47 = vector.load %arg10[%get3A_45, %get3A_46] : memref<128x128xf32, #tpu.memory_space<vmem>>, vector<128x128xf32>
    %dot_general3A_48 = arith.constant dense<0.000000e+00> : vector<2560x128xf32>
    %dot_general3A_49 = tpu.matmul %get3A_44, %get3A_47, %dot_general3A_48 {dimension_numbers = #tpu.dot_dimension_numbers<[1], [0], [0], [1], [0, 0, 1, 1], [], []>, transpose_lhs_hint = false} : vector<2560x128xf32>, vector<128x128xf32>, vector<2560x128xf32> -> vector<2560x128xf32>
    %get3A_50 = arith.constant 0 : index
    %get3A_51 = arith.constant 0 : index
    %get3A_52 = vector.load %arg11[%get3A_50, %get3A_51] : memref<128x128xf32, #tpu.memory_space<vmem>>, vector<128x128xf32>
    %dot_general3A_53 = arith.constant dense<0.000000e+00> : vector<2560x128xf32>
    %dot_general3A_54 = tpu.matmul %add3A_39, %get3A_52, %dot_general3A_53 {dimension_numbers = #tpu.dot_dimension_numbers<[1], [0], [0], [1], [0, 0, 1, 1], [], []>, transpose_lhs_hint = false} : vector<2560x128xf32>, vector<128x128xf32>, vector<2560x128xf32> -> vector<2560x128xf32>
    %add3A_55 = arith.addf %dot_general3A_49, %dot_general3A_54 : vector<2560x128xf32>
    %get3A_56 = arith.constant 0 : index
    %get3A_57 = arith.constant 0 : index
    %get3A_58 = vector.load %arg12[%get3A_56, %get3A_57] : memref<1x128xf32, #tpu.memory_space<vmem>>, vector<1x128xf32>
    %add3A_59 = vector.broadcast %get3A_58 : vector<1x128xf32> to vector<2560x128xf32>
    %add3A_60 = arith.addf %add3A_55, %add3A_59 : vector<2560x128xf32>
    %max3A_61 = arith.constant 0.000000e+00 : f32
    %max3A_62 = vector.broadcast %max3A_61 : f32 to vector<2560x128xf32>
    %max3A_63 = arith.maximumf %add3A_60, %max3A_62 : vector<2560x128xf32>
    %get3A_64 = arith.constant 0 : index
    %get3A_65 = arith.constant 0 : index
    %get3A_66 = vector.load %arg13[%get3A_64, %get3A_65] : memref<128x128xf32, #tpu.memory_space<vmem>>, vector<128x128xf32>
    %dot_general3A_67 = arith.constant dense<0.000000e+00> : vector<2560x128xf32>
    %dot_general3A_68 = tpu.matmul %max3A_63, %get3A_66, %dot_general3A_67 {dimension_numbers = #tpu.dot_dimension_numbers<[1], [0], [0], [1], [0, 0, 1, 1], [], []>, transpose_lhs_hint = false} : vector<2560x128xf32>, vector<128x128xf32>, vector<2560x128xf32> -> vector<2560x128xf32>
    %get3A_69 = arith.constant 0 : index
    %get3A_70 = arith.constant 0 : index
    %get3A_71 = vector.load %arg14[%get3A_69, %get3A_70] : memref<1x128xf32, #tpu.memory_space<vmem>>, vector<1x128xf32>
    %add3A_72 = vector.broadcast %get3A_71 : vector<1x128xf32> to vector<2560x128xf32>
    %add3A_73 = arith.addf %dot_general3A_68, %add3A_72 : vector<2560x128xf32>
    %slice3A = vector.extract_strided_slice %add3A_73 {offsets = [0, 0], sizes = [2560, 64], strides = [1, 1]} : vector<2560x128xf32> to vector<2560x64xf32>
    %swap3A_74 = arith.constant 0 : index
    %swap3A_75 = arith.constant 0 : index
    %swap3A_76 = vector.load %arg16[%swap3A_74, %swap3A_75] : memref<2560x64xf32, #tpu.memory_space<vmem>>, vector<2560x64xf32>
    tpu.vector_store %arg16[%swap3A_74, %swap3A_75], %slice3A {strides = array<i32>} : memref<2560x64xf32, #tpu.memory_space<vmem>>, vector<2560x64xf32>,
    %slice3A_77 = vector.extract_strided_slice %add3A_73 {offsets = [0, 64], sizes = [2560, 64], strides = [1, 1]} : vector<2560x128xf32> to vector<2560x64xf32>
    %swap3A_78 = arith.constant 0 : index
    %swap3A_79 = arith.constant 0 : index
    %swap3A_80 = vector.load %arg17[%swap3A_78, %swap3A_79] : memref<2560x64xf32, #tpu.memory_space<vmem>>, vector<2560x64xf32>
    tpu.vector_store %arg17[%swap3A_78, %swap3A_79], %slice3A_77 {strides = array<i32>} : memref<2560x64xf32, #tpu.memory_space<vmem>>, vector<2560x64xf32>,
    return
  }
  func.func @transform_0(%arg0: i32) -> (i32, i32) {
    %c0_i32 = arith.constant 0 : i32
    %c0_i32_0 = arith.constant 0 : i32
    return %arg0, %c0_i32 : i32, i32
  }
  func.func @transform_1(%arg0: i32) -> (i32, i32) {
    %c0_i32 = arith.constant 0 : i32
    %c0_i32_0 = arith.constant 0 : i32
    return %arg0, %c0_i32 : i32, i32
  }
  func.func @transform_2(%arg0: i32) -> (i32, i32) {
    %c0_i32 = arith.constant 0 : i32
    %c0_i32_0 = arith.constant 0 : i32
    return %arg0, %c0_i32 : i32, i32
  }
  func.func @transform_3(%arg0: i32) -> (i32, i32) {
    %c0_i32 = arith.constant 0 : i32
    %c0_i32_0 = arith.constant 0 : i32
    %c0_i32_1 = arith.constant 0 : i32
    return %c0_i32, %c0_i32_0 : i32, i32
  }
  func.func @transform_4(%arg0: i32) -> (i32, i32) {
    %c0_i32 = arith.constant 0 : i32
    %c0_i32_0 = arith.constant 0 : i32
    %c0_i32_1 = arith.constant 0 : i32
    return %c0_i32, %c0_i32_0 : i32, i32
  }
  func.func @transform_5(%arg0: i32) -> (i32, i32) {
    %c0_i32 = arith.constant 0 : i32
    %c0_i32_0 = arith.constant 0 : i32
    %c0_i32_1 = arith.constant 0 : i32
    return %c0_i32, %c0_i32_0 : i32, i32
  }
  func.func @transform_6(%arg0: i32) -> (i32, i32) {
    %c0_i32 = arith.constant 0 : i32
    %c0_i32_0 = arith.constant 0 : i32
    %c0_i32_1 = arith.constant 0 : i32
    return %c0_i32, %c0_i32_0 : i32, i32
  }
  func.func @transform_7(%arg0: i32) -> (i32, i32) {
    %c0_i32 = arith.constant 0 : i32
    %c0_i32_0 = arith.constant 0 : i32
    %c0_i32_1 = arith.constant 0 : i32
    return %c0_i32, %c0_i32_0 : i32, i32
  }
  func.func @transform_8(%arg0: i32) -> (i32, i32) {
    %c0_i32 = arith.constant 0 : i32
    %c0_i32_0 = arith.constant 0 : i32
    %c0_i32_1 = arith.constant 0 : i32
    return %c0_i32, %c0_i32_0 : i32, i32
  }
  func.func @transform_9(%arg0: i32) -> (i32, i32) {
    %c0_i32 = arith.constant 0 : i32
    %c0_i32_0 = arith.constant 0 : i32
    %c0_i32_1 = arith.constant 0 : i32
    return %c0_i32, %c0_i32_0 : i32, i32
  }
  func.func @transform_10(%arg0: i32) -> (i32, i32) {
    %c0_i32 = arith.constant 0 : i32
    %c0_i32_0 = arith.constant 0 : i32
    %c0_i32_1 = arith.constant 0 : i32
    return %c0_i32, %c0_i32_0 : i32, i32
  }
  func.func @transform_11(%arg0: i32) -> (i32, i32) {
    %c0_i32 = arith.constant 0 : i32
    %c0_i32_0 = arith.constant 0 : i32
    %c0_i32_1 = arith.constant 0 : i32
    return %c0_i32, %c0_i32_0 : i32, i32
  }
  func.func @transform_12(%arg0: i32) -> (i32, i32) {
    %c0_i32 = arith.constant 0 : i32
    %c0_i32_0 = arith.constant 0 : i32
    %c0_i32_1 = arith.constant 0 : i32
    return %c0_i32, %c0_i32_0 : i32, i32
  }
  func.func @transform_13(%arg0: i32) -> (i32, i32) {
    %c0_i32 = arith.constant 0 : i32
    %c0_i32_0 = arith.constant 0 : i32
    %c0_i32_1 = arith.constant 0 : i32
    return %c0_i32, %c0_i32_0 : i32, i32
  }
  func.func @transform_14(%arg0: i32) -> (i32, i32) {
    %c0_i32 = arith.constant 0 : i32
    %c0_i32_0 = arith.constant 0 : i32
    return %arg0, %c0_i32 : i32, i32
  }
  func.func @transform_15(%arg0: i32) -> (i32, i32) {
    %c0_i32 = arith.constant 0 : i32
    %c0_i32_0 = arith.constant 0 : i32
    return %arg0, %c0_i32 : i32, i32
  }
  func.func @transform_16(%arg0: i32) -> (i32, i32) {
    %c0_i32 = arith.constant 0 : i32
    %c0_i32_0 = arith.constant 0 : i32
    return %arg0, %c0_i32 : i32, i32
  }
}

module attributes {stable_mosaic.version = 14 : i64} {
  func.func @_node_mlp_body(%arg0: i32, %arg1: memref<2000x128xf32, #tpu.memory_space<vmem>>, %arg2: memref<2000x64xf32, #tpu.memory_space<vmem>>, %arg3: memref<2000x64xf32, #tpu.memory_space<vmem>>, %arg4: memref<2000x16xf32, #tpu.memory_space<vmem>>, %arg5: memref<2000x16xf32, #tpu.memory_space<vmem>>, %arg6: memref<128x128xf32, #tpu.memory_space<vmem>>, %arg7: memref<64x128xf32, #tpu.memory_space<vmem>>, %arg8: memref<64x128xf32, #tpu.memory_space<vmem>>, %arg9: memref<1x128xf32, #tpu.memory_space<vmem>>, %arg10: memref<128x128xf32, #tpu.memory_space<vmem>>, %arg11: memref<1x128xf32, #tpu.memory_space<vmem>>, %arg12: memref<2000x128xf32, #tpu.memory_space<vmem>>) attributes {dimension_semantics = [#tpu.dimension_semantics<arbitrary>], iteration_bounds = array<i64: 5>, scalar_prefetch = 0 : i64, scratch_operands = 0 : i64, tpu.core_type = #tpu.core_type<tc>, window_params = [{transform_indices = @transform_0, window_bounds = array<i64: 2000, 128>}, {transform_indices = @transform_1, window_bounds = array<i64: 2000, 64>}, {transform_indices = @transform_2, window_bounds = array<i64: 2000, 64>}, {transform_indices = @transform_3, window_bounds = array<i64: 2000, 16>}, {transform_indices = @transform_4, window_bounds = array<i64: 2000, 16>}, {pipeline_mode = #tpu.pipeline_mode<synchronous>, transform_indices = @transform_5, window_bounds = array<i64: 128, 128>}, {pipeline_mode = #tpu.pipeline_mode<synchronous>, transform_indices = @transform_6, window_bounds = array<i64: 64, 128>}, {pipeline_mode = #tpu.pipeline_mode<synchronous>, transform_indices = @transform_7, window_bounds = array<i64: 64, 128>}, {pipeline_mode = #tpu.pipeline_mode<synchronous>, transform_indices = @transform_8, window_bounds = array<i64: 1, 128>}, {pipeline_mode = #tpu.pipeline_mode<synchronous>, transform_indices = @transform_9, window_bounds = array<i64: 128, 128>}, {pipeline_mode = #tpu.pipeline_mode<synchronous>, transform_indices = @transform_10, window_bounds = array<i64: 1, 128>}, {transform_indices = @transform_11, window_bounds = array<i64: 2000, 128>}]} {
    %get3A = arith.constant 0 : index
    %get3A_0 = arith.constant 0 : index
    %get3A_1 = vector.load %arg4[%get3A, %get3A_0] : memref<2000x16xf32, #tpu.memory_space<vmem>>, vector<2000x16xf32>
    %slice3A = vector.extract_strided_slice %get3A_1 {offsets = [0, 0], sizes = [2000, 1], strides = [1, 1]} : vector<2000x16xf32> to vector<2000x1xf32>
    %get3A_2 = arith.constant 0 : index
    %get3A_3 = arith.constant 0 : index
    %get3A_4 = vector.load %arg5[%get3A_2, %get3A_3] : memref<2000x16xf32, #tpu.memory_space<vmem>>, vector<2000x16xf32>
    %slice3A_5 = vector.extract_strided_slice %get3A_4 {offsets = [0, 0], sizes = [2000, 1], strides = [1, 1]} : vector<2000x16xf32> to vector<2000x1xf32>
    %add3A = arith.addf %slice3A, %slice3A_5 : vector<2000x1xf32>
    %max3A = arith.constant 1.000000e+00 : f32
    %max3A_6 = vector.broadcast %max3A : f32 to vector<2000x1xf32>
    %max3A_7 = arith.maximumf %add3A, %max3A_6 : vector<2000x1xf32>
    %div3A = arith.constant 1.000000e+00 : f32
    %div3A_8 = vector.broadcast %div3A : f32 to vector<2000x1xf32>
    %div3A_9 = arith.divf %div3A_8, %max3A_7 : vector<2000x1xf32>
    %get3A_10 = arith.constant 0 : index
    %get3A_11 = arith.constant 0 : index
    %get3A_12 = vector.load %arg1[%get3A_10, %get3A_11] : memref<2000x128xf32, #tpu.memory_space<vmem>>, vector<2000x128xf32>
    %get3A_13 = arith.constant 0 : index
    %get3A_14 = arith.constant 0 : index
    %get3A_15 = vector.load %arg6[%get3A_13, %get3A_14] : memref<128x128xf32, #tpu.memory_space<vmem>>, vector<128x128xf32>
    %dot_general3A = arith.constant dense<0.000000e+00> : vector<2000x128xf32>
    %dot_general3A_16 = tpu.matmul %get3A_12, %get3A_15, %dot_general3A {dimension_numbers = #tpu.dot_dimension_numbers<[1], [0], [0], [1], [0, 0, 1, 1], [], []>, transpose_lhs_hint = false} : vector<2000x128xf32>, vector<128x128xf32>, vector<2000x128xf32> -> vector<2000x128xf32>
    %get3A_17 = arith.constant 0 : index
    %get3A_18 = arith.constant 0 : index
    %get3A_19 = vector.load %arg2[%get3A_17, %get3A_18] : memref<2000x64xf32, #tpu.memory_space<vmem>>, vector<2000x64xf32>
    %mul3A = vector.broadcast %div3A_9 : vector<2000x1xf32> to vector<2000x64xf32>
    %mul3A_20 = arith.mulf %get3A_19, %mul3A : vector<2000x64xf32>
    %get3A_21 = arith.constant 0 : index
    %get3A_22 = arith.constant 0 : index
    %get3A_23 = vector.load %arg7[%get3A_21, %get3A_22] : memref<64x128xf32, #tpu.memory_space<vmem>>, vector<64x128xf32>
    %dot_general3A_24 = arith.constant dense<0.000000e+00> : vector<2000x128xf32>
    %dot_general3A_25 = tpu.matmul %mul3A_20, %get3A_23, %dot_general3A_24 {dimension_numbers = #tpu.dot_dimension_numbers<[1], [0], [0], [1], [0, 0, 1, 1], [], []>, transpose_lhs_hint = false} : vector<2000x64xf32>, vector<64x128xf32>, vector<2000x128xf32> -> vector<2000x128xf32>
    %add3A_26 = arith.addf %dot_general3A_16, %dot_general3A_25 : vector<2000x128xf32>
    %get3A_27 = arith.constant 0 : index
    %get3A_28 = arith.constant 0 : index
    %get3A_29 = vector.load %arg3[%get3A_27, %get3A_28] : memref<2000x64xf32, #tpu.memory_space<vmem>>, vector<2000x64xf32>
    %mul3A_30 = vector.broadcast %div3A_9 : vector<2000x1xf32> to vector<2000x64xf32>
    %mul3A_31 = arith.mulf %get3A_29, %mul3A_30 : vector<2000x64xf32>
    %get3A_32 = arith.constant 0 : index
    %get3A_33 = arith.constant 0 : index
    %get3A_34 = vector.load %arg8[%get3A_32, %get3A_33] : memref<64x128xf32, #tpu.memory_space<vmem>>, vector<64x128xf32>
    %dot_general3A_35 = arith.constant dense<0.000000e+00> : vector<2000x128xf32>
    %dot_general3A_36 = tpu.matmul %mul3A_31, %get3A_34, %dot_general3A_35 {dimension_numbers = #tpu.dot_dimension_numbers<[1], [0], [0], [1], [0, 0, 1, 1], [], []>, transpose_lhs_hint = false} : vector<2000x64xf32>, vector<64x128xf32>, vector<2000x128xf32> -> vector<2000x128xf32>
    %add3A_37 = arith.addf %add3A_26, %dot_general3A_36 : vector<2000x128xf32>
    %get3A_38 = arith.constant 0 : index
    %get3A_39 = arith.constant 0 : index
    %get3A_40 = vector.load %arg9[%get3A_38, %get3A_39] : memref<1x128xf32, #tpu.memory_space<vmem>>, vector<1x128xf32>
    %add3A_41 = vector.broadcast %get3A_40 : vector<1x128xf32> to vector<2000x128xf32>
    %add3A_42 = arith.addf %add3A_37, %add3A_41 : vector<2000x128xf32>
    %max3A_43 = arith.constant 0.000000e+00 : f32
    %max3A_44 = vector.broadcast %max3A_43 : f32 to vector<2000x128xf32>
    %max3A_45 = arith.maximumf %add3A_42, %max3A_44 : vector<2000x128xf32>
    %get3A_46 = arith.constant 0 : index
    %get3A_47 = arith.constant 0 : index
    %get3A_48 = vector.load %arg10[%get3A_46, %get3A_47] : memref<128x128xf32, #tpu.memory_space<vmem>>, vector<128x128xf32>
    %dot_general3A_49 = arith.constant dense<0.000000e+00> : vector<2000x128xf32>
    %dot_general3A_50 = tpu.matmul %max3A_45, %get3A_48, %dot_general3A_49 {dimension_numbers = #tpu.dot_dimension_numbers<[1], [0], [0], [1], [0, 0, 1, 1], [], []>, transpose_lhs_hint = false} : vector<2000x128xf32>, vector<128x128xf32>, vector<2000x128xf32> -> vector<2000x128xf32>
    %get3A_51 = arith.constant 0 : index
    %get3A_52 = arith.constant 0 : index
    %get3A_53 = vector.load %arg11[%get3A_51, %get3A_52] : memref<1x128xf32, #tpu.memory_space<vmem>>, vector<1x128xf32>
    %add3A_54 = vector.broadcast %get3A_53 : vector<1x128xf32> to vector<2000x128xf32>
    %add3A_55 = arith.addf %dot_general3A_50, %add3A_54 : vector<2000x128xf32>
    %swap3A = arith.constant 0 : index
    %swap3A_56 = arith.constant 0 : index
    %swap3A_57 = vector.load %arg12[%swap3A, %swap3A_56] : memref<2000x128xf32, #tpu.memory_space<vmem>>, vector<2000x128xf32>
    tpu.vector_store %arg12[%swap3A, %swap3A_56], %add3A_55 {strides = array<i32>} : memref<2000x128xf32, #tpu.memory_space<vmem>>, vector<2000x128xf32>,
    return
  }
  func.func @transform_0(%arg0: i32) -> (i32, i32) {
    %c0_i32 = arith.constant 0 : i32
    %c0_i32_0 = arith.constant 0 : i32
    return %arg0, %c0_i32 : i32, i32
  }
  func.func @transform_1(%arg0: i32) -> (i32, i32) {
    %c0_i32 = arith.constant 0 : i32
    %c0_i32_0 = arith.constant 0 : i32
    return %arg0, %c0_i32 : i32, i32
  }
  func.func @transform_2(%arg0: i32) -> (i32, i32) {
    %c0_i32 = arith.constant 0 : i32
    %c0_i32_0 = arith.constant 0 : i32
    return %arg0, %c0_i32 : i32, i32
  }
  func.func @transform_3(%arg0: i32) -> (i32, i32) {
    %c0_i32 = arith.constant 0 : i32
    %c0_i32_0 = arith.constant 0 : i32
    return %arg0, %c0_i32 : i32, i32
  }
  func.func @transform_4(%arg0: i32) -> (i32, i32) {
    %c0_i32 = arith.constant 0 : i32
    %c0_i32_0 = arith.constant 0 : i32
    return %arg0, %c0_i32 : i32, i32
  }
  func.func @transform_5(%arg0: i32) -> (i32, i32) {
    %c0_i32 = arith.constant 0 : i32
    %c0_i32_0 = arith.constant 0 : i32
    %c0_i32_1 = arith.constant 0 : i32
    return %c0_i32, %c0_i32_0 : i32, i32
  }
  func.func @transform_6(%arg0: i32) -> (i32, i32) {
    %c0_i32 = arith.constant 0 : i32
    %c0_i32_0 = arith.constant 0 : i32
    %c0_i32_1 = arith.constant 0 : i32
    return %c0_i32, %c0_i32_0 : i32, i32
  }
  func.func @transform_7(%arg0: i32) -> (i32, i32) {
    %c0_i32 = arith.constant 0 : i32
    %c0_i32_0 = arith.constant 0 : i32
    %c0_i32_1 = arith.constant 0 : i32
    return %c0_i32, %c0_i32_0 : i32, i32
  }
  func.func @transform_8(%arg0: i32) -> (i32, i32) {
    %c0_i32 = arith.constant 0 : i32
    %c0_i32_0 = arith.constant 0 : i32
    %c0_i32_1 = arith.constant 0 : i32
    return %c0_i32, %c0_i32_0 : i32, i32
  }
  func.func @transform_9(%arg0: i32) -> (i32, i32) {
    %c0_i32 = arith.constant 0 : i32
    %c0_i32_0 = arith.constant 0 : i32
    %c0_i32_1 = arith.constant 0 : i32
    return %c0_i32, %c0_i32_0 : i32, i32
  }
  func.func @transform_10(%arg0: i32) -> (i32, i32) {
    %c0_i32 = arith.constant 0 : i32
    %c0_i32_0 = arith.constant 0 : i32
    %c0_i32_1 = arith.constant 0 : i32
    return %c0_i32, %c0_i32_0 : i32, i32
  }
  func.func @transform_11(%arg0: i32) -> (i32, i32) {
    %c0_i32 = arith.constant 0 : i32
    %c0_i32_0 = arith.constant 0 : i32
    return %arg0, %c0_i32 : i32, i32
  }
}

</mosaic_0001>

<sc_bundles>
// kernel: kernel.6.cloned.1.call-start
scs
__scs_entry_jumppad:
0x0: {  	(pc) =	sbr.rel $0x88, $3  }
0x1: {  	(tag) =	ssettag $0x0;
	lr =	simm.s32 $0x1  }
0x2: {  	[smem:$0x3F92] =	sst lr;
	_ =	strace $0xD0000000  }
0x3: {  	_ = 	snop  }
0x4: {  	_ = 	snop  }
0x5: {  	_ = 	snop  }
0x6: {  	_ = 	snop  }
0x7: {  	_ = 	snop  }
__scs_overlays_trampoline_lowered:
0x8: {  	[smem:$0x3FA1] =	sst s0  }
0x9: {  	[smem:$0x3FA2] =	sst s1  }
0xa: {  	[smem:$0x3FA3] =	sst s2  }
0xb: {  	[smem:$0x3FA4] =	sst s3  }
0xc: {  	[smem:$0x3FA5] =	sst s4  }
0xd: {  	[smem:$0x3FA6] =	sst s5  }
0xe: {  	[smem:$0x3FA7] =	sst s6  }
0xf: {  	[smem:$0x3FA8] =	sst s7  }
0x10: {  	[smem:$0x3FA9] =	sst s8  }
0x11: {  	[smem:$0x3FAA] =	sst s9;
	s0 =	simm.s32 @!p0 $0x0  }
0x12: {  	s1 =	sld [smem:$0x3F90];
	s0 =	simm.s32 @p0 $0x1  }
0x13: {  	[smem:$0x3FAB] =	sst s0;
	s0 =	simm.s32 @!p1 $0x0  }
0x14: {  	s2 =	sld [smem:$0x3F8F];
	s0 =	simm.s32 @p1 $0x1  }
0x15: {  	[smem:$0x3FAC] =	sst s0;
	s0 =	simm.s32 @!p2 $0x0  }
0x16: {  	s3 =	sld [smem:$0x3FDB];
	s0 =	simm.s32 @p2 $0x1  }
0x17: {  	s4 =	simm.s32 $0x1BF5;
	[smem:$0x3FAE] =	sst s0  }
0x18: {  	s0 =	sld [smem:$0x3F91];
	_ =	swait.ge [sflag:s4], $0x0  }
0x19: {  	s7 =	sld [smem:$0x3F92]  }
0x1a: {  	s8 =	sadd.s32 $0xFFFFE003, lr  }
0x1b: {  	s9 =	sadd.s32 $0xFFFFFEF7, lr;
	s5 =	simm.s32 $0xFFFFFFFF;
	p2 =	slt.u32 s8, $0xFFFFF086  }
0x1c: {  	p1 =	slt.u32 s9, $0xF7A;
	s5 =	simm.s32 @!p2 $0x0  }
0x1d: {  	s5 =	simm.s32 @p1 $0x1;
	p0 =	seq.s32 s7, s2  }
0x1e: {  	s7 =	smul.u32 @!p0 $0xF7A, s2;
	p2 =	seq.s32 @!p0 s5, $0x0  }
0x1f: {  	s9 =	smul.u32 $0xF7A, s1;
	s8 =	simm.s32 @!p0 $0x1BF5;
	p2 =	por !p2, p0  }
0x20: {  	[sflag:s8] =	ssyncset.s32 @!p0 $0xFFFFF086;
	s6 =	sadd.s32 @!p0 s3, s7;
	s7 =	simm.s32 @!p0 $0x108  }
0x21: {  	s3 =	sadd.s32 s3, s9;
	s6 =	sadd.s32 @!p0 $0x88, s6;
	s7 =	simm.s32 @p2 $0x1082  }
0x22: {  	[simem:s7], [sflag:s8] =	dma.local @!p0 [hbm:s6], $0xF7A  }
0x23: {  	s9 =	sor.u32 $0xD0000000, s2;
	s6 =	simm.s32 $0x108;
	_ =	swait.ge @!p0 [sflag:s8], $0x0  }
0x24: {  	s3 =	sadd.s32 $0x88, s3;
	s6 =	simm.s32 @!p1 $0x1082;
	[sflag:s4] =	ssyncset.s32 $0xFFFFF086  }
0x25: {  	[simem:s6], [sflag:s4] =	dma.local [hbm:s3], $0xF7A  }
0x26: {  	[smem:$0x3F92] =	sst s1;
	(tag) =	ssettag s2;
	_ =	strace s9  }
0x27: {  	s1 =	sld [smem:$0x3FA2]  }
0x28: {  	s2 =	sld [smem:$0x3FA3]  }
0x29: {  	s4 =	sld [smem:$0x3FA5]  }
0x2a: {  	p0 =	seq.s32 s5, $0x0;
	s5 =	sld [smem:$0x3FA6]  }
0x2b: {  	s6 =	sld [smem:$0x3FA7]  }
0x2c: {  	s7 =	sld [smem:$0x3FA8]  }
0x2d: {  	s3 =	simm.s32 $0x108;
	s8 =	sld [smem:$0x3FA9]  }
0x2e: {  	s3 =	simm.s32 @!p0 $0x1082;
	s9 =	sld [smem:$0x3FAA]  }
0x2f: {  	lr =	sadd.s32 s0, s3;
	s0 =	sld [smem:$0x3FA1]  }
0x30: {  	s3 =	sld [smem:$0x3FA4]  }
0x31: {  	[smem:$0x3FAD] =	sst s10  }
0x32: {  	s10 =	sld [smem:$0x3FAB];
	_ =	sdelay $0x3  }
0x33: {  	p0 =	seq.s32 s10, $0x1;
	s10 =	sld [smem:$0x3FAD];
	_ =	sdelay $0x3  }
0x34: {  	[smem:$0x3FAD] =	sst s10  }
0x35: {  	s10 =	sld [smem:$0x3FAC];
	_ =	sdelay $0x3  }
0x36: {  	p1 =	seq.s32 s10, $0x1;
	s10 =	sld [smem:$0x3FAD];
	_ =	sdelay $0x3  }
0x37: {  	[smem:$0x3FAD] =	sst s10  }
0x38: {  	s10 =	sld [smem:$0x3FAE]  }
0x39: {  	_ = 	snop;
	(pc) =	sbr.ind lr, $3  }
0x3a: {  	_ = 	snop  }
0x3b: {  	_ = 	snop  }
0x3c: {  	p2 =	seq.s32 s10, $0x1;
	s10 =	sld [smem:$0x3FAD]  }
0x3d: {  	_ =	shalt  }
0x3e: {  	_ =	shalt  }
0x3f: {  	_ =	shalt  }
0x40: {  	_ =	shalt  }
0x41: {  	_ =	shalt  }
0x42: {  	_ =	shalt  }
0x43: {  	_ =	shalt  }
0x44: {  	_ =	shalt  }
0x45: {  	_ =	shalt  }
0x46: {  	_ =	shalt  }
0x47: {  	_ =	shalt  }
0x48: {  	_ =	shalt  }
0x49: {  	_ =	shalt  }
0x4a: {  	_ =	shalt  }
0x4b: {  	_ =	shalt  }
0x4c: {  	_ =	shalt  }
0x4d: {  	_ =	shalt  }
0x4e: {  	_ =	shalt  }
0x4f: {  	_ =	shalt  }
0x50: {  	_ =	shalt  }
0x51: {  	_ =	shalt  }
0x52: {  	_ =	shalt  }
0x53: {  	_ =	shalt  }
0x54: {  	_ =	shalt  }
0x55: {  	_ =	shalt  }
0x56: {  	_ =	shalt  }
0x57: {  	_ =	shalt  }
0x58: {  	_ =	shalt  }
0x59: {  	_ =	shalt  }
0x5a: {  	_ =	shalt  }
0x5b: {  	_ =	shalt  }
0x5c: {  	_ =	shalt  }
0x5d: {  	_ =	shalt  }
0x5e: {  	_ =	shalt  }
0x5f: {  	_ =	shalt  }
0x60: {  	_ =	shalt  }
0x61: {  	_ =	shalt  }
0x62: {  	_ =	shalt  }
0x63: {  	_ =	shalt  }
0x64: {  	_ =	shalt  }
0x65: {  	_ =	shalt  }
0x66: {  	_ =	shalt  }
0x67: {  	_ =	shalt  }
0x68: {  	_ =	shalt  }
0x69: {  	_ =	shalt  }
0x6a: {  	_ =	shalt  }
0x6b: {  	_ =	shalt  }
0x6c: {  	_ =	shalt  }
0x6d: {  	_ =	shalt  }
0x6e: {  	_ =	shalt  }
0x6f: {  	_ =	shalt  }
0x70: {  	_ =	shalt  }
0x71: {  	_ =	shalt  }
0x72: {  	_ =	shalt  }
0x73: {  	_ =	shalt  }
0x74: {  	_ =	shalt  }
0x75: {  	_ =	shalt  }
0x76: {  	_ =	shalt  }
0x77: {  	_ =	shalt  }
0x78: {  	_ =	shalt  }
0x79: {  	_ =	shalt  }
0x7a: {  	_ =	shalt  }
0x7b: {  	_ =	shalt  }
0x7c: {  	_ =	shalt  }
0x7d: {  	_ =	shalt  }
0x7e: {  	_ =	shalt  }
0x7f: {  	_ =	shalt  }
0x80: {  	_ =	shalt  }
0x81: {  	_ =	shalt  }
0x82: {  	_ =	shalt  }
0x83: {  	_ =	shalt  }
0x84: {  	_ =	shalt  }
0x85: {  	_ =	shalt  }
0x86: {  	_ =	shalt  }
0x87: {  	_ =	shalt  }
.Lfunc_end0:
.L_simem_size_0:
called_computation_lowered:
.L_overlay_start_0:
0x88: {  	s2 =	sld [smem:$0x3FD9]  }
0x89: {  	s3 =	sld [smem:$0x3FFE];
	_ =	sdelay $0x1  }
0x8a: {  	s1 =	srdreg.scid  }
0x8b: {  	s0 =	sand.u32 $0x1, s1  }
0x8c: {  	s14 =	sshll.u32 s0, $0xA;
	s2 =	sadd.s32 s3, s2  }
0x8d: {  	s2 =	sadd.s32 s2, s14  }
0x8e: {  	[smem:$0x3FB9] =	sst s2  }
0x8f: {  	_ = 	snop  }
0x90: {  	s2 =	sld [smem:$0x3FD0];
	_ =	sdelay $0x2  }
0x91: {  	s4 =	simm.s32 $0xA;
	s5 =	simm.s32 $0x10;
	s15 =	sld [smem:$0x3FC9]  }
0x92: {  	[smem:s5], [sflag:s4] =	dma.local [hbm:s2], $0x1  }
0x93: {  	_ =	swait.eq [sflag:s4], $0x1  }
0x94: {  	[sflag:s4] =	ssyncset.done $0x0  }
0x95: {  	s16 =	sld [smem:$0x10];
	[sflag:s4] =	ssyncadd.s32 $0xFFFFFFFF  }
0x96: {  	s17 =	sld [smem:$0x11];
	(tm) =	ssettm $0x1  }
0x97: {  	s18 =	sld [smem:$0x3FFB];
	_ =	sdelay $0x3  }
0x98: {  	_ =	strace s18  }
0x99: {  	s5 =	sld [smem:$0x3FFC];
	_ =	sdelay $0x3  }
0x9a: {  	_ =	strace s5  }
0x9b: {  	s5 =	sld [smem:$0x3FFD];
	_ =	sdelay $0x3  }
0x9c: {  	_ =	strace s5  }
0x9d: {  	_ =	strace $0x8FFFFFFF  }
0x9e: {  	s19 =	sld [smem:$0x3FDB];
	_ =	sdelay $0x1  }
0x9f: {  	s6 =	simm.s32 $_scs_section_size  }
0xa0: {  	s7 =	simm.s32 $_size__tile_overlayer_lowered;
	s8 =	simm.s32 $_tile_overlayer_lowered  }
0xa1: {  	s22 =	simm.s32 $0x1BFF;
	s21 =	sshll.u32 s8, $0x1;
	s5 =	sadd.s32 s6, s19  }
0xa2: {  	s9 =	simm.s32 $0x0;
	s20 =	sshll.u32 s7, $0x1;
	s7 =	sadd.s32 s21, s5  }
0xa3: {  	[timem:s9], [sflag:s22] =	dma.local [hbm:s7], s20  }
0xa4: {  	_ =	swait.ge [sflag:s22], s20  }
0xa5: {  	s6 =	ssub.s32 $0x0, s20;
	[sflag:s22] =	ssyncset.done $0x0  }
0xa6: {  	[sflag:s22] =	ssyncadd.s32 s6;
	_ =	sdelay $0x1  }
0xa7: {  	s23 =	simm.s32 $0x1B8B  }
0xa8: {  	_ =	swait.ge [sflag:s23], $0x1  }
0xa9: {  	[sflag:s23] =	ssyncset.done $0x0  }
0xaa: {  	s25 =	simm.s32 $0x1B8E;
	s24 =	sld [smem:$0x3FFE];
	[sflag:s23] =	ssyncadd.s32 $0xFFFFFFFF  }
0xab: {  	s26 =	simm.s32 $execute0_lowered;
	[smem:$0x3FD2] =	sst s25  }
0xac: {  	s7 =	sshll.u32 s26, $0x1;
	_ =	strace $0x80000046;
	[dreg:$0x1] =	wrdreg $0xFFFFFFFF  }
0xad: {  	s28 =	simm.s32 $_size_execute0_lowered;
	s5 =	sadd.s32 s5, s7;
	[dreg:$0x0] =	wrdreg $0x0  }
0xae: {  	s7 =	sshll.u32 s28, $0x1;
	[dreg:$0x2] =	wrdreg s5  }
0xaf: {  	[dreg:$0x3] =	wrdreg s7  }
0xb0: {  	[dreg:$0x4] =	wrdreg $0xC0  }
0xb1: {  	_ =	task [dreg:s9], $0x5FFFF  }
0xb2: {  	[dreg:$0x1] =	wrdreg $0xFFFFFFFF  }
0xb3: {  	[dreg:$0x0] =	wrdreg $0x60  }
0xb4: {  	[dreg:$0x2] =	wrdreg s16  }
0xb5: {  	[dreg:$0x3] =	wrdreg s24  }
0xb6: {  	[dreg:$0x4] =	wrdreg s15  }
0xb7: {  	[dreg:$0x5] =	wrdreg s17  }
0xb8: {  	[dreg:$0x6] =	wrdreg $0xC0800  }
0xb9: {  	[dreg:$0x7] =	wrdreg $0x9  }
0xba: {  	_ =	task.clear_ibuf [dreg:s9], $0x8FFFF;
	_ =	strace $0x90000046  }
0xbb: {  	s29 =	simm.s32 $0x9;
	_ =	strace $0x80000048  }
0xbc: {  	_ =	swait.ge [sflag:s29], $0x1  }
0xbd: {  	[sflag:s29] =	ssyncadd.s32 $0xFFFFFFFF  }
0xbe: {  	_ =	strace $0x90000048  }
0xbf: {  	_ =	sfence  }
0xc0: {  	s30 =	sld [smem:$0x0];
	_ =	sdelay $0x2  }
0xc1: {  	s31 =	sshll.u32 s1, $0xD;
	s1 =	sshrl.u32 s1, $0x2  }
0xc2: {  	s3 =	sand.u32 $0x4000, s31;
	s1 =	sadd.s32 s1, s30  }
0xc3: {  	s0 =	sor.u32 s3, s0;
	s1 =	sshll.u32 s1, $0x11  }
0xc4: {  	s0 =	sor.u32 s1, s0  }
0xc5: {  	s0 =	sadd.s32 $0x8F2B, s0  }
0xc6: {  	[sflag:s0] =	ssyncadd.remote.s32 $0x1  }
0xc7: {  	_ =	sfence.sel $0xFFFF  }
0xc8: {  	[dreg:$0x0] =	wrdreg $0xFFFFFFFF;
	(pc) =	sbr.abs _section_cstart, $3  }
0xc9: {  	[dreg:$0x1] =	wrdreg $0xFFFFFFFF  }
0xca: {  	_ =	task.clear_ibuf [dreg:s9], $0x2FFFF;
	_ =	strace $0x9FFFFFFF  }
0xcb: {  	(tm) =	ssettm $0x7FFFFFFF  }
tec
execute0_lowered:
.L_overlay_start_1:
0x0: {  	(tag) =	ssettag $0x1  }
0x1: {  	s0 =	rddreg [dreg:$0x0]  }
0x2: {  	s2 =	rddreg [dreg:$0x1]  }
0x3: {  	s1 =	rddreg [dreg:$0x2]  }
0x4: {  	s4 =	rddreg [dreg:$0x4];
	s5 =	simm.s32 $0x0;
	s26 =	stileid.u32  }
0x5: {  	s6 =	srdreg.scid;
	s28 =	simm.s32 $0x2;
	s30 =	simm.s32 $0x0  }
0x6: {  	[smem:$0x7FF] =	sst s5;
	s3 =	sshll.u32 s26, $0x5;
	s7 =	sadd.s32 $0xD200, s2  }
0x7: {  	s6 =	sand.u32 $0x1, s6;
	s29 =	sshll.u32 s26, $0xC;
	s9 =	smul.u32 $0x4F000, s26  }
0x8: {  	s14 =	smul.u32 $0x278, s26;
	p0 =	seq.s32 s26, $0xF;
	_ =	strace $0x80000047  }
0x9: {  	s12 =	sadd.s32 s3, s2;
	[dreg:$0x6] =	wrdreg s7;
	s8 =	ssub.s32 $0x2, s6  }
0xa: {  	s18 =	sadd.s32 s29, s2;
	s2 =	sadd.s32 $0x9D1A00, s2;
	s16 =	smul.u32 $0x2710, s6  }
0xb: {  	s7 =	sshll.u32 s26, $0x1;
	s20 =	smul.u32 $0x138800, s6;
	s0 =	sadd.s32 s3, s0  }
0xc: {  	s29 =	sshll.u32 s6, $0xB;
	s6 =	sshll.u32 s6, $0x4;
	s26 =	simm.s32 $0x4080  }
0xd: {  	s31 =	sshrl.u32 s8, $0x1;
	s10 =	sshrl.u32 s9, $0x2;
	s13 =	sadd.s32 $0x80, s14  }
0xe: {  	s15 =	sadd.s32 $0x100, s14;
	s17 =	sadd.s32 $0x180, s14;
	s3 =	sadd.s32 s29, s18  }
0xf: {  	s18 =	sadd.s32 $0x138400, s4;
	s21 =	ssub.s32 s8, s31;
	s8 =	sadd.s32 s10, s4  }
0x10: {  	s11 =	sshll.u32 s13, $0x7;
	s10 =	sshll.u32 s15, $0x7;
	s19 =	sadd.s32 s14, s16  }
0x11: {  	s13 =	sadd.s32 s16, s13;
	s15 =	sadd.s32 s16, s15;
	s14 =	sadd.s32 $0x200, s14  }
0x12: {  	s25 =	sshrl.u32 s20, $0x3;
	s31 =	sadd.s32 s6, s12;
	s9 =	sadd.s32 s11, s4  }
0x13: {  	s10 =	sadd.s32 s10, s4;
	s11 =	sshll.u32 s17, $0x7;
	s19 =	sshll.u32 s19, $0x4  }
0x14: {  	s13 =	sshll.u32 s13, $0x4;
	s15 =	sshll.u32 s15, $0x4;
	s17 =	sadd.s32 s16, s17  }
0x15: {  	s16 =	sadd.s32 s16, s14;
	s21 =	smax.u32 s21, $0x1;
	s19 =	sadd.s32 s2, s19  }
0x16: {  	s11 =	sadd.s32 s11, s4;
	s13 =	sadd.s32 s2, s13;
	[dreg:$0x7] =	wrdreg s19  }
0x17: {  	s15 =	sadd.s32 s2, s15;
	s22 =	sshll.u32 s17, $0x4;
	[dreg:$0x8] =	wrdreg s13  }
0x18: {  	s16 =	sshll.u32 s16, $0x4;
	s17 =	sadd.s32 $0x10000, s8;
	[dreg:$0x9] =	wrdreg s15  }
0x19: {  	s23 =	sadd.s32 s2, s22;
	s24 =	sadd.s32 s2, s16;
	s2 =	sadd.s32 s2, s25  }
0x1a: {  	s19 =	sshll.u32 s14, $0x7;
	s22 =	sadd.s32 $0x3400, s31;
	[dreg:$0xa] =	wrdreg s23  }
0x1b: {  	s25 =	sadd.s32 $0xDA00, s3;
	[dreg:$0xb] =	wrdreg s24;
	s19 =	sadd.s32 s19, s4  }
0x1c: {  	s20 =	sadd.s32 $0x27080, s2;
	s23 =	sadd.s32 s6, s0;
	s24 =	sadd.s32 $0x4EFA00, s3  }
.LBB2_1:
0x1d: {  	s0 =	rddreg [dreg:$0x3]  }
0x1e: {  	[tilespmem:s26], [sflag:$0x2] =	stream.linear.gather [hbm4b:s0+s5], $0x4000, $0x38;
	[tilespmem:$0xE790] =	vst v63  }
0x1f: {  	_ =	swait.ge [sflag:s28], $0x4000  }
0x20: {  	[sflag:s28] =	ssyncset.done $0x0  }
0x21: {  	s2 =	simm.s32 $0x8080;
	s16 =	rddreg [dreg:$0x6];
	[sflag:s28] =	ssyncadd.s32 $0xFFFFC000  }
0x22: {  	[tilespmem:s2], [sflag:$0x2] =	stream.linear.gather [hbm4b:s16+s5], $0x4000, $0x38;
	[tilespmem:$0xE790] =	vst v63  }
0x23: {  	_ =	swait.ge [sflag:s28], $0x4000  }
0x24: {  	[sflag:s28] =	ssyncset.done $0x0  }
0x25: {  	[sflag:s28] =	ssyncadd.s32 $0xFFFFC000  }
0x26: {  	[spmem:s8] =	stream.linear.scatter [tilespmem:s26], [sflag:$0x2], $0x4000, $0x38;
	[tilespmem:$0xE790] =	vst v63  }
0x27: {  	_ =	swait.ge [sflag:s28], $0x4000  }
0x28: {  	[sflag:s28] =	ssyncset.done $0x0  }
0x29: {  	[sflag:s28] =	ssyncadd.s32 $0xFFFFC000  }
0x2a: {  	[spmem:s9] =	stream.linear.scatter [tilespmem:s26], [sflag:$0x2], $0x4000, $0x38;
	[tilespmem:$0xE790] =	vst v63  }
0x2b: {  	_ =	swait.ge [sflag:s28], $0x4000  }
0x2c: {  	[sflag:s28] =	ssyncset.done $0x0  }
0x2d: {  	[sflag:s28] =	ssyncadd.s32 $0xFFFFC000  }
0x2e: {  	[spmem:s10] =	stream.linear.scatter [tilespmem:s26], [sflag:$0x2], $0x4000, $0x38;
	[tilespmem:$0xE790] =	vst v63  }
0x2f: {  	_ =	swait.ge [sflag:s28], $0x4000  }
0x30: {  	[sflag:s28] =	ssyncset.done $0x0  }
0x31: {  	[sflag:s28] =	ssyncadd.s32 $0xFFFFC000  }
0x32: {  	[spmem:s11] =	stream.linear.scatter [tilespmem:s26], [sflag:$0x2], $0x4000, $0x38;
	[tilespmem:$0xE790] =	vst v63  }
0x33: {  	_ =	swait.ge [sflag:s28], $0x4000  }
0x34: {  	[sflag:s28] =	ssyncset.done $0x0  }
0x35: {  	s0 =	simm.s32 @p0 $0x4080;
	[sflag:s28] =	ssyncadd.s32 $0xFFFFC000  }
0x36: {  	[spmem:s18] =	stream.linear.scatter @p0 [tilespmem:s0], [sflag:$0x2], $0x400, $0x38;
	[tilespmem:$0xE790] =	vst v63  }
0x37: {  	s0 =	simm.s32 @p0 $0x2  }
0x38: {  	_ =	swait.ge @p0 [sflag:s0], $0x400  }
0x39: {  	[sflag:s0] =	ssyncset.done @p0 $0x0  }
0x3a: {  	[sflag:s0] =	ssyncadd.s32 @p0 $0xFFFFFC00;
	s0 =	simm.s32 @!p0 $0x4080  }
0x3b: {  	[spmem:s17] =	stream.linear.scatter @!p0 [tilespmem:s0], [sflag:$0x2], $0x3C00, $0x38;
	[tilespmem:$0xE790] =	vst v63  }
0x3c: {  	s0 =	simm.s32 @!p0 $0x2  }
0x3d: {  	_ =	swait.ge @!p0 [sflag:s0], $0x3C00  }
0x3e: {  	p1 =	sgt.u32 s7, $0x9C3;
	[sflag:s0] =	ssyncset.done @!p0 $0x0  }
0x3f: {  	s3 =	simm.s32 @!p1 $0x0;
	[sflag:s0] =	ssyncadd.s32 @!p0 $0xFFFFC400  }
0x40: {  	s6 =	simm.s32 @!p1 $0x3;
	s0 =	sadd.s32 @!p1 $0x0, s23;
	[bflag:$0x0] =	sbarrier.arrive $0xFFFF  }
0x41: {  	[tilespmem:s3], [sflag:$0x3] =	stream.linear.gather @!p1 [hbm4b:s0+s3], $0x80, $0x38;
	[tilespmem:$0xE790] =	vst v63  }
0x42: {  	_ =	swait.ge @!p1 [sflag:s6], $0x80;
	p1 =	por p1, p1  }
0x43: {  	[sflag:s6] =	ssyncset.done @!p1 $0x0  }
0x44: {  	s0 =	simm.s32 @!p1 $0x80;
	s2 =	simm.s32 @!p1 $0x1;
	[sflag:s6] =	ssyncadd.s32 @!p1 $0xFFFFFF80  }
0x45: {  	[tilespmem:s0], [sflag:$0x1] =	stream.indirect.gather @!p1 [hbm4b:s1+s0], $0x80, s3, s0, $0xb8;
	[tilespmem:$0xE790] =	vst v63  }
0x46: {  	_ =	swait.ge @!p1 [sflag:s2], $0x4000  }
0x47: {  	[sflag:s2] =	ssyncset.done @!p1 $0x0  }
0x48: {  	[sflag:s2] =	ssyncadd.s32 @!p1 $0xFFFFC000  }
0x49: {  	[hbm4b:s25+s3] =	stream.linear.scatter @!p1 [tilespmem:s0], [sflag:$0x3], $0x4000, $0x38;
	[tilespmem:$0xE790] =	vst v63  }
0x4a: {  	_ =	swait.ge @!p1 [sflag:s6], $0x4000  }
0x4b: {  	[sflag:s6] =	ssyncset.done @!p1 $0x0  }
0x4c: {  	s12 =	sadd.s32 @!p1 $0x0, s22;
	[sflag:s6] =	ssyncadd.s32 @!p1 $0xFFFFC000  }
0x4d: {  	[tilespmem:s3], [sflag:$0x3] =	stream.linear.gather @!p1 [hbm4b:s12+s3], $0x80, $0x38;
	[tilespmem:$0xE790] =	vst v63  }
0x4e: {  	_ =	swait.ge @!p1 [sflag:s6], $0x80  }
0x4f: {  	[sflag:s6] =	ssyncset.done @!p1 $0x0  }
0x50: {  	[sflag:s6] =	ssyncadd.s32 @!p1 $0xFFFFFF80  }
0x51: {  	[tilespmem:s0], [sflag:$0x1] =	stream.indirect.gather @!p1 [hbm4b:s1+s0], $0x80, s3, s0, $0xb8;
	[tilespmem:$0xE790] =	vst v63  }
0x52: {  	_ =	swait.ge @!p1 [sflag:s2], $0x4000  }
0x53: {  	[sflag:s2] =	ssyncset.done @!p1 $0x0  }
0x54: {  	[sflag:s2] =	ssyncadd.s32 @!p1 $0xFFFFC000  }
0x55: {  	[hbm4b:s24+s3] =	stream.linear.scatter @!p1 [tilespmem:s0], [sflag:$0x3], $0x4000, $0x38;
	[tilespmem:$0xE790] =	vst v63  }
0x56: {  	s31 =	simm.s32 $0x200;
	s29 =	sadd.s32 $0x20, s7;
	_ =	swait.ge @!p1 [sflag:s6], $0x4000  }
0x57: {  	p3 =	sgt.u32 s29, $0x9C3;
	s12 =	simm.s32 @!p1 $0x2;
	[sflag:s6] =	ssyncset.done @!p1 $0x0  }
0x58: {  	s2 =	simm.s32 $0x400;
	[sflag:s6] =	ssyncadd.s32 @!p1 $0xFFFFC000;
	s6 =	simm.s32 @!p1 $0x8080  }
0x59: {  	[spmem:s4] =	stream.indirect.scatter.add.f32 @!p1 [tilespmem:s6], [sflag:$0x2], $0x10, s3, s0, $0xb8;
	[tilespmem:$0xE790] =	vst v63  }
0x5a: {  	s3 =	sadd.s32 $0x10000, s25;
	s0 =	sadd.s32 $0x10000, s24;
	_ =	swait.ge @!p1 [sflag:s12], $0x800  }
.LBB2_2:
0x5b: {  	s13 =	sadd.s32 @!p3 s31, s23  }
0x5c: {  	s6 =	simm.s32 @!p3 $0x0;
	[sflag:s12] =	ssyncset.done @!p1 $0x0;
	s14 =	smov.u32 s2  }
0x5d: {  	s2 =	sadd.s32 $0x200, s2;
	s15 =	simm.s32 @!p3 $0x3;
	[sflag:s12] =	ssyncadd.s32 @!p1 $0xFFFFF800  }
0x5e: {  	[tilespmem:s6], [sflag:$0x3] =	stream.linear.gather @!p3 [hbm4b:s13+s6], $0x80, $0x38;
	[tilespmem:$0xE790] =	vst v63  }
0x5f: {  	p2 =	sne.s32 s2, $0x9E00;
	p1 =	por p3, p3;
	_ =	swait.ge @!p3 [sflag:s15], $0x80  }
0x60: {  	[sflag:s15] =	ssyncset.done @!p1 $0x0  }
0x61: {  	s13 =	simm.s32 @!p1 $0x80;
	s12 =	simm.s32 @!p1 $0x1;
	[sflag:s15] =	ssyncadd.s32 @!p1 $0xFFFFFF80  }
0x62: {  	[tilespmem:s13], [sflag:$0x1] =	stream.indirect.gather @!p1 [hbm4b:s1+s13], $0x80, s6, s13, $0xb8;
	[tilespmem:$0xE790] =	vst v63  }
0x63: {  	_ =	swait.ge @!p1 [sflag:s12], $0x4000  }
0x64: {  	[sflag:s12] =	ssyncset.done @!p1 $0x0  }
0x65: {  	[sflag:s12] =	ssyncadd.s32 @!p1 $0xFFFFC000  }
0x66: {  	[hbm4b:s3+s6] =	stream.linear.scatter @!p1 [tilespmem:s13], [sflag:$0x3], $0x4000, $0x38;
	[tilespmem:$0xE790] =	vst v63  }
0x67: {  	_ =	swait.ge @!p1 [sflag:s15], $0x4000  }
0x68: {  	[sflag:s15] =	ssyncset.done @!p1 $0x0  }
0x69: {  	s16 =	sadd.s32 @!p1 s31, s22;
	s31 =	smov.u32 s14;
	[sflag:s15] =	ssyncadd.s32 @!p1 $0xFFFFC000  }
0x6a: {  	[tilespmem:s6], [sflag:$0x3] =	stream.linear.gather @!p1 [hbm4b:s16+s6], $0x80, $0x38;
	[tilespmem:$0xE790] =	vst v63  }
0x6b: {  	_ =	swait.ge @!p1 [sflag:s15], $0x80  }
0x6c: {  	[sflag:s15] =	ssyncset.done @!p1 $0x0  }
0x6d: {  	[sflag:s15] =	ssyncadd.s32 @!p1 $0xFFFFFF80  }
0x6e: {  	[tilespmem:s13], [sflag:$0x1] =	stream.indirect.gather @!p1 [hbm4b:s1+s13], $0x80, s6, s13, $0xb8;
	[tilespmem:$0xE790] =	vst v63  }
0x6f: {  	_ =	swait.ge @!p1 [sflag:s12], $0x4000  }
0x70: {  	[sflag:s12] =	ssyncset.done @!p1 $0x0  }
0x71: {  	[sflag:s12] =	ssyncadd.s32 @!p1 $0xFFFFC000  }
0x72: {  	[hbm4b:s0+s6] =	stream.linear.scatter @!p1 [tilespmem:s13], [sflag:$0x3], $0x4000, $0x38;
	[tilespmem:$0xE790] =	vst v63  }
.Ltmp0:
0x73: {  	_ =	swait.ge @!p1 [sflag:s15], $0x4000;
	(pc) =	sbr.rel @p2 .LBB2_2-.Ltmp0, $4  }
0x74: {  	s29 =	sadd.s32 $0x20, s29;
	s3 =	sadd.s32 $0x10000, s3;
	[sflag:s15] =	ssyncset.done @!p1 $0x0  }
0x75: {  	s14 =	simm.s32 @!p1 $0x8080;
	s12 =	simm.s32 @!p1 $0x2;
	[sflag:s15] =	ssyncadd.s32 @!p1 $0xFFFFC000  }
0x76: {  	[spmem:s4] =	stream.indirect.scatter.add.f32 @!p1 [tilespmem:s14], [sflag:$0x2], $0x10, s6, s13, $0xb8;
	[tilespmem:$0xE790] =	vst v63  }
0x77: {  	p3 =	sgt.u32 s29, $0x9C3;
	s0 =	sadd.s32 $0x10000, s0;
	_ =	swait.ge @!p1 [sflag:s12], $0x800  }
0x78: {  	s2 =	sadd.s32 @!p3 s31, s23;
	[sflag:s12] =	ssyncset.done @!p1 $0x0  }
0x79: {  	s6 =	simm.s32 @!p3 $0x0;
	s13 =	simm.s32 @!p3 $0x3;
	[sflag:s12] =	ssyncadd.s32 @!p1 $0xFFFFF800  }
0x7a: {  	[tilespmem:s6], [sflag:$0x3] =	stream.linear.gather @!p3 [hbm4b:s2+s6], $0x80, $0x38;
	[tilespmem:$0xE790] =	vst v63  }
0x7b: {  	p1 =	por p3, p3;
	_ =	swait.ge @!p3 [sflag:s13], $0x80  }
0x7c: {  	[sflag:s13] =	ssyncset.done @!p1 $0x0  }
0x7d: {  	s2 =	simm.s32 @!p1 $0x80;
	s12 =	simm.s32 @!p1 $0x1;
	[sflag:s13] =	ssyncadd.s32 @!p1 $0xFFFFFF80  }
0x7e: {  	[tilespmem:s2], [sflag:$0x1] =	stream.indirect.gather @!p1 [hbm4b:s1+s2], $0x80, s6, s2, $0xb8;
	[tilespmem:$0xE790] =	vst v63  }
0x7f: {  	_ =	swait.ge @!p1 [sflag:s12], $0x4000  }
0x80: {  	[sflag:s12] =	ssyncset.done @!p1 $0x0  }
0x81: {  	[sflag:s12] =	ssyncadd.s32 @!p1 $0xFFFFC000  }
0x82: {  	[hbm4b:s3+s6] =	stream.linear.scatter @!p1 [tilespmem:s2], [sflag:$0x3], $0x4000, $0x38;
	[tilespmem:$0xE790] =	vst v63  }
0x83: {  	_ =	swait.ge @!p1 [sflag:s13], $0x4000  }
0x84: {  	[sflag:s13] =	ssyncset.done @!p1 $0x0  }
0x85: {  	s3 =	sadd.s32 @!p1 s31, s22;
	[sflag:s13] =	ssyncadd.s32 @!p1 $0xFFFFC000  }
0x86: {  	[tilespmem:s6], [sflag:$0x3] =	stream.linear.gather @!p1 [hbm4b:s3+s6], $0x80, $0x38;
	[tilespmem:$0xE790] =	vst v63  }
0x87: {  	_ =	swait.ge @!p1 [sflag:s13], $0x80  }
0x88: {  	[sflag:s13] =	ssyncset.done @!p1 $0x0  }
0x89: {  	[sflag:s13] =	ssyncadd.s32 @!p1 $0xFFFFFF80  }
0x8a: {  	[tilespmem:s2], [sflag:$0x1] =	stream.indirect.gather @!p1 [hbm4b:s1+s2], $0x80, s6, s2, $0xb8;
	[tilespmem:$0xE790] =	vst v63  }
0x8b: {  	_ =	swait.ge @!p1 [sflag:s12], $0x4000  }
0x8c: {  	[sflag:s12] =	ssyncset.done @!p1 $0x0  }
0x8d: {  	[sflag:s12] =	ssyncadd.s32 @!p1 $0xFFFFC000  }
0x8e: {  	[hbm4b:s0+s6] =	stream.linear.scatter @!p1 [tilespmem:s2], [sflag:$0x3], $0x4000, $0x38;
	[tilespmem:$0xE790] =	vst v63  }
0x8f: {  	_ =	swait.ge @!p1 [sflag:s13], $0x4000  }
0x90: {  	[sflag:s13] =	ssyncset.done @!p1 $0x0  }
0x91: {  	s0 =	simm.s32 @!p1 $0x8080;
	[sflag:s13] =	ssyncadd.s32 @!p1 $0xFFFFC000  }
0x92: {  	[spmem:s4] =	stream.indirect.scatter.add.f32 @!p1 [tilespmem:s0], [sflag:$0x2], $0x10, s6, s2, $0xb8;
	[tilespmem:$0xE790] =	vst v63  }
0x93: {  	s0 =	simm.s32 @!p1 $0x2  }
0x94: {  	_ =	swait.ge @!p1 [sflag:s0], $0x800  }
0x95: {  	[sflag:s0] =	ssyncset.done @!p1 $0x0  }
0x96: {  	[sflag:s0] =	ssyncadd.s32 @!p1 $0xFFFFF800  }
0x97: {  	[bflag:$0x0] =	sbarrier.arrive $0xFFFF  }
0x98: {  	[tilespmem:s26], [sflag:$0x2] =	stream.linear.gather [spmem:s8], $0x4000, $0x38;
	[tilespmem:$0xE790] =	vst v63  }
0x99: {  	_ =	swait.ge [sflag:s28], $0x4000  }
0x9a: {  	[sflag:s28] =	ssyncset.done $0x0  }
0x9b: {  	s15 =	rddreg [dreg:$0x7];
	[sflag:s28] =	ssyncadd.s32 $0xFFFFC000  }
0x9c: {  	[hbm4b:s15+s5] =	stream.linear.scatter [tilespmem:s26], [sflag:$0x2], $0x4000, $0x38;
	[tilespmem:$0xE790] =	vst v63  }
0x9d: {  	_ =	swait.ge [sflag:s28], $0x4000  }
0x9e: {  	[sflag:s28] =	ssyncset.done $0x0  }
0x9f: {  	[sflag:s28] =	ssyncadd.s32 $0xFFFFC000  }
0xa0: {  	[tilespmem:s26], [sflag:$0x2] =	stream.linear.gather [spmem:s9], $0x4000, $0x38;
	[tilespmem:$0xE790] =	vst v63  }
0xa1: {  	_ =	swait.ge [sflag:s28], $0x4000  }
0xa2: {  	[sflag:s28] =	ssyncset.done $0x0  }
0xa3: {  	s16 =	rddreg [dreg:$0x8];
	[sflag:s28] =	ssyncadd.s32 $0xFFFFC000  }
0xa4: {  	[hbm4b:s16+s5] =	stream.linear.scatter [tilespmem:s26], [sflag:$0x2], $0x4000, $0x38;
	[tilespmem:$0xE790] =	vst v63  }
0xa5: {  	_ =	swait.ge [sflag:s28], $0x4000  }
0xa6: {  	[sflag:s28] =	ssyncset.done $0x0  }
0xa7: {  	[sflag:s28] =	ssyncadd.s32 $0xFFFFC000  }
0xa8: {  	[tilespmem:s26], [sflag:$0x2] =	stream.linear.gather [spmem:s10], $0x4000, $0x38;
	[tilespmem:$0xE790] =	vst v63  }
0xa9: {  	_ =	swait.ge [sflag:s28], $0x4000  }
0xaa: {  	[sflag:s28] =	ssyncset.done $0x0  }
0xab: {  	s29 =	rddreg [dreg:$0x9];
	[sflag:s28] =	ssyncadd.s32 $0xFFFFC000  }
0xac: {  	[hbm4b:s29+s5] =	stream.linear.scatter [tilespmem:s26], [sflag:$0x2], $0x4000, $0x38;
	[tilespmem:$0xE790] =	vst v63  }
0xad: {  	_ =	swait.ge [sflag:s28], $0x4000  }
0xae: {  	[sflag:s28] =	ssyncset.done $0x0  }
0xaf: {  	[sflag:s28] =	ssyncadd.s32 $0xFFFFC000  }
0xb0: {  	[tilespmem:s26], [sflag:$0x2] =	stream.linear.gather [spmem:s11], $0x4000, $0x38;
	[tilespmem:$0xE790] =	vst v63  }
0xb1: {  	_ =	swait.ge [sflag:s28], $0x4000  }
0xb2: {  	[sflag:s28] =	ssyncset.done $0x0  }
0xb3: {  	s31 =	rddreg [dreg:$0xa];
	[sflag:s28] =	ssyncadd.s32 $0xFFFFC000  }
0xb4: {  	[hbm4b:s31+s5] =	stream.linear.scatter [tilespmem:s26], [sflag:$0x2], $0x4000, $0x38;
	[tilespmem:$0xE790] =	vst v63  }
0xb5: {  	_ =	swait.ge [sflag:s28], $0x4000  }
0xb6: {  	[sflag:s28] =	ssyncset.done $0x0  }
0xb7: {  	s2 =	simm.s32 @p0 $0x2;
	s0 =	simm.s32 @p0 $0x4080;
	[sflag:s28] =	ssyncadd.s32 $0xFFFFC000  }
0xb8: {  	[tilespmem:s0], [sflag:$0x2] =	stream.linear.gather @p0 [spmem:s18], $0x400, $0x38;
	[tilespmem:$0xE790] =	vst v63  }
0xb9: {  	_ =	swait.ge @p0 [sflag:s2], $0x400  }
0xba: {  	[sflag:s2] =	ssyncset.done @p0 $0x0  }
0xbb: {  	s3 =	simm.s32 @p0 $0x0;
	[sflag:s2] =	ssyncadd.s32 @p0 $0xFFFFFC00  }
0xbc: {  	[hbm4b:s20+s3] =	stream.linear.scatter @p0 [tilespmem:s0], [sflag:$0x2], $0x400, $0x38;
	[tilespmem:$0xE790] =	vst v63  }
0xbd: {  	_ =	swait.ge @p0 [sflag:s2], $0x400  }
0xbe: {  	[sflag:s2] =	ssyncset.done @p0 $0x0  }
0xbf: {  	s0 =	simm.s32 @!p0 $0x4080;
	[sflag:s2] =	ssyncadd.s32 @p0 $0xFFFFFC00;
	s2 =	simm.s32 @!p0 $0x2  }
0xc0: {  	[tilespmem:s0], [sflag:$0x2] =	stream.linear.gather @!p0 [spmem:s19], $0x3C00, $0x38;
	[tilespmem:$0xE790] =	vst v63  }
0xc1: {  	s30 =	sadd.s32 $0x1, s30;
	_ =	swait.ge @!p0 [sflag:s2], $0x3C00  }
0xc2: {  	p1 =	sne.s32 s30, s21;
	s3 =	simm.s32 @!p0 $0x0;
	[sflag:s2] =	ssyncset.done @!p0 $0x0  }
.Ltmp1:
0xc3: {  	s6 =	rddreg [dreg:$0xb];
	[sflag:s2] =	ssyncadd.s32 @!p0 $0xFFFFC400;
	(pc) =	sbr.rel @p1 .LBB2_1-.Ltmp1, $4  }
0xc4: {  	[hbm4b:s6+s3] =	stream.linear.scatter @!p0 [tilespmem:s0], [sflag:$0x2], $0x3C00, $0x38;
	[tilespmem:$0xE790] =	vst v63  }
0xc5: {  	_ =	swait.ge @!p0 [sflag:s2], $0x3C00  }
0xc6: {  	[sflag:s2] =	ssyncset.done @!p0 $0x0  }
0xc7: {  	[sflag:s2] =	ssyncadd.s32 @!p0 $0xFFFFC400  }
0xc8: {  	_ =	sfence.sel $0x180000  }
0xc9: {  	[bflag:$0x0] =	sbarrier.arrive $0xFFFF  }
0xca: {  	_ =	strace $0x90000047  }
0xcb: {  	s0 =	stileid.u32;
	[bflag:$0x2] =	sbarrier.arrive $0xFFFF  }
0xcc: {  	p0 =	sne.s32 s0, $0x0;
	s0 =	rddreg [dreg:$0x5]  }
0xcd: {  	s0 =	sadd.s32 @!p0 $0x100000, s0  }
0xce: {  	[sflag:s0] =	ssyncadd.tile.s32 @!p0 $0x1;
	_ =	shalt  }
.Lfunc_end2:
_tile_overlayer_lowered:
.L_overlay_start_2:
0xcf: {  	(tag) =	ssettag $0x2  }
0xd0: {  	s0 =	rddreg [dreg:$0x0];
	s2 =	stileid.u32  }
0xd1: {  	s1 =	rddreg [dreg:$0x1];
	p0 =	sne.s32 s2, $0x0  }
0xd2: {  	s3 =	rddreg [dreg:$0x2];
	[bflag:$0x3] =	sbarrier.arrive $0xFFFF;
	s2 =	simm.s32 @!p0 $0x1C02  }
0xd3: {  	[timem:s3], [sflag:s2] =	dma.local @!p0 [hbm:s0], s1  }
0xd4: {  	s0 =	simm.s32 @!p0 $0x2  }
0xd5: {  	_ =	swait.ge @!p0 [sflag:s0], s1  }
0xd6: {  	s1 =	ssub.s32 @!p0 $0x0, s1;
	[sflag:s0] =	ssyncset.done @!p0 $0x0  }
0xd7: {  	[sflag:s0] =	ssyncadd.s32 @!p0 s1  }
0xd8: {  	[bflag:$0x3] =	sbarrier.arrive $0xFFFF  }
0xd9: {  	_ =	shalt  }

// kernel: kernel.9.cloned.1.call-start
scs
__scs_entry_jumppad:
0x0: {  	(pc) =	sbr.rel $0x88, $3  }
0x1: {  	(tag) =	ssettag $0x0;
	lr =	simm.s32 $0x1  }
0x2: {  	[smem:$0x3F92] =	sst lr;
	_ =	strace $0xD0000000  }
0x3: {  	_ = 	snop  }
0x4: {  	_ = 	snop  }
0x5: {  	_ = 	snop  }
0x6: {  	_ = 	snop  }
0x7: {  	_ = 	snop  }
__scs_overlays_trampoline_lowered:
0x8: {  	[smem:$0x3FA1] =	sst s0  }
0x9: {  	[smem:$0x3FA2] =	sst s1  }
0xa: {  	[smem:$0x3FA3] =	sst s2  }
0xb: {  	[smem:$0x3FA4] =	sst s3  }
0xc: {  	[smem:$0x3FA5] =	sst s4  }
0xd: {  	[smem:$0x3FA6] =	sst s5  }
0xe: {  	[smem:$0x3FA7] =	sst s6  }
0xf: {  	[smem:$0x3FA8] =	sst s7  }
0x10: {  	[smem:$0x3FA9] =	sst s8  }
0x11: {  	[smem:$0x3FAA] =	sst s9;
	s0 =	simm.s32 @!p0 $0x0  }
0x12: {  	s1 =	sld [smem:$0x3F90];
	s0 =	simm.s32 @p0 $0x1  }
0x13: {  	[smem:$0x3FAB] =	sst s0;
	s0 =	simm.s32 @!p1 $0x0  }
0x14: {  	s2 =	sld [smem:$0x3F8F];
	s0 =	simm.s32 @p1 $0x1  }
0x15: {  	[smem:$0x3FAC] =	sst s0;
	s0 =	simm.s32 @!p2 $0x0  }
0x16: {  	s3 =	sld [smem:$0x3FDB];
	s0 =	simm.s32 @p2 $0x1  }
0x17: {  	s4 =	simm.s32 $0x1BF5;
	[smem:$0x3FAE] =	sst s0  }
0x18: {  	s0 =	sld [smem:$0x3F91];
	_ =	swait.ge [sflag:s4], $0x0  }
0x19: {  	s7 =	sld [smem:$0x3F92]  }
0x1a: {  	s8 =	sadd.s32 $0xFFFFE003, lr  }
0x1b: {  	s9 =	sadd.s32 $0xFFFFFEF7, lr;
	s5 =	simm.s32 $0xFFFFFFFF;
	p2 =	slt.u32 s8, $0xFFFFF086  }
0x1c: {  	p1 =	slt.u32 s9, $0xF7A;
	s5 =	simm.s32 @!p2 $0x0  }
0x1d: {  	s5 =	simm.s32 @p1 $0x1;
	p0 =	seq.s32 s7, s2  }
0x1e: {  	s7 =	smul.u32 @!p0 $0xF7A, s2;
	p2 =	seq.s32 @!p0 s5, $0x0  }
0x1f: {  	s9 =	smul.u32 $0xF7A, s1;
	s8 =	simm.s32 @!p0 $0x1BF5;
	p2 =	por !p2, p0  }
0x20: {  	[sflag:s8] =	ssyncset.s32 @!p0 $0xFFFFF086;
	s6 =	sadd.s32 @!p0 s3, s7;
	s7 =	simm.s32 @!p0 $0x108  }
0x21: {  	s3 =	sadd.s32 s3, s9;
	s6 =	sadd.s32 @!p0 $0x88, s6;
	s7 =	simm.s32 @p2 $0x1082  }
0x22: {  	[simem:s7], [sflag:s8] =	dma.local @!p0 [hbm:s6], $0xF7A  }
0x23: {  	s9 =	sor.u32 $0xD0000000, s2;
	s6 =	simm.s32 $0x108;
	_ =	swait.ge @!p0 [sflag:s8], $0x0  }
0x24: {  	s3 =	sadd.s32 $0x88, s3;
	s6 =	simm.s32 @!p1 $0x1082;
	[sflag:s4] =	ssyncset.s32 $0xFFFFF086  }
0x25: {  	[simem:s6], [sflag:s4] =	dma.local [hbm:s3], $0xF7A  }
0x26: {  	[smem:$0x3F92] =	sst s1;
	(tag) =	ssettag s2;
	_ =	strace s9  }
0x27: {  	s1 =	sld [smem:$0x3FA2]  }
0x28: {  	s2 =	sld [smem:$0x3FA3]  }
0x29: {  	s4 =	sld [smem:$0x3FA5]  }
0x2a: {  	p0 =	seq.s32 s5, $0x0;
	s5 =	sld [smem:$0x3FA6]  }
0x2b: {  	s6 =	sld [smem:$0x3FA7]  }
0x2c: {  	s7 =	sld [smem:$0x3FA8]  }
0x2d: {  	s3 =	simm.s32 $0x108;
	s8 =	sld [smem:$0x3FA9]  }
0x2e: {  	s3 =	simm.s32 @!p0 $0x1082;
	s9 =	sld [smem:$0x3FAA]  }
0x2f: {  	lr =	sadd.s32 s0, s3;
	s0 =	sld [smem:$0x3FA1]  }
0x30: {  	s3 =	sld [smem:$0x3FA4]  }
0x31: {  	[smem:$0x3FAD] =	sst s10  }
0x32: {  	s10 =	sld [smem:$0x3FAB];
	_ =	sdelay $0x3  }
0x33: {  	p0 =	seq.s32 s10, $0x1;
	s10 =	sld [smem:$0x3FAD];
	_ =	sdelay $0x3  }
0x34: {  	[smem:$0x3FAD] =	sst s10  }
0x35: {  	s10 =	sld [smem:$0x3FAC];
	_ =	sdelay $0x3  }
0x36: {  	p1 =	seq.s32 s10, $0x1;
	s10 =	sld [smem:$0x3FAD];
	_ =	sdelay $0x3  }
0x37: {  	[smem:$0x3FAD] =	sst s10  }
0x38: {  	s10 =	sld [smem:$0x3FAE]  }
0x39: {  	_ = 	snop;
	(pc) =	sbr.ind lr, $3  }
0x3a: {  	_ = 	snop  }
0x3b: {  	_ = 	snop  }
0x3c: {  	p2 =	seq.s32 s10, $0x1;
	s10 =	sld [smem:$0x3FAD]  }
0x3d: {  	_ =	shalt  }
0x3e: {  	_ =	shalt  }
0x3f: {  	_ =	shalt  }
0x40: {  	_ =	shalt  }
0x41: {  	_ =	shalt  }
0x42: {  	_ =	shalt  }
0x43: {  	_ =	shalt  }
0x44: {  	_ =	shalt  }
0x45: {  	_ =	shalt  }
0x46: {  	_ =	shalt  }
0x47: {  	_ =	shalt  }
0x48: {  	_ =	shalt  }
0x49: {  	_ =	shalt  }
0x4a: {  	_ =	shalt  }
0x4b: {  	_ =	shalt  }
0x4c: {  	_ =	shalt  }
0x4d: {  	_ =	shalt  }
0x4e: {  	_ =	shalt  }
0x4f: {  	_ =	shalt  }
0x50: {  	_ =	shalt  }
0x51: {  	_ =	shalt  }
0x52: {  	_ =	shalt  }
0x53: {  	_ =	shalt  }
0x54: {  	_ =	shalt  }
0x55: {  	_ =	shalt  }
0x56: {  	_ =	shalt  }
0x57: {  	_ =	shalt  }
0x58: {  	_ =	shalt  }
0x59: {  	_ =	shalt  }
0x5a: {  	_ =	shalt  }
0x5b: {  	_ =	shalt  }
0x5c: {  	_ =	shalt  }
0x5d: {  	_ =	shalt  }
0x5e: {  	_ =	shalt  }
0x5f: {  	_ =	shalt  }
0x60: {  	_ =	shalt  }
0x61: {  	_ =	shalt  }
0x62: {  	_ =	shalt  }
0x63: {  	_ =	shalt  }
0x64: {  	_ =	shalt  }
0x65: {  	_ =	shalt  }
0x66: {  	_ =	shalt  }
0x67: {  	_ =	shalt  }
0x68: {  	_ =	shalt  }
0x69: {  	_ =	shalt  }
0x6a: {  	_ =	shalt  }
0x6b: {  	_ =	shalt  }
0x6c: {  	_ =	shalt  }
0x6d: {  	_ =	shalt  }
0x6e: {  	_ =	shalt  }
0x6f: {  	_ =	shalt  }
0x70: {  	_ =	shalt  }
0x71: {  	_ =	shalt  }
0x72: {  	_ =	shalt  }
0x73: {  	_ =	shalt  }
0x74: {  	_ =	shalt  }
0x75: {  	_ =	shalt  }
0x76: {  	_ =	shalt  }
0x77: {  	_ =	shalt  }
0x78: {  	_ =	shalt  }
0x79: {  	_ =	shalt  }
0x7a: {  	_ =	shalt  }
0x7b: {  	_ =	shalt  }
0x7c: {  	_ =	shalt  }
0x7d: {  	_ =	shalt  }
0x7e: {  	_ =	shalt  }
0x7f: {  	_ =	shalt  }
0x80: {  	_ =	shalt  }
0x81: {  	_ =	shalt  }
0x82: {  	_ =	shalt  }
0x83: {  	_ =	shalt  }
0x84: {  	_ =	shalt  }
0x85: {  	_ =	shalt  }
0x86: {  	_ =	shalt  }
0x87: {  	_ =	shalt  }
.Lfunc_end0:
.L_simem_size_0:
called_computation.1_lowered:
.L_overlay_start_0:
0x88: {  	s2 =	sld [smem:$0x3FD9]  }
0x89: {  	s3 =	sld [smem:$0x3FFE];
	_ =	sdelay $0x1  }
0x8a: {  	s1 =	srdreg.scid  }
0x8b: {  	s0 =	sand.u32 $0x1, s1  }
0x8c: {  	s14 =	sshll.u32 s0, $0xA;
	s2 =	sadd.s32 s3, s2  }
0x8d: {  	s2 =	sadd.s32 s2, s14  }
0x8e: {  	[smem:$0x3FB9] =	sst s2  }
0x8f: {  	_ = 	snop  }
0x90: {  	s2 =	sld [smem:$0x3FD0];
	_ =	sdelay $0x2  }
0x91: {  	s15 =	simm.s32 $0xA;
	s4 =	simm.s32 $0x10  }
0x92: {  	[smem:s4], [sflag:s15] =	dma.local [hbm:s2], $0x1  }
0x93: {  	_ =	swait.eq [sflag:s15], $0x1  }
0x94: {  	[sflag:s15] =	ssyncset.done $0x0  }
0x95: {  	[sflag:s15] =	ssyncadd.s32 $0xFFFFFFFF  }
0x96: {  	s16 =	sld [smem:$0x10];
	(tm) =	ssettm $0x1  }
0x97: {  	s17 =	sld [smem:$0x3FFB];
	_ =	sdelay $0x3  }
0x98: {  	_ =	strace s17  }
0x99: {  	s3 =	sld [smem:$0x3FFC];
	_ =	sdelay $0x3  }
0x9a: {  	_ =	strace s3  }
0x9b: {  	s3 =	sld [smem:$0x3FFD];
	_ =	sdelay $0x3  }
0x9c: {  	_ =	strace s3  }
0x9d: {  	_ =	strace $0x8FFFFFFF  }
0x9e: {  	s18 =	sld [smem:$0x3FDB];
	_ =	sdelay $0x1  }
0x9f: {  	s19 =	simm.s32 $_scs_section_size  }
0xa0: {  	s5 =	simm.s32 $_size__tile_overlayer_lowered;
	s6 =	simm.s32 $_tile_overlayer_lowered  }
0xa1: {  	s22 =	simm.s32 $0x1BFF;
	s21 =	sshll.u32 s6, $0x1;
	s3 =	sadd.s32 s19, s18  }
0xa2: {  	s7 =	simm.s32 $0x0;
	s20 =	sshll.u32 s5, $0x1;
	s5 =	sadd.s32 s21, s3  }
0xa3: {  	[timem:s7], [sflag:s22] =	dma.local [hbm:s5], s20  }
0xa4: {  	_ =	swait.ge [sflag:s22], s20  }
0xa5: {  	s4 =	ssub.s32 $0x0, s20;
	[sflag:s22] =	ssyncset.done $0x0  }
0xa6: {  	[sflag:s22] =	ssyncadd.s32 s4;
	_ =	sdelay $0x1  }
0xa7: {  	s23 =	simm.s32 $0x1B8B  }
0xa8: {  	_ =	swait.ge [sflag:s23], $0x1  }
0xa9: {  	[sflag:s23] =	ssyncset.done $0x0  }
0xaa: {  	s25 =	simm.s32 $0x1B8E;
	s24 =	sld [smem:$0x3FFE];
	[sflag:s23] =	ssyncadd.s32 $0xFFFFFFFF  }
0xab: {  	s26 =	simm.s32 $execute0_lowered;
	[smem:$0x3FD2] =	sst s25  }
0xac: {  	s5 =	sshll.u32 s26, $0x1;
	_ =	strace $0x80000049;
	[dreg:$0x1] =	wrdreg $0xFFFFFFFF  }
0xad: {  	s28 =	simm.s32 $_size_execute0_lowered;
	s3 =	sadd.s32 s3, s5;
	[dreg:$0x0] =	wrdreg $0x0  }
0xae: {  	s5 =	sshll.u32 s28, $0x1;
	[dreg:$0x2] =	wrdreg s3  }
0xaf: {  	[dreg:$0x3] =	wrdreg s5  }
0xb0: {  	[dreg:$0x4] =	wrdreg $0xC0  }
0xb1: {  	_ =	task [dreg:s7], $0x5FFFF  }
0xb2: {  	[dreg:$0x1] =	wrdreg $0xFFFFFFFF  }
0xb3: {  	[dreg:$0x0] =	wrdreg $0x60  }
0xb4: {  	[dreg:$0x2] =	wrdreg s24  }
0xb5: {  	[dreg:$0x3] =	wrdreg s16  }
0xb6: {  	[dreg:$0x4] =	wrdreg $0x80800  }
0xb7: {  	[dreg:$0x5] =	wrdreg $0x9  }
0xb8: {  	_ =	task.clear_ibuf [dreg:s7], $0x6FFFF;
	_ =	strace $0x90000049  }
0xb9: {  	s29 =	simm.s32 $0x9;
	_ =	strace $0x8000004B  }
0xba: {  	_ =	swait.ge [sflag:s29], $0x1  }
0xbb: {  	[sflag:s29] =	ssyncadd.s32 $0xFFFFFFFF  }
0xbc: {  	_ =	strace $0x9000004B  }
0xbd: {  	_ =	sfence  }
0xbe: {  	s30 =	sld [smem:$0x0];
	_ =	sdelay $0x2  }
0xbf: {  	s31 =	sshll.u32 s1, $0xD;
	s1 =	sshrl.u32 s1, $0x2  }
0xc0: {  	s3 =	sand.u32 $0x4000, s31;
	s1 =	sadd.s32 s1, s30  }
0xc1: {  	s0 =	sor.u32 s3, s0;
	s1 =	sshll.u32 s1, $0x11  }
0xc2: {  	s0 =	sor.u32 s1, s0  }
0xc3: {  	s0 =	sadd.s32 $0x8F2B, s0  }
0xc4: {  	[sflag:s0] =	ssyncadd.remote.s32 $0x1  }
0xc5: {  	_ =	sfence.sel $0xFFFF  }
0xc6: {  	[dreg:$0x0] =	wrdreg $0xFFFFFFFF;
	(pc) =	sbr.abs _section_cstart, $3  }
0xc7: {  	[dreg:$0x1] =	wrdreg $0xFFFFFFFF  }
0xc8: {  	_ =	task.clear_ibuf [dreg:s7], $0x2FFFF;
	_ =	strace $0x9FFFFFFF  }
0xc9: {  	(tm) =	ssettm $0x7FFFFFFF  }
tec
execute0_lowered:
.L_overlay_start_1:
0x0: {  	(tag) =	ssettag $0x1  }
0x1: {  	s17 =	rddreg [dreg:$0x0]  }
0x2: {  	s15 =	rddreg [dreg:$0x1]  }
0x3: {  	s2 =	rddreg [dreg:$0x2];
	s3 =	simm.s32 $0x0;
	s1 =	stileid.u32  }
0x4: {  	s4 =	srdreg.scid;
	[smem:$0x7FF] =	sst s3;
	s5 =	sshll.u32 s1, $0x4  }
0x5: {  	s25 =	sand.u32 $0x1, s4;
	s6 =	smul.u32 $0x4F000, s1;
	s0 =	sadd.s32 $0xD200, s17  }
0x6: {  	s11 =	smul.u32 $0x278, s1;
	s20 =	sadd.s32 $0xDA00, s17;
	s10 =	sadd.s32 $0x138400, s2  }
0x7: {  	s18 =	smul.u32 $0x2780, s1;
	s31 =	sshll.u32 s1, $0xB;
	_ =	strace $0x8000004A  }
0x8: {  	s21 =	sadd.s32 s5, s17;
	s23 =	ssub.s32 $0x2, s25;
	[dreg:$0x4] =	wrdreg s0  }
0x9: {  	p0 =	seq.s32 s25, $0x1;
	p1 =	seq.s32 s25, $0x0;
	s7 =	sshrl.u32 s23, $0x1  }
0xa: {  	s24 =	sshrl.u32 s6, $0x2;
	s12 =	sadd.s32 $0x80, s11;
	s13 =	sadd.s32 $0x100, s11  }
0xb: {  	s14 =	sadd.s32 $0x180, s11;
	s11 =	sadd.s32 $0x200, s11;
	s21 =	sadd.s32 $0x3400, s21  }
0xc: {  	s16 =	ssub.s32 s23, s7;
	s5 =	sadd.s32 s24, s2;
	s26 =	sshll.u32 s12, $0x7  }
0xd: {  	s28 =	sshll.u32 s13, $0x7;
	s8 =	sshll.u32 s14, $0x7;
	s19 =	sshll.u32 s12, $0x4  }
0xe: {  	s22 =	sshll.u32 s13, $0x4;
	s23 =	sshll.u32 s14, $0x4;
	s29 =	sshll.u32 s11, $0x7  }
0xf: {  	s30 =	sshll.u32 s11, $0x4;
	s14 =	sadd.s32 $0x34A80, s17;
	s24 =	simm.s32 $0xF01C00  }
0x10: {  	s6 =	sadd.s32 s26, s2;
	s7 =	sadd.s32 s28, s2;
	s8 =	sadd.s32 s8, s2  }
0x11: {  	s9 =	sadd.s32 $0x10000, s5;
	s11 =	sadd.s32 s29, s2;
	s12 =	sadd.s32 s20, s30  }
0x12: {  	s13 =	sadd.s32 s15, s30;
	s20 =	smov.u32 @p1 s15;
	s15 =	sadd.s32 $0x27080, s15  }
0x13: {  	s16 =	smax.u32 s16, $0x1;
	s24 =	simm.s32 @!p0 $0xA1FC00;
	p0 =	seq.s32 s1, $0xF  }
0x14: {  	s24 =	sadd.s32 s24, s17;
	s17 =	sadd.s32 s20, s18;
	p1 =	sne.s32 @p0 s25, $0x0  }
0x15: {  	s18 =	sadd.s32 s20, s19;
	s19 =	sadd.s32 s20, s22;
	p2 =	por !p1, !p0  }
0x16: {  	s20 =	sadd.s32 s20, s23;
	s23 =	simm.s32 $0x4080;
	s0 =	simm.s32 @!p2 $0x0  }
0x17: {  	s22 =	sadd.s32 s31, s24;
	s24 =	simm.s32 $0x2;
	s0 =	simm.s32 @p2 $0x1  }
0x18: {  	p2 =	por p1, !p0;
	p1 =	sne.s32 @!p0 s25, $0x0;
	s25 =	simm.s32 $0x0  }
0x19: {  	[smem:$0x7FD] =	sst s0;
	p3 =	por !p1, p0;
	p4 =	por p1, p0  }
.LBB2_1:
0x1a: {  	s0 =	rddreg [dreg:$0x4]  }
0x1b: {  	[tilespmem:s23], [sflag:$0x2] =	stream.linear.gather [hbm4b:s0+s3], $0x4000, $0x38;
	[tilespmem:$0x11CC0] =	vst v63  }
0x1c: {  	_ =	swait.ge [sflag:s24], $0x4000  }
0x1d: {  	[sflag:s24] =	ssyncset.done $0x0  }
0x1e: {  	[sflag:s24] =	ssyncadd.s32 $0xFFFFC000  }
0x1f: {  	[spmem:s5] =	stream.linear.scatter [tilespmem:s23], [sflag:$0x2], $0x4000, $0x38;
	[tilespmem:$0x11CC0] =	vst v63  }
0x20: {  	_ =	swait.ge [sflag:s24], $0x4000  }
0x21: {  	[sflag:s24] =	ssyncset.done $0x0  }
0x22: {  	[sflag:s24] =	ssyncadd.s32 $0xFFFFC000  }
0x23: {  	[spmem:s6] =	stream.linear.scatter [tilespmem:s23], [sflag:$0x2], $0x4000, $0x38;
	[tilespmem:$0x11CC0] =	vst v63  }
0x24: {  	_ =	swait.ge [sflag:s24], $0x4000  }
0x25: {  	[sflag:s24] =	ssyncset.done $0x0  }
0x26: {  	[sflag:s24] =	ssyncadd.s32 $0xFFFFC000  }
0x27: {  	[spmem:s7] =	stream.linear.scatter [tilespmem:s23], [sflag:$0x2], $0x4000, $0x38;
	[tilespmem:$0x11CC0] =	vst v63  }
0x28: {  	_ =	swait.ge [sflag:s24], $0x4000  }
0x29: {  	[sflag:s24] =	ssyncset.done $0x0  }
0x2a: {  	[sflag:s24] =	ssyncadd.s32 $0xFFFFC000  }
0x2b: {  	[spmem:s8] =	stream.linear.scatter [tilespmem:s23], [sflag:$0x2], $0x4000, $0x38;
	[tilespmem:$0x11CC0] =	vst v63  }
0x2c: {  	_ =	swait.ge [sflag:s24], $0x4000  }
0x2d: {  	[sflag:s24] =	ssyncset.done $0x0  }
0x2e: {  	s26 =	simm.s32 @p0 $0x4080;
	[sflag:s24] =	ssyncadd.s32 $0xFFFFC000  }
0x2f: {  	[spmem:s10] =	stream.linear.scatter @p0 [tilespmem:s26], [sflag:$0x2], $0x400, $0x38;
	[tilespmem:$0x11CC0] =	vst v63  }
0x30: {  	s26 =	simm.s32 @p0 $0x2  }
0x31: {  	_ =	swait.ge @p0 [sflag:s26], $0x400  }
0x32: {  	[sflag:s26] =	ssyncset.done @p0 $0x0  }
0x33: {  	[sflag:s26] =	ssyncadd.s32 @p0 $0xFFFFFC00;
	s26 =	simm.s32 @!p0 $0x4080  }
0x34: {  	[spmem:s9] =	stream.linear.scatter @!p0 [tilespmem:s26], [sflag:$0x2], $0x3C00, $0x38;
	[tilespmem:$0x11CC0] =	vst v63  }
0x35: {  	s26 =	simm.s32 @!p0 $0x2  }
0x36: {  	_ =	swait.ge @!p0 [sflag:s26], $0x3C00  }
0x37: {  	s28 =	sadd.s32 $0x0, s1;
	[sflag:s26] =	ssyncset.done @!p0 $0x0  }
0x38: {  	p1 =	sgt.u32 s28, $0x9C3;
	[sflag:s26] =	ssyncadd.s32 @!p0 $0xFFFFC400  }
0x39: {  	s28 =	simm.s32 @!p1 $0x3;
	s26 =	simm.s32 @!p1 $0x0;
	[bflag:$0x0] =	sbarrier.arrive $0xFFFF  }
0x3a: {  	[tilespmem:s26], [sflag:$0x3] =	stream.linear.gather @!p1 [hbm4b:s21+s26], $0x80, $0x38;
	[tilespmem:$0x11CC0] =	vst v63  }
0x3b: {  	_ =	swait.ge @!p1 [sflag:s28], $0x80  }
0x3c: {  	p5 =	por p1, p1;
	[sflag:s28] =	ssyncset.done @!p1 $0x0  }
0x3d: {  	s29 =	simm.s32 @!p5 $0x80;
	s30 =	simm.s32 @!p5 $0x1;
	[sflag:s28] =	ssyncadd.s32 @!p5 $0xFFFFFF80  }
0x3e: {  	[tilespmem:s29], [sflag:$0x1] =	stream.linear.gather @!p5 [hbm4b:s22+s26], $0x4000, $0x38;
	[tilespmem:$0x11CC0] =	vst v63  }
0x3f: {  	_ =	swait.ge @!p5 [sflag:s30], $0x4000  }
0x40: {  	[sflag:s30] =	ssyncset.done @!p5 $0x0  }
0x41: {  	s28 =	simm.s32 $0x20;
	[sflag:s30] =	ssyncadd.s32 @!p5 $0xFFFFC000;
	s30 =	simm.s32 @!p5 $0x2  }
0x42: {  	[spmem:s2] =	stream.indirect.scatter.add.f32 @!p5 [tilespmem:s29], [sflag:$0x2], $0x40, s26, s29, $0xb8;
	[tilespmem:$0x11CC0] =	vst v63  }
0x43: {  	s29 =	sadd.s32 $0x10, s1;
	s26 =	sadd.s32 $0x8000, s22;
	_ =	swait.ge @!p5 [sflag:s30], $0x2000  }
0x44: {  	p6 =	sgt.u32 s29, $0x9C3;
	s29 =	sadd.s32 $0x100, s21;
	[sflag:s30] =	ssyncset.done @!p5 $0x0  }
.LBB2_2:
0x45: {  	s31 =	simm.s32 @!p6 $0x0;
	s0 =	simm.s32 @!p6 $0x3;
	[sflag:s30] =	ssyncadd.s32 @!p5 $0xFFFFE000  }
0x46: {  	[tilespmem:s31], [sflag:$0x3] =	stream.linear.gather @!p6 [hbm4b:s29+s31], $0x80, $0x38;
	[tilespmem:$0x11CC0] =	vst v63  }
0x47: {  	s4 =	smov.u32 s28;
	s28 =	sadd.s32 $0x10, s28;
	_ =	swait.ge @!p6 [sflag:s0], $0x80  }
0x48: {  	p5 =	por p6, p6;
	p1 =	sne.s32 s28, $0x9D0;
	[sflag:s0] =	ssyncset.done @!p6 $0x0  }
0x49: {  	s30 =	simm.s32 @!p5 $0x1;
	[sflag:s0] =	ssyncadd.s32 @!p5 $0xFFFFFF80;
	s0 =	simm.s32 @!p5 $0x80  }
0x4a: {  	[tilespmem:s0], [sflag:$0x1] =	stream.linear.gather @!p5 [hbm4b:s26+s31], $0x4000, $0x38;
	[tilespmem:$0x11CC0] =	vst v63  }
0x4b: {  	_ =	swait.ge @!p5 [sflag:s30], $0x4000  }
.Ltmp0:
0x4c: {  	[sflag:s30] =	ssyncset.done @!p5 $0x0;
	(pc) =	sbr.rel @p1 .LBB2_2-.Ltmp0, $4  }
0x4d: {  	[sflag:s30] =	ssyncadd.s32 @!p5 $0xFFFFC000;
	s30 =	simm.s32 @!p5 $0x2  }
0x4e: {  	[spmem:s2] =	stream.indirect.scatter.add.f32 @!p5 [tilespmem:s0], [sflag:$0x2], $0x40, s31, s0, $0xb8;
	[tilespmem:$0x11CC0] =	vst v63  }
0x4f: {  	s26 =	sadd.s32 $0x8000, s26;
	s0 =	sadd.s32 s4, s1;
	_ =	swait.ge @!p5 [sflag:s30], $0x2000  }
0x50: {  	s29 =	sadd.s32 $0x100, s29;
	p6 =	sgt.u32 s0, $0x9C3;
	[sflag:s30] =	ssyncset.done @!p5 $0x0  }
0x51: {  	s0 =	simm.s32 @!p6 $0x0;
	s4 =	simm.s32 @!p6 $0x3;
	[sflag:s30] =	ssyncadd.s32 @!p5 $0xFFFFE000  }
0x52: {  	[tilespmem:s0], [sflag:$0x3] =	stream.linear.gather @!p6 [hbm4b:s29+s0], $0x80, $0x38;
	[tilespmem:$0x11CC0] =	vst v63  }
0x53: {  	_ =	swait.ge @!p6 [sflag:s4], $0x80  }
0x54: {  	p1 =	por p6, p6;
	[sflag:s4] =	ssyncset.done @!p6 $0x0  }
0x55: {  	s28 =	simm.s32 @!p1 $0x1;
	[sflag:s4] =	ssyncadd.s32 @!p1 $0xFFFFFF80;
	s4 =	simm.s32 @!p1 $0x80  }
0x56: {  	[tilespmem:s4], [sflag:$0x1] =	stream.linear.gather @!p1 [hbm4b:s26+s0], $0x4000, $0x38;
	[tilespmem:$0x11CC0] =	vst v63  }
0x57: {  	_ =	swait.ge @!p1 [sflag:s28], $0x4000  }
0x58: {  	[sflag:s28] =	ssyncset.done @!p1 $0x0  }
0x59: {  	s26 =	simm.s32 @!p1 $0x2;
	[sflag:s28] =	ssyncadd.s32 @!p1 $0xFFFFC000  }
0x5a: {  	[spmem:s2] =	stream.indirect.scatter.add.f32 @!p1 [tilespmem:s4], [sflag:$0x2], $0x40, s0, s4, $0xb8;
	[tilespmem:$0x11CC0] =	vst v63  }
0x5b: {  	_ =	swait.ge @!p1 [sflag:s26], $0x2000  }
0x5c: {  	[sflag:s26] =	ssyncset.done @!p1 $0x0  }
0x5d: {  	[sflag:s26] =	ssyncadd.s32 @!p1 $0xFFFFE000  }
0x5e: {  	[bflag:$0x0] =	sbarrier.arrive $0xFFFF  }
0x5f: {  	[tilespmem:s23], [sflag:$0x2] =	stream.linear.gather [spmem:s5], $0x4000, $0x38;
	[tilespmem:$0x11CC0] =	vst v63  }
0x60: {  	_ =	swait.ge [sflag:s24], $0x4000  }
0x61: {  	[sflag:s24] =	ssyncset.done $0x0  }
0x62: {  	[sflag:s24] =	ssyncadd.s32 $0xFFFFC000  }
0x63: {  	[hbm4b:s17+s3] =	stream.linear.scatter [tilespmem:s23], [sflag:$0x2], $0x4000, $0x38;
	[tilespmem:$0x11CC0] =	vst v63  }
0x64: {  	_ =	swait.ge [sflag:s24], $0x4000  }
0x65: {  	[sflag:s24] =	ssyncset.done $0x0  }
0x66: {  	[sflag:s24] =	ssyncadd.s32 $0xFFFFC000  }
0x67: {  	[tilespmem:s23], [sflag:$0x2] =	stream.linear.gather [spmem:s6], $0x4000, $0x38;
	[tilespmem:$0x11CC0] =	vst v63  }
0x68: {  	_ =	swait.ge [sflag:s24], $0x4000  }
0x69: {  	[sflag:s24] =	ssyncset.done $0x0  }
0x6a: {  	[sflag:s24] =	ssyncadd.s32 $0xFFFFC000  }
0x6b: {  	[hbm4b:s18+s3] =	stream.linear.scatter [tilespmem:s23], [sflag:$0x2], $0x4000, $0x38;
	[tilespmem:$0x11CC0] =	vst v63  }
0x6c: {  	_ =	swait.ge [sflag:s24], $0x4000  }
0x6d: {  	[sflag:s24] =	ssyncset.done $0x0  }
0x6e: {  	[sflag:s24] =	ssyncadd.s32 $0xFFFFC000  }
0x6f: {  	[tilespmem:s23], [sflag:$0x2] =	stream.linear.gather [spmem:s7], $0x4000, $0x38;
	[tilespmem:$0x11CC0] =	vst v63  }
0x70: {  	_ =	swait.ge [sflag:s24], $0x4000  }
0x71: {  	[sflag:s24] =	ssyncset.done $0x0  }
0x72: {  	[sflag:s24] =	ssyncadd.s32 $0xFFFFC000  }
0x73: {  	[hbm4b:s19+s3] =	stream.linear.scatter [tilespmem:s23], [sflag:$0x2], $0x4000, $0x38;
	[tilespmem:$0x11CC0] =	vst v63  }
0x74: {  	_ =	swait.ge [sflag:s24], $0x4000  }
0x75: {  	[sflag:s24] =	ssyncset.done $0x0  }
0x76: {  	[sflag:s24] =	ssyncadd.s32 $0xFFFFC000  }
0x77: {  	[tilespmem:s23], [sflag:$0x2] =	stream.linear.gather [spmem:s8], $0x4000, $0x38;
	[tilespmem:$0x11CC0] =	vst v63  }
0x78: {  	_ =	swait.ge [sflag:s24], $0x4000  }
0x79: {  	[sflag:s24] =	ssyncset.done $0x0  }
0x7a: {  	[sflag:s24] =	ssyncadd.s32 $0xFFFFC000  }
0x7b: {  	[hbm4b:s20+s3] =	stream.linear.scatter [tilespmem:s23], [sflag:$0x2], $0x4000, $0x38;
	[tilespmem:$0x11CC0] =	vst v63  }
0x7c: {  	_ =	swait.ge [sflag:s24], $0x4000  }
0x7d: {  	[sflag:s24] =	ssyncset.done $0x0  }
0x7e: {  	s0 =	simm.s32 @p0 $0x4080;
	[sflag:s24] =	ssyncadd.s32 $0xFFFFC000  }
0x7f: {  	[tilespmem:s0], [sflag:$0x2] =	stream.linear.gather @p0 [spmem:s10], $0x400, $0x38;
	[tilespmem:$0x11CC0] =	vst v63  }
0x80: {  	s0 =	simm.s32 @p0 $0x2  }
0x81: {  	_ =	swait.ge @p0 [sflag:s0], $0x400  }
0x82: {  	s31 =	sld [smem:$0x7FD];
	_ =	sdelay $0x2  }
0x83: {  	[sflag:s0] =	ssyncset.done @p0 $0x0;
	p1 =	seq.s32 s31, $0x1  }
0x84: {  	[sflag:s0] =	ssyncadd.s32 @p0 $0xFFFFFC00;
	s0 =	simm.s32 @!p1 $0x0;
	s4 =	simm.s32 @!p1 $0x4080  }
0x85: {  	[hbm4b:s14+s0] =	stream.linear.scatter @!p1 [tilespmem:s4], [sflag:$0x2], $0x400, $0x38;
	[tilespmem:$0x11CC0] =	vst v63  }
0x86: {  	s0 =	simm.s32 @!p1 $0x2  }
0x87: {  	_ =	swait.ge @!p1 [sflag:s0], $0x400  }
0x88: {  	[sflag:s0] =	ssyncset.done @!p1 $0x0  }
0x89: {  	s4 =	simm.s32 @!p2 $0x4080;
	[sflag:s0] =	ssyncadd.s32 @!p1 $0xFFFFFC00;
	s0 =	simm.s32 @!p2 $0x0  }
0x8a: {  	[hbm4b:s15+s0] =	stream.linear.scatter @!p2 [tilespmem:s4], [sflag:$0x2], $0x400, $0x38;
	[tilespmem:$0x11CC0] =	vst v63  }
0x8b: {  	s0 =	simm.s32 @!p2 $0x2  }
0x8c: {  	_ =	swait.ge @!p2 [sflag:s0], $0x400  }
0x8d: {  	[sflag:s0] =	ssyncset.done @!p2 $0x0  }
0x8e: {  	[sflag:s0] =	ssyncadd.s32 @!p2 $0xFFFFFC00;
	s0 =	simm.s32 @!p0 $0x4080  }
0x8f: {  	[tilespmem:s0], [sflag:$0x2] =	stream.linear.gather @!p0 [spmem:s11], $0x3C00, $0x38;
	[tilespmem:$0x11CC0] =	vst v63  }
0x90: {  	s0 =	simm.s32 @!p0 $0x2  }
0x91: {  	_ =	swait.ge @!p0 [sflag:s0], $0x3C00  }
0x92: {  	[sflag:s0] =	ssyncset.done @!p0 $0x0  }
0x93: {  	s4 =	simm.s32 @!p3 $0x4080;
	[sflag:s0] =	ssyncadd.s32 @!p0 $0xFFFFC400;
	s0 =	simm.s32 @!p3 $0x0  }
0x94: {  	[hbm4b:s12+s0] =	stream.linear.scatter @!p3 [tilespmem:s4], [sflag:$0x2], $0x3C00, $0x38;
	[tilespmem:$0x11CC0] =	vst v63  }
0x95: {  	s0 =	simm.s32 @!p3 $0x2  }
0x96: {  	s25 =	sadd.s32 $0x1, s25;
	_ =	swait.ge @!p3 [sflag:s0], $0x3C00  }
0x97: {  	p1 =	sne.s32 s25, s16;
	[sflag:s0] =	ssyncset.done @!p3 $0x0  }
0x98: {  	s4 =	simm.s32 @!p4 $0x4080;
	[sflag:s0] =	ssyncadd.s32 @!p3 $0xFFFFC400;
	s0 =	simm.s32 @!p4 $0x0  }
0x99: {  	[hbm4b:s13+s0] =	stream.linear.scatter @!p4 [tilespmem:s4], [sflag:$0x2], $0x3C00, $0x38;
	[tilespmem:$0x11CC0] =	vst v63  }
.Ltmp1:
0x9a: {  	_ = 	snop;
	(pc) =	sbr.rel @p1 .LBB2_1-.Ltmp1, $4  }
0x9b: {  	s0 =	simm.s32 @!p4 $0x2  }
0x9c: {  	_ =	swait.ge @!p4 [sflag:s0], $0x3C00  }
0x9d: {  	[sflag:s0] =	ssyncset.done @!p4 $0x0  }
0x9e: {  	[sflag:s0] =	ssyncadd.s32 @!p4 $0xFFFFC400  }
0x9f: {  	_ =	sfence.sel $0x180000  }
0xa0: {  	[bflag:$0x0] =	sbarrier.arrive $0xFFFF  }
0xa1: {  	_ =	strace $0x9000004A  }
0xa2: {  	[bflag:$0x2] =	sbarrier.arrive $0xFFFF  }
0xa3: {  	p0 =	sne.s32 s1, $0x0;
	s0 =	rddreg [dreg:$0x3]  }
0xa4: {  	s0 =	sadd.s32 @!p0 $0x100000, s0  }
0xa5: {  	[sflag:s0] =	ssyncadd.tile.s32 @!p0 $0x1;
	_ =	shalt  }
.Lfunc_end2:
_tile_overlayer_lowered:
.L_overlay_start_2:
0xa6: {  	(tag) =	ssettag $0x2  }
0xa7: {  	s0 =	rddreg [dreg:$0x0];
	s2 =	stileid.u32  }
0xa8: {  	s1 =	rddreg [dreg:$0x1];
	p0 =	sne.s32 s2, $0x0  }
0xa9: {  	s3 =	rddreg [dreg:$0x2];
	[bflag:$0x3] =	sbarrier.arrive $0xFFFF;
	s2 =	simm.s32 @!p0 $0x1C02  }
0xaa: {  	[timem:s3], [sflag:s2] =	dma.local @!p0 [hbm:s0], s1  }
0xab: {  	s0 =	simm.s32 @!p0 $0x2  }
0xac: {  	_ =	swait.ge @!p0 [sflag:s0], s1  }
0xad: {  	s1 =	ssub.s32 @!p0 $0x0, s1;
	[sflag:s0] =	ssyncset.done @!p0 $0x0  }
0xae: {  	[sflag:s0] =	ssyncadd.s32 @!p0 s1  }
0xaf: {  	[bflag:$0x3] =	sbarrier.arrive $0xFFFF  }
0xb0: {  	_ =	shalt  }

</sc_bundles>
